<compile_context>
chip_gen: v7x
topology: tpu7x:2x2x1
jax: 0.10.2.dev20260603
libtpu: 0.0.44.dev20260713+nightly
codegen_flags: <defaults>
</compile_context>

<pallas_src>
import functools

import jax
import jax.numpy as jnp
from jax import lax
from jax.experimental import pallas as pl
from jax.experimental.pallas import tpu as pltpu
from jax.experimental.pallas import tpu_sc as plsc

N = 100000
F = 128
G = 1024
SEG_PER_W = 32
C = 128
RB = 10000
NB = N // RB


def _score_body(x_ref, w1_ref, b1_ref, w2_ref, b2_ref, batch_ref,
                o_ref, st_ref, cacc):
    i = pl.program_id(0)

    @pl.when(i == 0)
    def _():
        cacc[...] = jnp.zeros_like(cacc)

    h = jnp.dot(x_ref[...], w1_ref[...], preferred_element_type=jnp.float32)
    h = h + b1_ref[...]
    h = jnp.maximum(h, 0.01 * h)
    s = jax.lax.dot_general(w2_ref[...], h, (((1,), (1,)), ((), ())),
                            preferred_element_type=jnp.float32)
    o_ref[0, 0, :] = s[0, :] + b2_ref[0, 0]

    bi = batch_ref[0, 0, :]
    hi_oh = jnp.equal(
        (bi // 128)[None, :],
        jax.lax.broadcasted_iota(jnp.int32, (8, RB), 0)).astype(jnp.float32)
    lo_oh = jnp.equal(
        (bi % 128)[:, None],
        jax.lax.broadcasted_iota(jnp.int32, (RB, F), 1)).astype(jnp.float32)
    cacc[...] += jnp.dot(hi_oh, lo_oh, preferred_element_type=jnp.float32)

    st_ref[...] = cacc[...].astype(jnp.int32)


def _score(x, W1, b1r, W2r, b2r, batch3d):
    return pl.pallas_call(
        _score_body,
        grid=(NB,),
        in_specs=[
            pl.BlockSpec((RB, F), lambda i: (i, 0)),
            pl.BlockSpec((F, F), lambda i: (0, 0)),
            pl.BlockSpec((1, F), lambda i: (0, 0)),
            pl.BlockSpec((1, F), lambda i: (0, 0)),
            pl.BlockSpec((1, 1), lambda i: (0, 0)),
            pl.BlockSpec((1, 1, RB), lambda i: (i, 0, 0)),
        ],
        out_specs=[
            pl.BlockSpec((1, 1, RB), lambda i: (i, 0, 0)),
            pl.BlockSpec((8, F), lambda i: (0, 0)),
        ],
        out_shape=[
            jax.ShapeDtypeStruct((NB, 1, RB), jnp.float32),
            jax.ShapeDtypeStruct((8, F), jnp.int32),
        ],
        scratch_shapes=[pltpu.VMEM((8, F), jnp.float32)],
    )(x, W1, b1r, W2r, b2r, batch3d)


def _sc_body(x_hbm, score_hbm, starts_hbm,
             maxp_hbm, sump_hbm, va_hbm, cnt_hbm, d_hbm,
             starts_v, xbuf, sbuf, stmax, stsum, stva, stcnt, std,
             semx0, semx1, sems0, sems1):
    wid = lax.axis_index("s") * 2 + lax.axis_index("c")
    seg_lo = wid * SEG_PER_W
    pltpu.sync_copy(starts_hbm.at[pl.ds(seg_lo, 64)], starts_v)

    neg_inf = jnp.full((16,), -jnp.inf, jnp.float32)
    zeros = jnp.zeros((16,), jnp.float32)
    init_acc = ((neg_inf,) * 8, (zeros,) * 8, (zeros,) * 8, neg_inf, zeros)

    sva = starts_v[pl.ds(0, 16)]
    rs = sva[0]
    svb = starts_v[pl.ds(32, 16)]
    re = svb[0]
    rsa = (rs // 8) * 8
    nch = jnp.where(re > rs, (re - rsa + C - 1) // C, 0)

    def start_chunk(c):
        bb = jnp.minimum(rsa + c * C, N - C)

        @pl.when((c & 1) == 0)
        def _():
            pltpu.async_copy(x_hbm.at[pl.ds(bb, C)],
                             xbuf.at[pl.ds(0, C)], semx0)
            pltpu.async_copy(score_hbm.at[pl.ds(bb, C)],
                             sbuf.at[pl.ds(0, C)], sems0)

        @pl.when((c & 1) == 1)
        def _():
            pltpu.async_copy(x_hbm.at[pl.ds(bb, C)],
                             xbuf.at[pl.ds(C, C)], semx1)
            pltpu.async_copy(score_hbm.at[pl.ds(bb, C)],
                             sbuf.at[pl.ds(C, C)], sems1)

    def wait_chunk(c):
        @pl.when((c & 1) == 0)
        def _():
            pltpu.make_async_copy(x_hbm.at[pl.ds(0, C)],
                                  xbuf.at[pl.ds(0, C)], semx0).wait()
            pltpu.make_async_copy(score_hbm.at[pl.ds(0, C)],
                                  sbuf.at[pl.ds(0, C)], sems0).wait()

        @pl.when((c & 1) == 1)
        def _():
            pltpu.make_async_copy(x_hbm.at[pl.ds(0, C)],
                                  xbuf.at[pl.ds(C, C)], semx1).wait()
            pltpu.make_async_copy(score_hbm.at[pl.ds(0, C)],
                                  sbuf.at[pl.ds(C, C)], sems1).wait()

    @pl.when(nch > 0)
    def _():
        start_chunk(jnp.int32(0))

    def row_body(r, acc):
        vmax, vsum, va, m, d = acc
        sv = jnp.full((16,), sbuf[pl.ds(r, 16)][0], jnp.float32)
        mn = jnp.maximum(m, sv)
        eo = jnp.exp(m - mn)
        en = jnp.exp(sv - mn)
        d2 = d * eo + en
        xs = [xbuf[r, pl.ds(16 * k, 16)] for k in range(8)]
        vmax2 = tuple(jnp.maximum(vmax[k], xs[k]) for k in range(8))
        vsum2 = tuple(vsum[k] + xs[k] for k in range(8))
        va2 = tuple(va[k] * eo + xs[k] * en for k in range(8))
        return (vmax2, vsum2, va2, mn, d2)

    def seg_body(s_rel, wdone):
        sv = starts_v[pl.ds(s_rel, 16)]
        s0 = sv[0]
        s1 = sv[1]
        cs0 = (s0 - rsa) // C
        cs1 = (s1 - 1 - rsa) // C
        ncs = jnp.where(s1 > s0, cs1 - cs0 + 1, 0)

        def piece(j, cy):
            acc, wdone = cy
            c = cs0 + j
            need = c >= wdone

            @pl.when(jnp.logical_and(need, c + 1 < nch))
            def _():
                start_chunk(c + 1)

            @pl.when(need)
            def _():
                wait_chunk(c)

            wdone = jnp.where(need, c + 1, wdone)
            base = rsa + c * C
            bb = jnp.minimum(base, N - C)
            off = (c & 1) * C - bb
            pg0 = jnp.maximum(s0, base)
            pg1 = jnp.minimum(s1, base + C)
            a0 = pg0 + off
            a1 = pg1 + off
            rem = (a1 - a0) & 1
            acc = lax.fori_loop(a0, a0 + rem, row_body, acc)

            def row2_body(i, acc):
                r = a0 + rem + 2 * i
                return row_body(r + 1, row_body(r, acc))

            acc = lax.fori_loop(0, (a1 - a0 - rem) // 2, row2_body, acc)
            return (acc, wdone)

        acc, wdone = lax.fori_loop(0, ncs, piece, (init_acc, wdone))
        vmax, vsum, va, m, d = acc
        cv = jnp.full((16,), (s1 - s0).astype(jnp.float32), jnp.float32)
        for k in range(8):
            stmax[pl.ds(s_rel * F + 16 * k, 16)] = vmax[k]
            stsum[pl.ds(s_rel * F + 16 * k, 16)] = vsum[k]
            stva[pl.ds(s_rel * F + 16 * k, 16)] = va[k]
        stcnt[pl.ds(s_rel * 16, 16)] = cv
        std[pl.ds(s_rel * 16, 16)] = d
        return wdone

    lax.fori_loop(0, SEG_PER_W, seg_body, 0)

    pltpu.sync_copy(stmax, maxp_hbm.at[pl.ds(seg_lo * F, SEG_PER_W * F)])
    pltpu.sync_copy(stsum, sump_hbm.at[pl.ds(seg_lo * F, SEG_PER_W * F)])
    pltpu.sync_copy(stva, va_hbm.at[pl.ds(seg_lo * F, SEG_PER_W * F)])
    pltpu.sync_copy(stcnt, cnt_hbm.at[pl.ds(seg_lo * 16, SEG_PER_W * 16)])
    pltpu.sync_copy(std, d_hbm.at[pl.ds(seg_lo * 16, SEG_PER_W * 16)])


def _sc_reduce(x, score, starts):
    mesh = plsc.VectorSubcoreMesh(core_axis_name="c", subcore_axis_name="s")
    f32 = jnp.float32
    fn = functools.partial(
        pl.kernel,
        mesh=mesh,
        out_type=[
            jax.ShapeDtypeStruct((G * F,), f32),
            jax.ShapeDtypeStruct((G * F,), f32),
            jax.ShapeDtypeStruct((G * F,), f32),
            jax.ShapeDtypeStruct((G * 16,), f32),
            jax.ShapeDtypeStruct((G * 16,), f32),
        ],
        scratch_types=[
            pltpu.VMEM((64,), jnp.int32),
            pltpu.VMEM((2 * C, F), f32),
            pltpu.VMEM((2 * C + 16,), f32),
            pltpu.VMEM((SEG_PER_W * F,), f32),
            pltpu.VMEM((SEG_PER_W * F,), f32),
            pltpu.VMEM((SEG_PER_W * F,), f32),
            pltpu.VMEM((SEG_PER_W * 16,), f32),
            pltpu.VMEM((SEG_PER_W * 16,), f32),
            pltpu.SemaphoreType.DMA,
            pltpu.SemaphoreType.DMA,
            pltpu.SemaphoreType.DMA,
            pltpu.SemaphoreType.DMA,
        ],
    )(_sc_body)
    maxp, sump, va, cnt, d = fn(x, score, starts)
    return (maxp, sump, va, cnt.reshape(G, 16), d.reshape(G, 16))


def _comb_body(maxp_ref, sump_ref, va_ref, cnt_ref, d_ref, wfc_ref, bfc_ref,
               o_ref):
    cnt = cnt_ref[...][:, 0:1]
    den = d_ref[...][:, 0:1]
    ok = cnt > 0
    maxp = jnp.where(ok, maxp_ref[...].reshape(G, F), 0.0)
    sump = jnp.where(ok, sump_ref[...].reshape(G, F), 0.0)
    meanp = sump / jnp.maximum(cnt, 1.0)
    attn = jnp.where(ok, va_ref[...].reshape(G, F) / (den + 1e-16), 0.0)
    w = wfc_ref[...]
    out = jnp.dot(maxp, w[0:F], preferred_element_type=jnp.float32)
    out += jnp.dot(meanp, w[F:2 * F], preferred_element_type=jnp.float32)
    out += jnp.dot(sump, w[2 * F:3 * F], preferred_element_type=jnp.float32)
    out += jnp.dot(attn, w[3 * F:4 * F], preferred_element_type=jnp.float32)
    o_ref[...] = (out + bfc_ref[...])[:1000]


def _combine(maxp, sump, va, cnt, d, Wfc, bfcr):
    return pl.pallas_call(
        _comb_body,
        out_shape=jax.ShapeDtypeStruct((1000, F), jnp.float32),
    )(maxp, sump, va, cnt, d, Wfc, bfcr)


def kernel(x, pos, batch, W1, b1, W2, b2, Wfc, bfc):
    del pos
    batch = batch.astype(jnp.int32)
    score2d, st = _score(x, W1, b1.reshape(1, F), W2.reshape(1, F),
                         b2.reshape(1, 1), batch.reshape(NB, 1, RB))
    score = score2d.reshape(N)
    counts = st.reshape(G)
    st_ex = jnp.cumsum(counts) - counts
    starts = jnp.concatenate(
        [st_ex.astype(jnp.int32), jnp.full((64,), N, jnp.int32)])
    maxp, sump, va, cnt, d = _sc_reduce(x, score, starts)
    return _combine(maxp, sump, va, cnt, d, Wfc, bfc.reshape(1, F))

# --- scband reference (transcript-rebuilt; emitter-appended) ---
"""Pipeline reference for scband-global-aggregation-1211180777530 (READ-ONLY COPY).

The authoritative reference and input builder live on the scoring server;
editing this copy changes nothing except your own understanding.
"""

import jax, jax.numpy as jnp
import numpy as np

N = 100000
F = 128
NUM_SEG = 1000

def setup_inputs(seed: int = 0) -> dict:
    key = jax.random.key(seed)
    ks = jax.random.split(key, 8)
    x = jax.random.normal(ks[0], (N, F), dtype=jnp.float32)
    pos = jax.random.normal(ks[1], (N, 3), dtype=jnp.float32)
    batch = jnp.sort(jax.random.randint(ks[2], (N,), 0, NUM_SEG, dtype=jnp.int64))
    W1 = jax.random.normal(ks[3], (F, F), dtype=jnp.float32) * (1.0 / np.sqrt(F))
    b1 = jnp.zeros((F,), dtype=jnp.float32)
    W2 = jax.random.normal(ks[4], (F, 1), dtype=jnp.float32) * (1.0 / np.sqrt(F))
    b2 = jnp.zeros((1,), dtype=jnp.float32)
    Wfc = jax.random.normal(ks[5], (4 * F, F), dtype=jnp.float32) * (1.0 / np.sqrt(4 * F))
    bfc = jnp.zeros((F,), dtype=jnp.float32)
    return {"x": x, "pos": pos, "batch": batch, "W1": W1, "b1": b1, "W2": W2, "b2": b2, "Wfc": Wfc, "bfc": bfc}

def reference(x, pos, batch, W1, b1, W2, b2, Wfc, bfc):
    # combo aggregation: [global_max_pool, global_mean_pool, global_add_pool, GlobalAttention] -> Linear
    num_segments = NUM_SEG
    # max pool (guard empty segments which segment_max fills with -inf)
    maxp = jax.ops.segment_max(x, batch, num_segments=num_segments)
    maxp = jnp.where(jnp.isfinite(maxp), maxp, 0.0)
    # sum pool
    sump = jax.ops.segment_sum(x, batch, num_segments=num_segments)
    # mean pool
    counts = jax.ops.segment_sum(jnp.ones((x.shape[0], 1), dtype=x.dtype), batch, num_segments=num_segments)
    meanp = sump / jnp.maximum(counts, 1.0)
    # GlobalAttention: gate_nn = Linear(F,F) -> LeakyReLU -> Linear(F,1); softmax per segment; weighted sum
    h = jax.nn.leaky_relu(x @ W1 + b1, negative_slope=0.01)
    score = (h @ W2 + b2)[:, 0]  # [N]
    smax = jax.ops.segment_max(score, batch, num_segments=num_segments)
    smax = jnp.where(jnp.isfinite(smax), smax, 0.0)
    ex = jnp.exp(score - smax[batch])
    denom = jax.ops.segment_sum(ex, batch, num_segments=num_segments)
    alpha = ex / (denom[batch] + 1e-16)
    attn = jax.ops.segment_sum(alpha[:, None] * x, batch, num_segments=num_segments)
    cat = jnp.concatenate([maxp, meanp, sump, attn], axis=1)  # [G, 4F]
    return cat @ Wfc + bfc

if __name__ == "__main__":
    import jax
    _d = setup_inputs()
    print(jax.jit(kernel)(*tuple(_d.values())))

</pallas_src>

<mosaic_0001>
#map = affine_map<(d0, d1) -> (0, 0)>
#map1 = affine_map<(d0, d1) -> (0)>
module attributes {stable_mosaic.version = 14 : i64} {
  func.func @_sc_body(%arg0: i32, %arg1: i32, %arg2: memref<100000x128xf32, #tpu.memory_space<hbm>>, %arg3: memref<100000xf32, #tpu.memory_space<hbm>>, %arg4: memref<1088xi32, #tpu.memory_space<hbm>>, %arg5: memref<131072xf32, #tpu.memory_space<hbm>>, %arg6: memref<131072xf32, #tpu.memory_space<hbm>>, %arg7: memref<131072xf32, #tpu.memory_space<hbm>>, %arg8: memref<16384xf32, #tpu.memory_space<hbm>>, %arg9: memref<16384xf32, #tpu.memory_space<hbm>>, %arg10: memref<64xi32, #tpu.memory_space<vmem>>, %arg11: memref<256x128xf32, #tpu.memory_space<vmem>>, %arg12: memref<272xf32, #tpu.memory_space<vmem>>, %arg13: memref<4096xf32, #tpu.memory_space<vmem>>, %arg14: memref<4096xf32, #tpu.memory_space<vmem>>, %arg15: memref<4096xf32, #tpu.memory_space<vmem>>, %arg16: memref<512xf32, #tpu.memory_space<vmem>>, %arg17: memref<512xf32, #tpu.memory_space<vmem>>, %arg18: memref<!tpu.dma_semaphore, #tpu.memory_space<semaphore_mem>>, %arg19: memref<!tpu.dma_semaphore, #tpu.memory_space<semaphore_mem>>, %arg20: memref<!tpu.dma_semaphore, #tpu.memory_space<semaphore_mem>>, %arg21: memref<!tpu.dma_semaphore, #tpu.memory_space<semaphore_mem>>) attributes {dimension_semantics = [#tpu.dimension_semantics<core_parallel>, #tpu.dimension_semantics<subcore_parallel>], iteration_bounds = array<i64: 2, 16>, scalar_prefetch = 0 : i64, scratch_operands = 12 : i64, tpu.core_type = #tpu.core_type<sc_vector_subcore>, window_params = [{transform_indices = #map}, {transform_indices = #map1}, {transform_indices = #map1}, {transform_indices = #map1}, {transform_indices = #map1}, {transform_indices = #map1}, {transform_indices = #map1}, {transform_indices = #map1}]} {
    %mul3A = arith.constant 2 : i32
    %mul3A_0 = arith.muli %arg1, %mul3A : i32
    %add3A = arith.addi %mul3A_0, %arg0 : i32
    %mul3A_1 = arith.constant 32 : i32
    %mul3A_2 = arith.muli %add3A, %mul3A_1 : i32
    "tpu.region"() ({
      %run_scoped3A = tpu.sem_alloc : memref<!tpu.dma_semaphore, #tpu.memory_space<semaphore_mem>>
      %dma_start3A = tpu.memref_slice %arg4[%mul3A_2] : memref<1088xi32, #tpu.memory_space<hbm>> -> memref<64xi32, #tpu.memory_space<hbm>>
      %dma_start3A_81 = tpu.memref_slice %arg4[%mul3A_2] : memref<1088xi32, #tpu.memory_space<hbm>> -> memref<64xi32, #tpu.memory_space<hbm>>
      tpu.enqueue_dma source(%dma_start3A_81 : memref<64xi32, #tpu.memory_space<hbm>>) target(%arg10 : memref<64xi32, #tpu.memory_space<vmem>>) target_semaphore(%run_scoped3A : memref<!tpu.dma_semaphore, #tpu.memory_space<semaphore_mem>>)
      %dma_wait3A = tpu.memref_slice %arg4[%mul3A_2] : memref<1088xi32, #tpu.memory_space<hbm>> -> memref<64xi32, #tpu.memory_space<hbm>>
      %dma_wait3A_82 = tpu.memref_slice %arg4[%mul3A_2] : memref<1088xi32, #tpu.memory_space<hbm>> -> memref<64xi32, #tpu.memory_space<hbm>>
      tpu.wait_dma2 semaphore(%run_scoped3A : memref<!tpu.dma_semaphore, #tpu.memory_space<semaphore_mem>>) src(%dma_wait3A_82 : memref<64xi32, #tpu.memory_space<hbm>>) dst(%arg10 : memref<64xi32, #tpu.memory_space<vmem>>)
      tpu.yield
    }) : () -> ()
    %broadcast_in_dim3A = arith.constant 0xFF800000 : f32
    %broadcast_in_dim3A_3 = vector.broadcast %broadcast_in_dim3A : f32 to vector<16xf32>
    %broadcast_in_dim3A_4 = arith.constant 0.000000e+00 : f32
    %broadcast_in_dim3A_5 = vector.broadcast %broadcast_in_dim3A_4 : f32 to vector<16xf32>
    %get3A = arith.constant 0 : index
    %get3A_6 = tpu.vector_load %arg10[%get3A] {strides = array<i32>} : memref<64xi32, #tpu.memory_space<vmem>>, vector<16xi32>,
    %get3A_7 = vector.shape_cast %get3A_6 : vector<16xi32> to vector<16xi32>
    %slice3A = vector.extract_strided_slice %get3A_7 {offsets = [0], sizes = [1], strides = [1]} : vector<16xi32> to vector<1xi32>
    %squeeze3A = vector.extract %slice3A[0] : i32 from vector<1xi32>
    %get3A_8 = arith.constant 32 : index
    %get3A_9 = tpu.vector_load %arg10[%get3A_8] {strides = array<i32>} : memref<64xi32, #tpu.memory_space<vmem>>, vector<16xi32>,
    %get3A_10 = vector.shape_cast %get3A_9 : vector<16xi32> to vector<16xi32>
    %slice3A_11 = vector.extract_strided_slice %get3A_10 {offsets = [0], sizes = [1], strides = [1]} : vector<16xi32> to vector<1xi32>
    %squeeze3A_12 = vector.extract %slice3A_11[0] : i32 from vector<1xi32>
    %jit3A = arith.constant 8 : i32
    %div3A = arith.divsi %squeeze3A, %jit3A : i32
    %sign3A = arith.constant 0 : i32
    %sign3A_13 = arith.cmpi sgt, %squeeze3A, %sign3A : i32
    %sign3A_14 = arith.extui %sign3A_13 : i1 to i32
    %sign3A_15 = arith.constant 0 : i32
    %sign3A_16 = arith.cmpi slt, %squeeze3A, %sign3A_15 : i32
    %sign3A_17 = arith.extui %sign3A_16 : i1 to i32
    %sign3A_18 = arith.subi %sign3A_14, %sign3A_17 : i32
    %sign3A_19 = arith.constant 0 : i32
    %sign3A_20 = arith.cmpi sgt, %jit3A, %sign3A_19 : i32
    %sign3A_21 = arith.extui %sign3A_20 : i1 to i32
    %sign3A_22 = arith.constant 0 : i32
    %sign3A_23 = arith.cmpi slt, %jit3A, %sign3A_22 : i32
    %sign3A_24 = arith.extui %sign3A_23 : i1 to i32
    %sign3A_25 = arith.subi %sign3A_21, %sign3A_24 : i32
    %ne3A = arith.cmpi ne, %sign3A_18, %sign3A_25 : i32
    %rem3A = arith.remsi %squeeze3A, %jit3A : i32
    %ne3A_26 = arith.constant 0 : i32
    %ne3A_27 = arith.cmpi ne, %rem3A, %ne3A_26 : i32
    %and3A = arith.andi %ne3A, %ne3A_27 : i1
    %sub3A = arith.constant 1 : i32
    %sub3A_28 = arith.subi %div3A, %sub3A : i32
    %select_n3A = arith.select %and3A, %sub3A_28, %div3A : i32
    %mul3A_29 = arith.constant 8 : i32
    %mul3A_30 = arith.muli %select_n3A, %mul3A_29 : i32
    %gt3A = arith.cmpi sgt, %squeeze3A_12, %squeeze3A : i32
    %sub3A_31 = arith.subi %squeeze3A_12, %mul3A_30 : i32
    %add3A_32 = arith.constant 128 : i32
    %add3A_33 = arith.addi %sub3A_31, %add3A_32 : i32
    %sub3A_34 = arith.constant 1 : i32
    %sub3A_35 = arith.subi %add3A_33, %sub3A_34 : i32
    %jit3A_36 = arith.constant 128 : i32
    %div3A_37 = arith.divsi %sub3A_35, %jit3A_36 : i32
    %sign3A_38 = arith.constant 0 : i32
    %sign3A_39 = arith.cmpi sgt, %sub3A_35, %sign3A_38 : i32
    %sign3A_40 = arith.extui %sign3A_39 : i1 to i32
    %sign3A_41 = arith.constant 0 : i32
    %sign3A_42 = arith.cmpi slt, %sub3A_35, %sign3A_41 : i32
    %sign3A_43 = arith.extui %sign3A_42 : i1 to i32
    %sign3A_44 = arith.subi %sign3A_40, %sign3A_43 : i32
    %sign3A_45 = arith.constant 0 : i32
    %sign3A_46 = arith.cmpi sgt, %jit3A_36, %sign3A_45 : i32
    %sign3A_47 = arith.extui %sign3A_46 : i1 to i32
    %sign3A_48 = arith.constant 0 : i32
    %sign3A_49 = arith.cmpi slt, %jit3A_36, %sign3A_48 : i32
    %sign3A_50 = arith.extui %sign3A_49 : i1 to i32
    %sign3A_51 = arith.subi %sign3A_47, %sign3A_50 : i32
    %ne3A_52 = arith.cmpi ne, %sign3A_44, %sign3A_51 : i32
    %rem3A_53 = arith.remsi %sub3A_35, %jit3A_36 : i32
    %ne3A_54 = arith.constant 0 : i32
    %ne3A_55 = arith.cmpi ne, %rem3A_53, %ne3A_54 : i32
    %and3A_56 = arith.andi %ne3A_52, %ne3A_55 : i1
    %sub3A_57 = arith.constant 1 : i32
    %sub3A_58 = arith.subi %div3A_37, %sub3A_57 : i32
    %select_n3A_59 = arith.select %and3A_56, %sub3A_58, %div3A_37 : i32
    %jit3A_60 = arith.constant 0 : i32
    %select_n3A_61 = arith.select %gt3A, %select_n3A_59, %jit3A_60 : i32
    %gt3A_62 = arith.constant 0 : i32
    %gt3A_63 = arith.cmpi sgt, %select_n3A_61, %gt3A_62 : i32
    %convert_element_type3A = arith.extui %gt3A_63 : i1 to i32
    %cond3A = arith.constant 0 : i32
    %cond3A_64 = arith.cmpi ne, %convert_element_type3A, %cond3A : i32
    scf.if %cond3A_64 {
      %mul3A_81 = arith.constant 0 : i32
      %mul3A_82 = arith.constant 128 : i32
      %mul3A_83 = arith.muli %mul3A_81, %mul3A_82 : i32
      %add3A_84 = arith.addi %mul3A_30, %mul3A_83 : i32
      %min3A = arith.constant 99872 : i32
      %min3A_85 = arith.minsi %add3A_84, %min3A : i32
      %and3A_86 = arith.constant 0 : i32
      %and3A_87 = arith.constant 1 : i32
      %and3A_88 = arith.andi %and3A_86, %and3A_87 : i32
      %eq3A = arith.constant 0 : i32
      %eq3A_89 = arith.cmpi eq, %and3A_88, %eq3A : i32
      %convert_element_type3A_90 = arith.extui %eq3A_89 : i1 to i32
      %cond3A_91 = arith.constant 0 : i32
      %cond3A_92 = arith.cmpi ne, %convert_element_type3A_90, %cond3A_91 : i32
      scf.if %cond3A_92 {
        %dma_start3A = arith.constant 0 : i32
        %dma_start3A_101 = arith.constant 0 : i32
        %dma_start3A_102 = tpu.memref_slice %arg11[%dma_start3A, %dma_start3A_101] : memref<256x128xf32, #tpu.memory_space<vmem>> -> memref<128x128xf32, #tpu.memory_space<vmem>>
        %dma_start3A_103 = arith.constant 0 : i32
        %dma_start3A_104 = tpu.memref_slice %arg2[%min3A_85, %dma_start3A_103] : memref<100000x128xf32, #tpu.memory_space<hbm>> -> memref<128x128xf32, #tpu.memory_space<hbm>>
        %dma_start3A_105 = arith.constant 0 : i32
        %dma_start3A_106 = arith.constant 0 : i32
        %dma_start3A_107 = tpu.memref_slice %arg11[%dma_start3A_105, %dma_start3A_106] : memref<256x128xf32, #tpu.memory_space<vmem>> -> memref<128x128xf32, #tpu.memory_space<vmem>>
        %dma_start3A_108 = arith.constant 0 : i32
        %dma_start3A_109 = tpu.memref_slice %arg2[%min3A_85, %dma_start3A_108] : memref<100000x128xf32, #tpu.memory_space<hbm>> -> memref<128x128xf32, #tpu.memory_space<hbm>>
        tpu.enqueue_dma source(%dma_start3A_109 : memref<128x128xf32, #tpu.memory_space<hbm>>) target(%dma_start3A_107 : memref<128x128xf32, #tpu.memory_space<vmem>>) target_semaphore(%arg18 : memref<!tpu.dma_semaphore, #tpu.memory_space<semaphore_mem>>)
        %dma_start3A_110 = arith.constant 0 : i32
        %dma_start3A_111 = tpu.memref_slice %arg12[%dma_start3A_110] : memref<272xf32, #tpu.memory_space<vmem>> -> memref<128xf32, #tpu.memory_space<vmem>>
        %dma_start3A_112 = tpu.memref_slice %arg3[%min3A_85] : memref<100000xf32, #tpu.memory_space<hbm>> -> memref<128xf32, #tpu.memory_space<hbm>>
        %dma_start3A_113 = arith.constant 0 : i32
        %dma_start3A_114 = tpu.memref_slice %arg12[%dma_start3A_113] : memref<272xf32, #tpu.memory_space<vmem>> -> memref<128xf32, #tpu.memory_space<vmem>>
        %dma_start3A_115 = tpu.memref_slice %arg3[%min3A_85] : memref<100000xf32, #tpu.memory_space<hbm>> -> memref<128xf32, #tpu.memory_space<hbm>>
        tpu.enqueue_dma source(%dma_start3A_115 : memref<128xf32, #tpu.memory_space<hbm>>) target(%dma_start3A_114 : memref<128xf32, #tpu.memory_space<vmem>>) target_semaphore(%arg20 : memref<!tpu.dma_semaphore, #tpu.memory_space<semaphore_mem>>)
      } else {
      }
      %and3A_93 = arith.constant 0 : i32
      %and3A_94 = arith.constant 1 : i32
      %and3A_95 = arith.andi %and3A_93, %and3A_94 : i32
      %eq3A_96 = arith.constant 1 : i32
      %eq3A_97 = arith.cmpi eq, %and3A_95, %eq3A_96 : i32
      %convert_element_type3A_98 = arith.extui %eq3A_97 : i1 to i32
      %cond3A_99 = arith.constant 0 : i32
      %cond3A_100 = arith.cmpi ne, %convert_element_type3A_98, %cond3A_99 : i32
      scf.if %cond3A_100 {
        %dma_start3A = arith.constant 128 : i32
        %dma_start3A_101 = arith.constant 0 : i32
        %dma_start3A_102 = tpu.memref_slice %arg11[%dma_start3A, %dma_start3A_101] : memref<256x128xf32, #tpu.memory_space<vmem>> -> memref<128x128xf32, #tpu.memory_space<vmem>>
        %dma_start3A_103 = arith.constant 0 : i32
        %dma_start3A_104 = tpu.memref_slice %arg2[%min3A_85, %dma_start3A_103] : memref<100000x128xf32, #tpu.memory_space<hbm>> -> memref<128x128xf32, #tpu.memory_space<hbm>>
        %dma_start3A_105 = arith.constant 128 : i32
        %dma_start3A_106 = arith.constant 0 : i32
        %dma_start3A_107 = tpu.memref_slice %arg11[%dma_start3A_105, %dma_start3A_106] : memref<256x128xf32, #tpu.memory_space<vmem>> -> memref<128x128xf32, #tpu.memory_space<vmem>>
        %dma_start3A_108 = arith.constant 0 : i32
        %dma_start3A_109 = tpu.memref_slice %arg2[%min3A_85, %dma_start3A_108] : memref<100000x128xf32, #tpu.memory_space<hbm>> -> memref<128x128xf32, #tpu.memory_space<hbm>>
        tpu.enqueue_dma source(%dma_start3A_109 : memref<128x128xf32, #tpu.memory_space<hbm>>) target(%dma_start3A_107 : memref<128x128xf32, #tpu.memory_space<vmem>>) target_semaphore(%arg19 : memref<!tpu.dma_semaphore, #tpu.memory_space<semaphore_mem>>)
        %dma_start3A_110 = arith.constant 128 : i32
        %dma_start3A_111 = tpu.memref_slice %arg12[%dma_start3A_110] : memref<272xf32, #tpu.memory_space<vmem>> -> memref<128xf32, #tpu.memory_space<vmem>>
        %dma_start3A_112 = tpu.memref_slice %arg3[%min3A_85] : memref<100000xf32, #tpu.memory_space<hbm>> -> memref<128xf32, #tpu.memory_space<hbm>>
        %dma_start3A_113 = arith.constant 128 : i32
        %dma_start3A_114 = tpu.memref_slice %arg12[%dma_start3A_113] : memref<272xf32, #tpu.memory_space<vmem>> -> memref<128xf32, #tpu.memory_space<vmem>>
        %dma_start3A_115 = tpu.memref_slice %arg3[%min3A_85] : memref<100000xf32, #tpu.memory_space<hbm>> -> memref<128xf32, #tpu.memory_space<hbm>>
        tpu.enqueue_dma source(%dma_start3A_115 : memref<128xf32, #tpu.memory_space<hbm>>) target(%dma_start3A_114 : memref<128xf32, #tpu.memory_space<vmem>>) target_semaphore(%arg21 : memref<!tpu.dma_semaphore, #tpu.memory_space<semaphore_mem>>)
      } else {
      }
    } else {
    }
    %scan3A = arith.constant 0 : i32
    %scan3A_65 = arith.constant 0 : i32
    %scan3A_66 = arith.constant 32 : i32
    %scan3A_67 = arith.addi %scan3A_65, %scan3A_66 : i32
    %scan3A_68 = arith.constant 1 : i32
    %scan3A_69 = scf.for %scan3A_81 = %scan3A_65 to %scan3A_67 step %scan3A_68 iter_args(%scan3A_82 = %scan3A) -> (i32)  : i32 {
      %get3A_83 = arith.index_cast %scan3A_81 : i32 to index
      %get3A_84 = tpu.vector_load %arg10[%get3A_83] {strides = array<i32>} : memref<64xi32, #tpu.memory_space<vmem>>, vector<16xi32>,
      %get3A_85 = vector.shape_cast %get3A_84 : vector<16xi32> to vector<16xi32>
      %slice3A_86 = vector.extract_strided_slice %get3A_85 {offsets = [0], sizes = [1], strides = [1]} : vector<16xi32> to vector<1xi32>
      %squeeze3A_87 = vector.extract %slice3A_86[0] : i32 from vector<1xi32>
      %slice3A_88 = vector.extract_strided_slice %get3A_85 {offsets = [1], sizes = [1], strides = [1]} : vector<16xi32> to vector<1xi32>
      %squeeze3A_89 = vector.extract %slice3A_88[0] : i32 from vector<1xi32>
      %sub3A_90 = arith.subi %squeeze3A_87, %mul3A_30 : i32
      %jit3A_91 = arith.constant 128 : i32
      %div3A_92 = arith.divsi %sub3A_90, %jit3A_91 : i32
      %sign3A_93 = arith.constant 0 : i32
      %sign3A_94 = arith.cmpi sgt, %sub3A_90, %sign3A_93 : i32
      %sign3A_95 = arith.extui %sign3A_94 : i1 to i32
      %sign3A_96 = arith.constant 0 : i32
      %sign3A_97 = arith.cmpi slt, %sub3A_90, %sign3A_96 : i32
      %sign3A_98 = arith.extui %sign3A_97 : i1 to i32
      %sign3A_99 = arith.subi %sign3A_95, %sign3A_98 : i32
      %sign3A_100 = arith.constant 0 : i32
      %sign3A_101 = arith.cmpi sgt, %jit3A_91, %sign3A_100 : i32
      %sign3A_102 = arith.extui %sign3A_101 : i1 to i32
      %sign3A_103 = arith.constant 0 : i32
      %sign3A_104 = arith.cmpi slt, %jit3A_91, %sign3A_103 : i32
      %sign3A_105 = arith.extui %sign3A_104 : i1 to i32
      %sign3A_106 = arith.subi %sign3A_102, %sign3A_105 : i32
      %ne3A_107 = arith.cmpi ne, %sign3A_99, %sign3A_106 : i32
      %rem3A_108 = arith.remsi %sub3A_90, %jit3A_91 : i32
      %ne3A_109 = arith.constant 0 : i32
      %ne3A_110 = arith.cmpi ne, %rem3A_108, %ne3A_109 : i32
      %and3A_111 = arith.andi %ne3A_107, %ne3A_110 : i1
      %sub3A_112 = arith.constant 1 : i32
      %sub3A_113 = arith.subi %div3A_92, %sub3A_112 : i32
      %select_n3A_114 = arith.select %and3A_111, %sub3A_113, %div3A_92 : i32
      %sub3A_115 = arith.constant 1 : i32
      %sub3A_116 = arith.subi %squeeze3A_89, %sub3A_115 : i32
      %sub3A_117 = arith.subi %sub3A_116, %mul3A_30 : i32
      %jit3A_118 = arith.constant 128 : i32
      %div3A_119 = arith.divsi %sub3A_117, %jit3A_118 : i32
      %sign3A_120 = arith.constant 0 : i32
      %sign3A_121 = arith.cmpi sgt, %sub3A_117, %sign3A_120 : i32
      %sign3A_122 = arith.extui %sign3A_121 : i1 to i32
      %sign3A_123 = arith.constant 0 : i32
      %sign3A_124 = arith.cmpi slt, %sub3A_117, %sign3A_123 : i32
      %sign3A_125 = arith.extui %sign3A_124 : i1 to i32
      %sign3A_126 = arith.subi %sign3A_122, %sign3A_125 : i32
      %sign3A_127 = arith.constant 0 : i32
      %sign3A_128 = arith.cmpi sgt, %jit3A_118, %sign3A_127 : i32
      %sign3A_129 = arith.extui %sign3A_128 : i1 to i32
      %sign3A_130 = arith.constant 0 : i32
      %sign3A_131 = arith.cmpi slt, %jit3A_118, %sign3A_130 : i32
      %sign3A_132 = arith.extui %sign3A_131 : i1 to i32
      %sign3A_133 = arith.subi %sign3A_129, %sign3A_132 : i32
      %ne3A_134 = arith.cmpi ne, %sign3A_126, %sign3A_133 : i32
      %rem3A_135 = arith.remsi %sub3A_117, %jit3A_118 : i32
      %ne3A_136 = arith.constant 0 : i32
      %ne3A_137 = arith.cmpi ne, %rem3A_135, %ne3A_136 : i32
      %and3A_138 = arith.andi %ne3A_134, %ne3A_137 : i1
      %sub3A_139 = arith.constant 1 : i32
      %sub3A_140 = arith.subi %div3A_119, %sub3A_139 : i32
      %select_n3A_141 = arith.select %and3A_138, %sub3A_140, %div3A_119 : i32
      %gt3A_142 = arith.cmpi sgt, %squeeze3A_89, %squeeze3A_87 : i32
      %sub3A_143 = arith.subi %select_n3A_141, %select_n3A_114 : i32
      %add3A_144 = arith.constant 1 : i32
      %add3A_145 = arith.addi %sub3A_143, %add3A_144 : i32
      %jit3A_146 = arith.constant 0 : i32
      %select_n3A_147 = arith.select %gt3A_142, %add3A_145, %jit3A_146 : i32
      %while3A = arith.constant 0 : i32
      %while3A_148 = arith.subi %select_n3A_147, %while3A : i32
      %while3A_149 = arith.addi %while3A, %while3A_148 : i32
      %while3A_150 = arith.constant 1 : i32
      %while3A_151 = arith.divsi %while3A_148, %while3A_150 : i32
      %while3A_152 = arith.muli %while3A_151, %while3A_150 : i32
      %while3A_153 = arith.addi %while3A, %while3A_152 : i32
      %while3A_154 = arith.constant 1 : i32
      %while3A_155:27 = scf.for %while3A_364 = %while3A to %while3A_153 step %while3A_154 iter_args(%while3A_365 = %broadcast_in_dim3A_3, %while3A_366 = %broadcast_in_dim3A_3, %while3A_367 = %broadcast_in_dim3A_3, %while3A_368 = %broadcast_in_dim3A_3, %while3A_369 = %broadcast_in_dim3A_3, %while3A_370 = %broadcast_in_dim3A_3, %while3A_371 = %broadcast_in_dim3A_3, %while3A_372 = %broadcast_in_dim3A_3, %while3A_373 = %broadcast_in_dim3A_5, %while3A_374 = %broadcast_in_dim3A_5, %while3A_375 = %broadcast_in_dim3A_5, %while3A_376 = %broadcast_in_dim3A_5, %while3A_377 = %broadcast_in_dim3A_5, %while3A_378 = %broadcast_in_dim3A_5, %while3A_379 = %broadcast_in_dim3A_5, %while3A_380 = %broadcast_in_dim3A_5, %while3A_381 = %broadcast_in_dim3A_5, %while3A_382 = %broadcast_in_dim3A_5, %while3A_383 = %broadcast_in_dim3A_5, %while3A_384 = %broadcast_in_dim3A_5, %while3A_385 = %broadcast_in_dim3A_5, %while3A_386 = %broadcast_in_dim3A_5, %while3A_387 = %broadcast_in_dim3A_5, %while3A_388 = %broadcast_in_dim3A_5, %while3A_389 = %broadcast_in_dim3A_3, %while3A_390 = %broadcast_in_dim3A_5, %while3A_391 = %scan3A_82) -> (vector<16xf32>, vector<16xf32>, vector<16xf32>, vector<16xf32>, vector<16xf32>, vector<16xf32>, vector<16xf32>, vector<16xf32>, vector<16xf32>, vector<16xf32>, vector<16xf32>, vector<16xf32>, vector<16xf32>, vector<16xf32>, vector<16xf32>, vector<16xf32>, vector<16xf32>, vector<16xf32>, vector<16xf32>, vector<16xf32>, vector<16xf32>, vector<16xf32>, vector<16xf32>, vector<16xf32>, vector<16xf32>, vector<16xf32>, i32)  : i32 {
        %add3A_392 = arith.addi %select_n3A_114, %while3A_364 : i32
        %ge3A = arith.cmpi sge, %add3A_392, %while3A_391 : i32
        %add3A_393 = arith.constant 1 : i32
        %add3A_394 = arith.addi %add3A_392, %add3A_393 : i32
        %lt3A = arith.cmpi slt, %add3A_394, %select_n3A_61 : i32
        %and3A_395 = arith.andi %ge3A, %lt3A : i1
        %convert_element_type3A_396 = arith.extui %and3A_395 : i1 to i32
        %cond3A_397 = arith.constant 0 : i32
        %cond3A_398 = arith.cmpi ne, %convert_element_type3A_396, %cond3A_397 : i32
        scf.if %cond3A_398 {
          %add3A_470 = arith.constant 1 : i32
          %add3A_471 = arith.addi %add3A_392, %add3A_470 : i32
          %mul3A_472 = arith.constant 128 : i32
          %mul3A_473 = arith.muli %add3A_471, %mul3A_472 : i32
          %add3A_474 = arith.addi %mul3A_30, %mul3A_473 : i32
          %min3A_475 = arith.constant 99872 : i32
          %min3A_476 = arith.minsi %add3A_474, %min3A_475 : i32
          %and3A_477 = arith.constant 1 : i32
          %and3A_478 = arith.andi %add3A_471, %and3A_477 : i32
          %eq3A = arith.constant 0 : i32
          %eq3A_479 = arith.cmpi eq, %and3A_478, %eq3A : i32
          %convert_element_type3A_480 = arith.extui %eq3A_479 : i1 to i32
          %cond3A_481 = arith.constant 0 : i32
          %cond3A_482 = arith.cmpi ne, %convert_element_type3A_480, %cond3A_481 : i32
          scf.if %cond3A_482 {
            %dma_start3A = arith.constant 0 : i32
            %dma_start3A_490 = arith.constant 0 : i32
            %dma_start3A_491 = tpu.memref_slice %arg11[%dma_start3A, %dma_start3A_490] : memref<256x128xf32, #tpu.memory_space<vmem>> -> memref<128x128xf32, #tpu.memory_space<vmem>>
            %dma_start3A_492 = arith.constant 0 : i32
            %dma_start3A_493 = tpu.memref_slice %arg2[%min3A_476, %dma_start3A_492] : memref<100000x128xf32, #tpu.memory_space<hbm>> -> memref<128x128xf32, #tpu.memory_space<hbm>>
            %dma_start3A_494 = arith.constant 0 : i32
            %dma_start3A_495 = arith.constant 0 : i32
            %dma_start3A_496 = tpu.memref_slice %arg11[%dma_start3A_494, %dma_start3A_495] : memref<256x128xf32, #tpu.memory_space<vmem>> -> memref<128x128xf32, #tpu.memory_space<vmem>>
            %dma_start3A_497 = arith.constant 0 : i32
            %dma_start3A_498 = tpu.memref_slice %arg2[%min3A_476, %dma_start3A_497] : memref<100000x128xf32, #tpu.memory_space<hbm>> -> memref<128x128xf32, #tpu.memory_space<hbm>>
            tpu.enqueue_dma source(%dma_start3A_498 : memref<128x128xf32, #tpu.memory_space<hbm>>) target(%dma_start3A_496 : memref<128x128xf32, #tpu.memory_space<vmem>>) target_semaphore(%arg18 : memref<!tpu.dma_semaphore, #tpu.memory_space<semaphore_mem>>)
            %dma_start3A_499 = arith.constant 0 : i32
            %dma_start3A_500 = tpu.memref_slice %arg12[%dma_start3A_499] : memref<272xf32, #tpu.memory_space<vmem>> -> memref<128xf32, #tpu.memory_space<vmem>>
            %dma_start3A_501 = tpu.memref_slice %arg3[%min3A_476] : memref<100000xf32, #tpu.memory_space<hbm>> -> memref<128xf32, #tpu.memory_space<hbm>>
            %dma_start3A_502 = arith.constant 0 : i32
            %dma_start3A_503 = tpu.memref_slice %arg12[%dma_start3A_502] : memref<272xf32, #tpu.memory_space<vmem>> -> memref<128xf32, #tpu.memory_space<vmem>>
            %dma_start3A_504 = tpu.memref_slice %arg3[%min3A_476] : memref<100000xf32, #tpu.memory_space<hbm>> -> memref<128xf32, #tpu.memory_space<hbm>>
            tpu.enqueue_dma source(%dma_start3A_504 : memref<128xf32, #tpu.memory_space<hbm>>) target(%dma_start3A_503 : memref<128xf32, #tpu.memory_space<vmem>>) target_semaphore(%arg20 : memref<!tpu.dma_semaphore, #tpu.memory_space<semaphore_mem>>)
          } else {
          }
          %and3A_483 = arith.constant 1 : i32
          %and3A_484 = arith.andi %add3A_471, %and3A_483 : i32
          %eq3A_485 = arith.constant 1 : i32
          %eq3A_486 = arith.cmpi eq, %and3A_484, %eq3A_485 : i32
          %convert_element_type3A_487 = arith.extui %eq3A_486 : i1 to i32
          %cond3A_488 = arith.constant 0 : i32
          %cond3A_489 = arith.cmpi ne, %convert_element_type3A_487, %cond3A_488 : i32
          scf.if %cond3A_489 {
            %dma_start3A = arith.constant 128 : i32
            %dma_start3A_490 = arith.constant 0 : i32
            %dma_start3A_491 = tpu.memref_slice %arg11[%dma_start3A, %dma_start3A_490] : memref<256x128xf32, #tpu.memory_space<vmem>> -> memref<128x128xf32, #tpu.memory_space<vmem>>
            %dma_start3A_492 = arith.constant 0 : i32
            %dma_start3A_493 = tpu.memref_slice %arg2[%min3A_476, %dma_start3A_492] : memref<100000x128xf32, #tpu.memory_space<hbm>> -> memref<128x128xf32, #tpu.memory_space<hbm>>
            %dma_start3A_494 = arith.constant 128 : i32
            %dma_start3A_495 = arith.constant 0 : i32
            %dma_start3A_496 = tpu.memref_slice %arg11[%dma_start3A_494, %dma_start3A_495] : memref<256x128xf32, #tpu.memory_space<vmem>> -> memref<128x128xf32, #tpu.memory_space<vmem>>
            %dma_start3A_497 = arith.constant 0 : i32
            %dma_start3A_498 = tpu.memref_slice %arg2[%min3A_476, %dma_start3A_497] : memref<100000x128xf32, #tpu.memory_space<hbm>> -> memref<128x128xf32, #tpu.memory_space<hbm>>
            tpu.enqueue_dma source(%dma_start3A_498 : memref<128x128xf32, #tpu.memory_space<hbm>>) target(%dma_start3A_496 : memref<128x128xf32, #tpu.memory_space<vmem>>) target_semaphore(%arg19 : memref<!tpu.dma_semaphore, #tpu.memory_space<semaphore_mem>>)
            %dma_start3A_499 = arith.constant 128 : i32
            %dma_start3A_500 = tpu.memref_slice %arg12[%dma_start3A_499] : memref<272xf32, #tpu.memory_space<vmem>> -> memref<128xf32, #tpu.memory_space<vmem>>
            %dma_start3A_501 = tpu.memref_slice %arg3[%min3A_476] : memref<100000xf32, #tpu.memory_space<hbm>> -> memref<128xf32, #tpu.memory_space<hbm>>
            %dma_start3A_502 = arith.constant 128 : i32
            %dma_start3A_503 = tpu.memref_slice %arg12[%dma_start3A_502] : memref<272xf32, #tpu.memory_space<vmem>> -> memref<128xf32, #tpu.memory_space<vmem>>
            %dma_start3A_504 = tpu.memref_slice %arg3[%min3A_476] : memref<100000xf32, #tpu.memory_space<hbm>> -> memref<128xf32, #tpu.memory_space<hbm>>
            tpu.enqueue_dma source(%dma_start3A_504 : memref<128xf32, #tpu.memory_space<hbm>>) target(%dma_start3A_503 : memref<128xf32, #tpu.memory_space<vmem>>) target_semaphore(%arg21 : memref<!tpu.dma_semaphore, #tpu.memory_space<semaphore_mem>>)
          } else {
          }
        } else {
        }
        %convert_element_type3A_399 = arith.extui %ge3A : i1 to i32
        %cond3A_400 = arith.constant 0 : i32
        %cond3A_401 = arith.cmpi ne, %convert_element_type3A_399, %cond3A_400 : i32
        scf.if %cond3A_401 {
          %and3A_470 = arith.constant 1 : i32
          %and3A_471 = arith.andi %add3A_392, %and3A_470 : i32
          %eq3A = arith.constant 0 : i32
          %eq3A_472 = arith.cmpi eq, %and3A_471, %eq3A : i32
          %convert_element_type3A_473 = arith.extui %eq3A_472 : i1 to i32
          %cond3A_474 = arith.constant 0 : i32
          %cond3A_475 = arith.cmpi ne, %convert_element_type3A_473, %cond3A_474 : i32
          scf.if %cond3A_475 {
            %dma_wait3A = arith.constant 0 : i32
            %dma_wait3A_483 = arith.constant 0 : i32
            %dma_wait3A_484 = tpu.memref_slice %arg11[%dma_wait3A, %dma_wait3A_483] : memref<256x128xf32, #tpu.memory_space<vmem>> -> memref<128x128xf32, #tpu.memory_space<vmem>>
            %dma_wait3A_485 = arith.constant 0 : i32
            %dma_wait3A_486 = arith.constant 0 : i32
            %dma_wait3A_487 = tpu.memref_slice %arg2[%dma_wait3A_485, %dma_wait3A_486] : memref<100000x128xf32, #tpu.memory_space<hbm>> -> memref<128x128xf32, #tpu.memory_space<hbm>>
            %dma_wait3A_488 = arith.constant 0 : i32
            %dma_wait3A_489 = arith.constant 0 : i32
            %dma_wait3A_490 = tpu.memref_slice %arg11[%dma_wait3A_488, %dma_wait3A_489] : memref<256x128xf32, #tpu.memory_space<vmem>> -> memref<128x128xf32, #tpu.memory_space<vmem>>
            %dma_wait3A_491 = arith.constant 0 : i32
            %dma_wait3A_492 = arith.constant 0 : i32
            %dma_wait3A_493 = tpu.memref_slice %arg2[%dma_wait3A_491, %dma_wait3A_492] : memref<100000x128xf32, #tpu.memory_space<hbm>> -> memref<128x128xf32, #tpu.memory_space<hbm>>
            tpu.wait_dma2 semaphore(%arg18 : memref<!tpu.dma_semaphore, #tpu.memory_space<semaphore_mem>>) src(%dma_wait3A_493 : memref<128x128xf32, #tpu.memory_space<hbm>>) dst(%dma_wait3A_490 : memref<128x128xf32, #tpu.memory_space<vmem>>)
            %dma_wait3A_494 = arith.constant 0 : i32
            %dma_wait3A_495 = tpu.memref_slice %arg12[%dma_wait3A_494] : memref<272xf32, #tpu.memory_space<vmem>> -> memref<128xf32, #tpu.memory_space<vmem>>
            %dma_wait3A_496 = arith.constant 0 : i32
            %dma_wait3A_497 = tpu.memref_slice %arg3[%dma_wait3A_496] : memref<100000xf32, #tpu.memory_space<hbm>> -> memref<128xf32, #tpu.memory_space<hbm>>
            %dma_wait3A_498 = arith.constant 0 : i32
            %dma_wait3A_499 = tpu.memref_slice %arg12[%dma_wait3A_498] : memref<272xf32, #tpu.memory_space<vmem>> -> memref<128xf32, #tpu.memory_space<vmem>>
            %dma_wait3A_500 = arith.constant 0 : i32
            %dma_wait3A_501 = tpu.memref_slice %arg3[%dma_wait3A_500] : memref<100000xf32, #tpu.memory_space<hbm>> -> memref<128xf32, #tpu.memory_space<hbm>>
            tpu.wait_dma2 semaphore(%arg20 : memref<!tpu.dma_semaphore, #tpu.memory_space<semaphore_mem>>) src(%dma_wait3A_501 : memref<128xf32, #tpu.memory_space<hbm>>) dst(%dma_wait3A_499 : memref<128xf32, #tpu.memory_space<vmem>>)
          } else {
          }
          %and3A_476 = arith.constant 1 : i32
          %and3A_477 = arith.andi %add3A_392, %and3A_476 : i32
          %eq3A_478 = arith.constant 1 : i32
          %eq3A_479 = arith.cmpi eq, %and3A_477, %eq3A_478 : i32
          %convert_element_type3A_480 = arith.extui %eq3A_479 : i1 to i32
          %cond3A_481 = arith.constant 0 : i32
          %cond3A_482 = arith.cmpi ne, %convert_element_type3A_480, %cond3A_481 : i32
          scf.if %cond3A_482 {
            %dma_wait3A = arith.constant 128 : i32
            %dma_wait3A_483 = arith.constant 0 : i32
            %dma_wait3A_484 = tpu.memref_slice %arg11[%dma_wait3A, %dma_wait3A_483] : memref<256x128xf32, #tpu.memory_space<vmem>> -> memref<128x128xf32, #tpu.memory_space<vmem>>
            %dma_wait3A_485 = arith.constant 0 : i32
            %dma_wait3A_486 = arith.constant 0 : i32
            %dma_wait3A_487 = tpu.memref_slice %arg2[%dma_wait3A_485, %dma_wait3A_486] : memref<100000x128xf32, #tpu.memory_space<hbm>> -> memref<128x128xf32, #tpu.memory_space<hbm>>
            %dma_wait3A_488 = arith.constant 128 : i32
            %dma_wait3A_489 = arith.constant 0 : i32
            %dma_wait3A_490 = tpu.memref_slice %arg11[%dma_wait3A_488, %dma_wait3A_489] : memref<256x128xf32, #tpu.memory_space<vmem>> -> memref<128x128xf32, #tpu.memory_space<vmem>>
            %dma_wait3A_491 = arith.constant 0 : i32
            %dma_wait3A_492 = arith.constant 0 : i32
            %dma_wait3A_493 = tpu.memref_slice %arg2[%dma_wait3A_491, %dma_wait3A_492] : memref<100000x128xf32, #tpu.memory_space<hbm>> -> memref<128x128xf32, #tpu.memory_space<hbm>>
            tpu.wait_dma2 semaphore(%arg19 : memref<!tpu.dma_semaphore, #tpu.memory_space<semaphore_mem>>) src(%dma_wait3A_493 : memref<128x128xf32, #tpu.memory_space<hbm>>) dst(%dma_wait3A_490 : memref<128x128xf32, #tpu.memory_space<vmem>>)
            %dma_wait3A_494 = arith.constant 128 : i32
            %dma_wait3A_495 = tpu.memref_slice %arg12[%dma_wait3A_494] : memref<272xf32, #tpu.memory_space<vmem>> -> memref<128xf32, #tpu.memory_space<vmem>>
            %dma_wait3A_496 = arith.constant 0 : i32
            %dma_wait3A_497 = tpu.memref_slice %arg3[%dma_wait3A_496] : memref<100000xf32, #tpu.memory_space<hbm>> -> memref<128xf32, #tpu.memory_space<hbm>>
            %dma_wait3A_498 = arith.constant 128 : i32
            %dma_wait3A_499 = tpu.memref_slice %arg12[%dma_wait3A_498] : memref<272xf32, #tpu.memory_space<vmem>> -> memref<128xf32, #tpu.memory_space<vmem>>
            %dma_wait3A_500 = arith.constant 0 : i32
            %dma_wait3A_501 = tpu.memref_slice %arg3[%dma_wait3A_500] : memref<100000xf32, #tpu.memory_space<hbm>> -> memref<128xf32, #tpu.memory_space<hbm>>
            tpu.wait_dma2 semaphore(%arg21 : memref<!tpu.dma_semaphore, #tpu.memory_space<semaphore_mem>>) src(%dma_wait3A_501 : memref<128xf32, #tpu.memory_space<hbm>>) dst(%dma_wait3A_499 : memref<128xf32, #tpu.memory_space<vmem>>)
          } else {
          }
        } else {
        }
        %add3A_402 = arith.constant 1 : i32
        %add3A_403 = arith.addi %add3A_392, %add3A_402 : i32
        %select_n3A_404 = arith.select %ge3A, %add3A_403, %while3A_391 : i32
        %mul3A_405 = arith.constant 128 : i32
        %mul3A_406 = arith.muli %add3A_392, %mul3A_405 : i32
        %add3A_407 = arith.addi %mul3A_30, %mul3A_406 : i32
        %min3A = arith.constant 99872 : i32
        %min3A_408 = arith.minsi %add3A_407, %min3A : i32
        %and3A_409 = arith.constant 1 : i32
        %and3A_410 = arith.andi %add3A_392, %and3A_409 : i32
        %mul3A_411 = arith.constant 128 : i32
        %mul3A_412 = arith.muli %and3A_410, %mul3A_411 : i32
        %sub3A_413 = arith.subi %mul3A_412, %min3A_408 : i32
        %max3A = arith.maxsi %squeeze3A_87, %add3A_407 : i32
        %add3A_414 = arith.constant 128 : i32
        %add3A_415 = arith.addi %add3A_407, %add3A_414 : i32
        %min3A_416 = arith.minsi %squeeze3A_89, %add3A_415 : i32
        %add3A_417 = arith.addi %max3A, %sub3A_413 : i32
        %add3A_418 = arith.addi %min3A_416, %sub3A_413 : i32
        %sub3A_419 = arith.subi %add3A_418, %add3A_417 : i32
        %and3A_420 = arith.constant 1 : i32
        %and3A_421 = arith.andi %sub3A_419, %and3A_420 : i32
        %add3A_422 = arith.addi %add3A_417, %and3A_421 : i32
        %while3A_423 = arith.subi %add3A_422, %add3A_417 : i32
        %while3A_424 = arith.addi %add3A_417, %while3A_423 : i32
        %while3A_425 = arith.constant 1 : i32
        %while3A_426 = arith.divsi %while3A_423, %while3A_425 : i32
        %while3A_427 = arith.muli %while3A_426, %while3A_425 : i32
        %while3A_428 = arith.addi %add3A_417, %while3A_427 : i32
        %while3A_429 = arith.constant 1 : i32
        %while3A_430:26 = scf.for %while3A_470 = %add3A_417 to %while3A_428 step %while3A_429 iter_args(%while3A_471 = %while3A_365, %while3A_472 = %while3A_366, %while3A_473 = %while3A_367, %while3A_474 = %while3A_368, %while3A_475 = %while3A_369, %while3A_476 = %while3A_370, %while3A_477 = %while3A_371, %while3A_478 = %while3A_372, %while3A_479 = %while3A_373, %while3A_480 = %while3A_374, %while3A_481 = %while3A_375, %while3A_482 = %while3A_376, %while3A_483 = %while3A_377, %while3A_484 = %while3A_378, %while3A_485 = %while3A_379, %while3A_486 = %while3A_380, %while3A_487 = %while3A_381, %while3A_488 = %while3A_382, %while3A_489 = %while3A_383, %while3A_490 = %while3A_384, %while3A_491 = %while3A_385, %while3A_492 = %while3A_386, %while3A_493 = %while3A_387, %while3A_494 = %while3A_388, %while3A_495 = %while3A_389, %while3A_496 = %while3A_390) -> (vector<16xf32>, vector<16xf32>, vector<16xf32>, vector<16xf32>, vector<16xf32>, vector<16xf32>, vector<16xf32>, vector<16xf32>, vector<16xf32>, vector<16xf32>, vector<16xf32>, vector<16xf32>, vector<16xf32>, vector<16xf32>, vector<16xf32>, vector<16xf32>, vector<16xf32>, vector<16xf32>, vector<16xf32>, vector<16xf32>, vector<16xf32>, vector<16xf32>, vector<16xf32>, vector<16xf32>, vector<16xf32>, vector<16xf32>)  : i32 {
          %get3A_497 = arith.index_cast %while3A_470 : i32 to index
          %get3A_498 = tpu.vector_load %arg12[%get3A_497] {strides = array<i32>} : memref<272xf32, #tpu.memory_space<vmem>>, vector<16xf32>,
          %get3A_499 = vector.shape_cast %get3A_498 : vector<16xf32> to vector<16xf32>
          %slice3A_500 = vector.extract_strided_slice %get3A_499 {offsets = [0], sizes = [1], strides = [1]} : vector<16xf32> to vector<1xf32>
          %squeeze3A_501 = vector.extract %slice3A_500[0] : f32 from vector<1xf32>
          %broadcast_in_dim3A_502 = vector.broadcast %squeeze3A_501 : f32 to vector<16xf32>
          %max3A_503 = arith.maximumf %while3A_495, %broadcast_in_dim3A_502 : vector<16xf32>
          %sub3A_504 = arith.subf %while3A_495, %max3A_503 : vector<16xf32>
          %exp3A = math.exp %sub3A_504 : vector<16xf32>
          %sub3A_505 = arith.subf %broadcast_in_dim3A_502, %max3A_503 : vector<16xf32>
          %exp3A_506 = math.exp %sub3A_505 : vector<16xf32>
          %mul3A_507 = arith.mulf %while3A_496, %exp3A : vector<16xf32>
          %add3A_508 = arith.addf %mul3A_507, %exp3A_506 : vector<16xf32>
          %get3A_509 = arith.index_cast %while3A_470 : i32 to index
          %get3A_510 = arith.constant 0 : index
          %get3A_511 = tpu.vector_load %arg11[%get3A_509, %get3A_510] {strides = array<i32>} : memref<256x128xf32, #tpu.memory_space<vmem>>, vector<1x16xf32>,
          %get3A_512 = vector.shape_cast %get3A_511 : vector<1x16xf32> to vector<16xf32>
          %get3A_513 = arith.index_cast %while3A_470 : i32 to index
          %get3A_514 = arith.constant 16 : index
          %get3A_515 = tpu.vector_load %arg11[%get3A_513, %get3A_514] {strides = array<i32>} : memref<256x128xf32, #tpu.memory_space<vmem>>, vector<1x16xf32>,
          %get3A_516 = vector.shape_cast %get3A_515 : vector<1x16xf32> to vector<16xf32>
          %get3A_517 = arith.index_cast %while3A_470 : i32 to index
          %get3A_518 = arith.constant 32 : index
          %get3A_519 = tpu.vector_load %arg11[%get3A_517, %get3A_518] {strides = array<i32>} : memref<256x128xf32, #tpu.memory_space<vmem>>, vector<1x16xf32>,
          %get3A_520 = vector.shape_cast %get3A_519 : vector<1x16xf32> to vector<16xf32>
          %get3A_521 = arith.index_cast %while3A_470 : i32 to index
          %get3A_522 = arith.constant 48 : index
          %get3A_523 = tpu.vector_load %arg11[%get3A_521, %get3A_522] {strides = array<i32>} : memref<256x128xf32, #tpu.memory_space<vmem>>, vector<1x16xf32>,
          %get3A_524 = vector.shape_cast %get3A_523 : vector<1x16xf32> to vector<16xf32>
          %get3A_525 = arith.index_cast %while3A_470 : i32 to index
          %get3A_526 = arith.constant 64 : index
          %get3A_527 = tpu.vector_load %arg11[%get3A_525, %get3A_526] {strides = array<i32>} : memref<256x128xf32, #tpu.memory_space<vmem>>, vector<1x16xf32>,
          %get3A_528 = vector.shape_cast %get3A_527 : vector<1x16xf32> to vector<16xf32>
          %get3A_529 = arith.index_cast %while3A_470 : i32 to index
          %get3A_530 = arith.constant 80 : index
          %get3A_531 = tpu.vector_load %arg11[%get3A_529, %get3A_530] {strides = array<i32>} : memref<256x128xf32, #tpu.memory_space<vmem>>, vector<1x16xf32>,
          %get3A_532 = vector.shape_cast %get3A_531 : vector<1x16xf32> to vector<16xf32>
          %get3A_533 = arith.index_cast %while3A_470 : i32 to index
          %get3A_534 = arith.constant 96 : index
          %get3A_535 = tpu.vector_load %arg11[%get3A_533, %get3A_534] {strides = array<i32>} : memref<256x128xf32, #tpu.memory_space<vmem>>, vector<1x16xf32>,
          %get3A_536 = vector.shape_cast %get3A_535 : vector<1x16xf32> to vector<16xf32>
          %get3A_537 = arith.index_cast %while3A_470 : i32 to index
          %get3A_538 = arith.constant 112 : index
          %get3A_539 = tpu.vector_load %arg11[%get3A_537, %get3A_538] {strides = array<i32>} : memref<256x128xf32, #tpu.memory_space<vmem>>, vector<1x16xf32>,
          %get3A_540 = vector.shape_cast %get3A_539 : vector<1x16xf32> to vector<16xf32>
          %max3A_541 = arith.maximumf %while3A_471, %get3A_512 : vector<16xf32>
          %max3A_542 = arith.maximumf %while3A_472, %get3A_516 : vector<16xf32>
          %max3A_543 = arith.maximumf %while3A_473, %get3A_520 : vector<16xf32>
          %max3A_544 = arith.maximumf %while3A_474, %get3A_524 : vector<16xf32>
          %max3A_545 = arith.maximumf %while3A_475, %get3A_528 : vector<16xf32>
          %max3A_546 = arith.maximumf %while3A_476, %get3A_532 : vector<16xf32>
          %max3A_547 = arith.maximumf %while3A_477, %get3A_536 : vector<16xf32>
          %max3A_548 = arith.maximumf %while3A_478, %get3A_540 : vector<16xf32>
          %add3A_549 = arith.addf %while3A_479, %get3A_512 : vector<16xf32>
          %add3A_550 = arith.addf %while3A_480, %get3A_516 : vector<16xf32>
          %add3A_551 = arith.addf %while3A_481, %get3A_520 : vector<16xf32>
          %add3A_552 = arith.addf %while3A_482, %get3A_524 : vector<16xf32>
          %add3A_553 = arith.addf %while3A_483, %get3A_528 : vector<16xf32>
          %add3A_554 = arith.addf %while3A_484, %get3A_532 : vector<16xf32>
          %add3A_555 = arith.addf %while3A_485, %get3A_536 : vector<16xf32>
          %add3A_556 = arith.addf %while3A_486, %get3A_540 : vector<16xf32>
          %mul3A_557 = arith.mulf %while3A_487, %exp3A : vector<16xf32>
          %mul3A_558 = arith.mulf %get3A_512, %exp3A_506 : vector<16xf32>
          %add3A_559 = arith.addf %mul3A_557, %mul3A_558 : vector<16xf32>
          %mul3A_560 = arith.mulf %while3A_488, %exp3A : vector<16xf32>
          %mul3A_561 = arith.mulf %get3A_516, %exp3A_506 : vector<16xf32>
          %add3A_562 = arith.addf %mul3A_560, %mul3A_561 : vector<16xf32>
          %mul3A_563 = arith.mulf %while3A_489, %exp3A : vector<16xf32>
          %mul3A_564 = arith.mulf %get3A_520, %exp3A_506 : vector<16xf32>
          %add3A_565 = arith.addf %mul3A_563, %mul3A_564 : vector<16xf32>
          %mul3A_566 = arith.mulf %while3A_490, %exp3A : vector<16xf32>
          %mul3A_567 = arith.mulf %get3A_524, %exp3A_506 : vector<16xf32>
          %add3A_568 = arith.addf %mul3A_566, %mul3A_567 : vector<16xf32>
          %mul3A_569 = arith.mulf %while3A_491, %exp3A : vector<16xf32>
          %mul3A_570 = arith.mulf %get3A_528, %exp3A_506 : vector<16xf32>
          %add3A_571 = arith.addf %mul3A_569, %mul3A_570 : vector<16xf32>
          %mul3A_572 = arith.mulf %while3A_492, %exp3A : vector<16xf32>
          %mul3A_573 = arith.mulf %get3A_532, %exp3A_506 : vector<16xf32>
          %add3A_574 = arith.addf %mul3A_572, %mul3A_573 : vector<16xf32>
          %mul3A_575 = arith.mulf %while3A_493, %exp3A : vector<16xf32>
          %mul3A_576 = arith.mulf %get3A_536, %exp3A_506 : vector<16xf32>
          %add3A_577 = arith.addf %mul3A_575, %mul3A_576 : vector<16xf32>
          %mul3A_578 = arith.mulf %while3A_494, %exp3A : vector<16xf32>
          %mul3A_579 = arith.mulf %get3A_540, %exp3A_506 : vector<16xf32>
          %add3A_580 = arith.addf %mul3A_578, %mul3A_579 : vector<16xf32>
          scf.yield %max3A_541, %max3A_542, %max3A_543, %max3A_544, %max3A_545, %max3A_546, %max3A_547, %max3A_548, %add3A_549, %add3A_550, %add3A_551, %add3A_552, %add3A_553, %add3A_554, %add3A_555, %add3A_556, %add3A_559, %add3A_562, %add3A_565, %add3A_568, %add3A_571, %add3A_574, %add3A_577, %add3A_580, %max3A_503, %add3A_508 : vector<16xf32>, vector<16xf32>, vector<16xf32>, vector<16xf32>, vector<16xf32>, vector<16xf32>, vector<16xf32>, vector<16xf32>, vector<16xf32>, vector<16xf32>, vector<16xf32>, vector<16xf32>, vector<16xf32>, vector<16xf32>, vector<16xf32>, vector<16xf32>, vector<16xf32>, vector<16xf32>, vector<16xf32>, vector<16xf32>, vector<16xf32>, vector<16xf32>, vector<16xf32>, vector<16xf32>, vector<16xf32>, vector<16xf32>
        }
        %while3A_431 = arith.constant 1 : i32
        %while3A_432:26 = scf.for %while3A_470 = %while3A_428 to %while3A_424 step %while3A_431 iter_args(%while3A_471 = %while3A_430#0, %while3A_472 = %while3A_430#1, %while3A_473 = %while3A_430#2, %while3A_474 = %while3A_430#3, %while3A_475 = %while3A_430#4, %while3A_476 = %while3A_430#5, %while3A_477 = %while3A_430#6, %while3A_478 = %while3A_430#7, %while3A_479 = %while3A_430#8, %while3A_480 = %while3A_430#9, %while3A_481 = %while3A_430#10, %while3A_482 = %while3A_430#11, %while3A_483 = %while3A_430#12, %while3A_484 = %while3A_430#13, %while3A_485 = %while3A_430#14, %while3A_486 = %while3A_430#15, %while3A_487 = %while3A_430#16, %while3A_488 = %while3A_430#17, %while3A_489 = %while3A_430#18, %while3A_490 = %while3A_430#19, %while3A_491 = %while3A_430#20, %while3A_492 = %while3A_430#21, %while3A_493 = %while3A_430#22, %while3A_494 = %while3A_430#23, %while3A_495 = %while3A_430#24, %while3A_496 = %while3A_430#25) -> (vector<16xf32>, vector<16xf32>, vector<16xf32>, vector<16xf32>, vector<16xf32>, vector<16xf32>, vector<16xf32>, vector<16xf32>, vector<16xf32>, vector<16xf32>, vector<16xf32>, vector<16xf32>, vector<16xf32>, vector<16xf32>, vector<16xf32>, vector<16xf32>, vector<16xf32>, vector<16xf32>, vector<16xf32>, vector<16xf32>, vector<16xf32>, vector<16xf32>, vector<16xf32>, vector<16xf32>, vector<16xf32>, vector<16xf32>)  : i32 {
          %get3A_497 = arith.index_cast %while3A_470 : i32 to index
          %get3A_498 = tpu.vector_load %arg12[%get3A_497] {strides = array<i32>} : memref<272xf32, #tpu.memory_space<vmem>>, vector<16xf32>,
          %get3A_499 = vector.shape_cast %get3A_498 : vector<16xf32> to vector<16xf32>
          %slice3A_500 = vector.extract_strided_slice %get3A_499 {offsets = [0], sizes = [1], strides = [1]} : vector<16xf32> to vector<1xf32>
          %squeeze3A_501 = vector.extract %slice3A_500[0] : f32 from vector<1xf32>
          %broadcast_in_dim3A_502 = vector.broadcast %squeeze3A_501 : f32 to vector<16xf32>
          %max3A_503 = arith.maximumf %while3A_495, %broadcast_in_dim3A_502 : vector<16xf32>
          %sub3A_504 = arith.subf %while3A_495, %max3A_503 : vector<16xf32>
          %exp3A = math.exp %sub3A_504 : vector<16xf32>
          %sub3A_505 = arith.subf %broadcast_in_dim3A_502, %max3A_503 : vector<16xf32>
          %exp3A_506 = math.exp %sub3A_505 : vector<16xf32>
          %mul3A_507 = arith.mulf %while3A_496, %exp3A : vector<16xf32>
          %add3A_508 = arith.addf %mul3A_507, %exp3A_506 : vector<16xf32>
          %get3A_509 = arith.index_cast %while3A_470 : i32 to index
          %get3A_510 = arith.constant 0 : index
          %get3A_511 = tpu.vector_load %arg11[%get3A_509, %get3A_510] {strides = array<i32>} : memref<256x128xf32, #tpu.memory_space<vmem>>, vector<1x16xf32>,
          %get3A_512 = vector.shape_cast %get3A_511 : vector<1x16xf32> to vector<16xf32>
          %get3A_513 = arith.index_cast %while3A_470 : i32 to index
          %get3A_514 = arith.constant 16 : index
          %get3A_515 = tpu.vector_load %arg11[%get3A_513, %get3A_514] {strides = array<i32>} : memref<256x128xf32, #tpu.memory_space<vmem>>, vector<1x16xf32>,
          %get3A_516 = vector.shape_cast %get3A_515 : vector<1x16xf32> to vector<16xf32>
          %get3A_517 = arith.index_cast %while3A_470 : i32 to index
          %get3A_518 = arith.constant 32 : index
          %get3A_519 = tpu.vector_load %arg11[%get3A_517, %get3A_518] {strides = array<i32>} : memref<256x128xf32, #tpu.memory_space<vmem>>, vector<1x16xf32>,
          %get3A_520 = vector.shape_cast %get3A_519 : vector<1x16xf32> to vector<16xf32>
          %get3A_521 = arith.index_cast %while3A_470 : i32 to index
          %get3A_522 = arith.constant 48 : index
          %get3A_523 = tpu.vector_load %arg11[%get3A_521, %get3A_522] {strides = array<i32>} : memref<256x128xf32, #tpu.memory_space<vmem>>, vector<1x16xf32>,
          %get3A_524 = vector.shape_cast %get3A_523 : vector<1x16xf32> to vector<16xf32>
          %get3A_525 = arith.index_cast %while3A_470 : i32 to index
          %get3A_526 = arith.constant 64 : index
          %get3A_527 = tpu.vector_load %arg11[%get3A_525, %get3A_526] {strides = array<i32>} : memref<256x128xf32, #tpu.memory_space<vmem>>, vector<1x16xf32>,
          %get3A_528 = vector.shape_cast %get3A_527 : vector<1x16xf32> to vector<16xf32>
          %get3A_529 = arith.index_cast %while3A_470 : i32 to index
          %get3A_530 = arith.constant 80 : index
          %get3A_531 = tpu.vector_load %arg11[%get3A_529, %get3A_530] {strides = array<i32>} : memref<256x128xf32, #tpu.memory_space<vmem>>, vector<1x16xf32>,
          %get3A_532 = vector.shape_cast %get3A_531 : vector<1x16xf32> to vector<16xf32>
          %get3A_533 = arith.index_cast %while3A_470 : i32 to index
          %get3A_534 = arith.constant 96 : index
          %get3A_535 = tpu.vector_load %arg11[%get3A_533, %get3A_534] {strides = array<i32>} : memref<256x128xf32, #tpu.memory_space<vmem>>, vector<1x16xf32>,
          %get3A_536 = vector.shape_cast %get3A_535 : vector<1x16xf32> to vector<16xf32>
          %get3A_537 = arith.index_cast %while3A_470 : i32 to index
          %get3A_538 = arith.constant 112 : index
          %get3A_539 = tpu.vector_load %arg11[%get3A_537, %get3A_538] {strides = array<i32>} : memref<256x128xf32, #tpu.memory_space<vmem>>, vector<1x16xf32>,
          %get3A_540 = vector.shape_cast %get3A_539 : vector<1x16xf32> to vector<16xf32>
          %max3A_541 = arith.maximumf %while3A_471, %get3A_512 : vector<16xf32>
          %max3A_542 = arith.maximumf %while3A_472, %get3A_516 : vector<16xf32>
          %max3A_543 = arith.maximumf %while3A_473, %get3A_520 : vector<16xf32>
          %max3A_544 = arith.maximumf %while3A_474, %get3A_524 : vector<16xf32>
          %max3A_545 = arith.maximumf %while3A_475, %get3A_528 : vector<16xf32>
          %max3A_546 = arith.maximumf %while3A_476, %get3A_532 : vector<16xf32>
          %max3A_547 = arith.maximumf %while3A_477, %get3A_536 : vector<16xf32>
          %max3A_548 = arith.maximumf %while3A_478, %get3A_540 : vector<16xf32>
          %add3A_549 = arith.addf %while3A_479, %get3A_512 : vector<16xf32>
          %add3A_550 = arith.addf %while3A_480, %get3A_516 : vector<16xf32>
          %add3A_551 = arith.addf %while3A_481, %get3A_520 : vector<16xf32>
          %add3A_552 = arith.addf %while3A_482, %get3A_524 : vector<16xf32>
          %add3A_553 = arith.addf %while3A_483, %get3A_528 : vector<16xf32>
          %add3A_554 = arith.addf %while3A_484, %get3A_532 : vector<16xf32>
          %add3A_555 = arith.addf %while3A_485, %get3A_536 : vector<16xf32>
          %add3A_556 = arith.addf %while3A_486, %get3A_540 : vector<16xf32>
          %mul3A_557 = arith.mulf %while3A_487, %exp3A : vector<16xf32>
          %mul3A_558 = arith.mulf %get3A_512, %exp3A_506 : vector<16xf32>
          %add3A_559 = arith.addf %mul3A_557, %mul3A_558 : vector<16xf32>
          %mul3A_560 = arith.mulf %while3A_488, %exp3A : vector<16xf32>
          %mul3A_561 = arith.mulf %get3A_516, %exp3A_506 : vector<16xf32>
          %add3A_562 = arith.addf %mul3A_560, %mul3A_561 : vector<16xf32>
          %mul3A_563 = arith.mulf %while3A_489, %exp3A : vector<16xf32>
          %mul3A_564 = arith.mulf %get3A_520, %exp3A_506 : vector<16xf32>
          %add3A_565 = arith.addf %mul3A_563, %mul3A_564 : vector<16xf32>
          %mul3A_566 = arith.mulf %while3A_490, %exp3A : vector<16xf32>
          %mul3A_567 = arith.mulf %get3A_524, %exp3A_506 : vector<16xf32>
          %add3A_568 = arith.addf %mul3A_566, %mul3A_567 : vector<16xf32>
          %mul3A_569 = arith.mulf %while3A_491, %exp3A : vector<16xf32>
          %mul3A_570 = arith.mulf %get3A_528, %exp3A_506 : vector<16xf32>
          %add3A_571 = arith.addf %mul3A_569, %mul3A_570 : vector<16xf32>
          %mul3A_572 = arith.mulf %while3A_492, %exp3A : vector<16xf32>
          %mul3A_573 = arith.mulf %get3A_532, %exp3A_506 : vector<16xf32>
          %add3A_574 = arith.addf %mul3A_572, %mul3A_573 : vector<16xf32>
          %mul3A_575 = arith.mulf %while3A_493, %exp3A : vector<16xf32>
          %mul3A_576 = arith.mulf %get3A_536, %exp3A_506 : vector<16xf32>
          %add3A_577 = arith.addf %mul3A_575, %mul3A_576 : vector<16xf32>
          %mul3A_578 = arith.mulf %while3A_494, %exp3A : vector<16xf32>
          %mul3A_579 = arith.mulf %get3A_540, %exp3A_506 : vector<16xf32>
          %add3A_580 = arith.addf %mul3A_578, %mul3A_579 : vector<16xf32>
          scf.yield %max3A_541, %max3A_542, %max3A_543, %max3A_544, %max3A_545, %max3A_546, %max3A_547, %max3A_548, %add3A_549, %add3A_550, %add3A_551, %add3A_552, %add3A_553, %add3A_554, %add3A_555, %add3A_556, %add3A_559, %add3A_562, %add3A_565, %add3A_568, %add3A_571, %add3A_574, %add3A_577, %add3A_580, %max3A_503, %add3A_508 : vector<16xf32>, vector<16xf32>, vector<16xf32>, vector<16xf32>, vector<16xf32>, vector<16xf32>, vector<16xf32>, vector<16xf32>, vector<16xf32>, vector<16xf32>, vector<16xf32>, vector<16xf32>, vector<16xf32>, vector<16xf32>, vector<16xf32>, vector<16xf32>, vector<16xf32>, vector<16xf32>, vector<16xf32>, vector<16xf32>, vector<16xf32>, vector<16xf32>, vector<16xf32>, vector<16xf32>, vector<16xf32>, vector<16xf32>
        }
        %sub3A_433 = arith.subi %add3A_418, %add3A_417 : i32
        %sub3A_434 = arith.subi %sub3A_433, %and3A_421 : i32
        %jit3A_435 = arith.constant 2 : i32
        %div3A_436 = arith.divsi %sub3A_434, %jit3A_435 : i32
        %sign3A_437 = arith.constant 0 : i32
        %sign3A_438 = arith.cmpi sgt, %sub3A_434, %sign3A_437 : i32
        %sign3A_439 = arith.extui %sign3A_438 : i1 to i32
        %sign3A_440 = arith.constant 0 : i32
        %sign3A_441 = arith.cmpi slt, %sub3A_434, %sign3A_440 : i32
        %sign3A_442 = arith.extui %sign3A_441 : i1 to i32
        %sign3A_443 = arith.subi %sign3A_439, %sign3A_442 : i32
        %sign3A_444 = arith.constant 0 : i32
        %sign3A_445 = arith.cmpi sgt, %jit3A_435, %sign3A_444 : i32
        %sign3A_446 = arith.extui %sign3A_445 : i1 to i32
        %sign3A_447 = arith.constant 0 : i32
        %sign3A_448 = arith.cmpi slt, %jit3A_435, %sign3A_447 : i32
        %sign3A_449 = arith.extui %sign3A_448 : i1 to i32
        %sign3A_450 = arith.subi %sign3A_446, %sign3A_449 : i32
        %ne3A_451 = arith.cmpi ne, %sign3A_443, %sign3A_450 : i32
        %rem3A_452 = arith.remsi %sub3A_434, %jit3A_435 : i32
        %ne3A_453 = arith.constant 0 : i32
        %ne3A_454 = arith.cmpi ne, %rem3A_452, %ne3A_453 : i32
        %and3A_455 = arith.andi %ne3A_451, %ne3A_454 : i1
        %sub3A_456 = arith.constant 1 : i32
        %sub3A_457 = arith.subi %div3A_436, %sub3A_456 : i32
        %select_n3A_458 = arith.select %and3A_455, %sub3A_457, %div3A_436 : i32
        %while3A_459 = arith.constant 0 : i32
        %while3A_460 = arith.subi %select_n3A_458, %while3A_459 : i32
        %while3A_461 = arith.addi %while3A_459, %while3A_460 : i32
        %while3A_462 = arith.constant 1 : i32
        %while3A_463 = arith.divsi %while3A_460, %while3A_462 : i32
        %while3A_464 = arith.muli %while3A_463, %while3A_462 : i32
        %while3A_465 = arith.addi %while3A_459, %while3A_464 : i32
        %while3A_466 = arith.constant 1 : i32
        %while3A_467:26 = scf.for %while3A_470 = %while3A_459 to %while3A_465 step %while3A_466 iter_args(%while3A_471 = %while3A_432#0, %while3A_472 = %while3A_432#1, %while3A_473 = %while3A_432#2, %while3A_474 = %while3A_432#3, %while3A_475 = %while3A_432#4, %while3A_476 = %while3A_432#5, %while3A_477 = %while3A_432#6, %while3A_478 = %while3A_432#7, %while3A_479 = %while3A_432#8, %while3A_480 = %while3A_432#9, %while3A_481 = %while3A_432#10, %while3A_482 = %while3A_432#11, %while3A_483 = %while3A_432#12, %while3A_484 = %while3A_432#13, %while3A_485 = %while3A_432#14, %while3A_486 = %while3A_432#15, %while3A_487 = %while3A_432#16, %while3A_488 = %while3A_432#17, %while3A_489 = %while3A_432#18, %while3A_490 = %while3A_432#19, %while3A_491 = %while3A_432#20, %while3A_492 = %while3A_432#21, %while3A_493 = %while3A_432#22, %while3A_494 = %while3A_432#23, %while3A_495 = %while3A_432#24, %while3A_496 = %while3A_432#25) -> (vector<16xf32>, vector<16xf32>, vector<16xf32>, vector<16xf32>, vector<16xf32>, vector<16xf32>, vector<16xf32>, vector<16xf32>, vector<16xf32>, vector<16xf32>, vector<16xf32>, vector<16xf32>, vector<16xf32>, vector<16xf32>, vector<16xf32>, vector<16xf32>, vector<16xf32>, vector<16xf32>, vector<16xf32>, vector<16xf32>, vector<16xf32>, vector<16xf32>, vector<16xf32>, vector<16xf32>, vector<16xf32>, vector<16xf32>)  : i32 {
          %add3A_497 = arith.addi %add3A_417, %and3A_421 : i32
          %mul3A_498 = arith.constant 2 : i32
          %mul3A_499 = arith.muli %mul3A_498, %while3A_470 : i32
          %add3A_500 = arith.addi %add3A_497, %mul3A_499 : i32
          %add3A_501 = arith.constant 1 : i32
          %add3A_502 = arith.addi %add3A_500, %add3A_501 : i32
          %get3A_503 = arith.index_cast %add3A_500 : i32 to index
          %get3A_504 = tpu.vector_load %arg12[%get3A_503] {strides = array<i32>} : memref<272xf32, #tpu.memory_space<vmem>>, vector<16xf32>,
          %get3A_505 = vector.shape_cast %get3A_504 : vector<16xf32> to vector<16xf32>
          %slice3A_506 = vector.extract_strided_slice %get3A_505 {offsets = [0], sizes = [1], strides = [1]} : vector<16xf32> to vector<1xf32>
          %squeeze3A_507 = vector.extract %slice3A_506[0] : f32 from vector<1xf32>
          %broadcast_in_dim3A_508 = vector.broadcast %squeeze3A_507 : f32 to vector<16xf32>
          %max3A_509 = arith.maximumf %while3A_495, %broadcast_in_dim3A_508 : vector<16xf32>
          %sub3A_510 = arith.subf %while3A_495, %max3A_509 : vector<16xf32>
          %exp3A = math.exp %sub3A_510 : vector<16xf32>
          %sub3A_511 = arith.subf %broadcast_in_dim3A_508, %max3A_509 : vector<16xf32>
          %exp3A_512 = math.exp %sub3A_511 : vector<16xf32>
          %mul3A_513 = arith.mulf %while3A_496, %exp3A : vector<16xf32>
          %add3A_514 = arith.addf %mul3A_513, %exp3A_512 : vector<16xf32>
          %get3A_515 = arith.index_cast %add3A_500 : i32 to index
          %get3A_516 = arith.constant 0 : index
          %get3A_517 = tpu.vector_load %arg11[%get3A_515, %get3A_516] {strides = array<i32>} : memref<256x128xf32, #tpu.memory_space<vmem>>, vector<1x16xf32>,
          %get3A_518 = vector.shape_cast %get3A_517 : vector<1x16xf32> to vector<16xf32>
          %get3A_519 = arith.index_cast %add3A_500 : i32 to index
          %get3A_520 = arith.constant 16 : index
          %get3A_521 = tpu.vector_load %arg11[%get3A_519, %get3A_520] {strides = array<i32>} : memref<256x128xf32, #tpu.memory_space<vmem>>, vector<1x16xf32>,
          %get3A_522 = vector.shape_cast %get3A_521 : vector<1x16xf32> to vector<16xf32>
          %get3A_523 = arith.index_cast %add3A_500 : i32 to index
          %get3A_524 = arith.constant 32 : index
          %get3A_525 = tpu.vector_load %arg11[%get3A_523, %get3A_524] {strides = array<i32>} : memref<256x128xf32, #tpu.memory_space<vmem>>, vector<1x16xf32>,
          %get3A_526 = vector.shape_cast %get3A_525 : vector<1x16xf32> to vector<16xf32>
          %get3A_527 = arith.index_cast %add3A_500 : i32 to index
          %get3A_528 = arith.constant 48 : index
          %get3A_529 = tpu.vector_load %arg11[%get3A_527, %get3A_528] {strides = array<i32>} : memref<256x128xf32, #tpu.memory_space<vmem>>, vector<1x16xf32>,
          %get3A_530 = vector.shape_cast %get3A_529 : vector<1x16xf32> to vector<16xf32>
          %get3A_531 = arith.index_cast %add3A_500 : i32 to index
          %get3A_532 = arith.constant 64 : index
          %get3A_533 = tpu.vector_load %arg11[%get3A_531, %get3A_532] {strides = array<i32>} : memref<256x128xf32, #tpu.memory_space<vmem>>, vector<1x16xf32>,
          %get3A_534 = vector.shape_cast %get3A_533 : vector<1x16xf32> to vector<16xf32>
          %get3A_535 = arith.index_cast %add3A_500 : i32 to index
          %get3A_536 = arith.constant 80 : index
          %get3A_537 = tpu.vector_load %arg11[%get3A_535, %get3A_536] {strides = array<i32>} : memref<256x128xf32, #tpu.memory_space<vmem>>, vector<1x16xf32>,
          %get3A_538 = vector.shape_cast %get3A_537 : vector<1x16xf32> to vector<16xf32>
          %get3A_539 = arith.index_cast %add3A_500 : i32 to index
          %get3A_540 = arith.constant 96 : index
          %get3A_541 = tpu.vector_load %arg11[%get3A_539, %get3A_540] {strides = array<i32>} : memref<256x128xf32, #tpu.memory_space<vmem>>, vector<1x16xf32>,
          %get3A_542 = vector.shape_cast %get3A_541 : vector<1x16xf32> to vector<16xf32>
          %get3A_543 = arith.index_cast %add3A_500 : i32 to index
          %get3A_544 = arith.constant 112 : index
          %get3A_545 = tpu.vector_load %arg11[%get3A_543, %get3A_544] {strides = array<i32>} : memref<256x128xf32, #tpu.memory_space<vmem>>, vector<1x16xf32>,
          %get3A_546 = vector.shape_cast %get3A_545 : vector<1x16xf32> to vector<16xf32>
          %max3A_547 = arith.maximumf %while3A_471, %get3A_518 : vector<16xf32>
          %max3A_548 = arith.maximumf %while3A_472, %get3A_522 : vector<16xf32>
          %max3A_549 = arith.maximumf %while3A_473, %get3A_526 : vector<16xf32>
          %max3A_550 = arith.maximumf %while3A_474, %get3A_530 : vector<16xf32>
          %max3A_551 = arith.maximumf %while3A_475, %get3A_534 : vector<16xf32>
          %max3A_552 = arith.maximumf %while3A_476, %get3A_538 : vector<16xf32>
          %max3A_553 = arith.maximumf %while3A_477, %get3A_542 : vector<16xf32>
          %max3A_554 = arith.maximumf %while3A_478, %get3A_546 : vector<16xf32>
          %add3A_555 = arith.addf %while3A_479, %get3A_518 : vector<16xf32>
          %add3A_556 = arith.addf %while3A_480, %get3A_522 : vector<16xf32>
          %add3A_557 = arith.addf %while3A_481, %get3A_526 : vector<16xf32>
          %add3A_558 = arith.addf %while3A_482, %get3A_530 : vector<16xf32>
          %add3A_559 = arith.addf %while3A_483, %get3A_534 : vector<16xf32>
          %add3A_560 = arith.addf %while3A_484, %get3A_538 : vector<16xf32>
          %add3A_561 = arith.addf %while3A_485, %get3A_542 : vector<16xf32>
          %add3A_562 = arith.addf %while3A_486, %get3A_546 : vector<16xf32>
          %mul3A_563 = arith.mulf %while3A_487, %exp3A : vector<16xf32>
          %mul3A_564 = arith.mulf %get3A_518, %exp3A_512 : vector<16xf32>
          %add3A_565 = arith.addf %mul3A_563, %mul3A_564 : vector<16xf32>
          %mul3A_566 = arith.mulf %while3A_488, %exp3A : vector<16xf32>
          %mul3A_567 = arith.mulf %get3A_522, %exp3A_512 : vector<16xf32>
          %add3A_568 = arith.addf %mul3A_566, %mul3A_567 : vector<16xf32>
          %mul3A_569 = arith.mulf %while3A_489, %exp3A : vector<16xf32>
          %mul3A_570 = arith.mulf %get3A_526, %exp3A_512 : vector<16xf32>
          %add3A_571 = arith.addf %mul3A_569, %mul3A_570 : vector<16xf32>
          %mul3A_572 = arith.mulf %while3A_490, %exp3A : vector<16xf32>
          %mul3A_573 = arith.mulf %get3A_530, %exp3A_512 : vector<16xf32>
          %add3A_574 = arith.addf %mul3A_572, %mul3A_573 : vector<16xf32>
          %mul3A_575 = arith.mulf %while3A_491, %exp3A : vector<16xf32>
          %mul3A_576 = arith.mulf %get3A_534, %exp3A_512 : vector<16xf32>
          %add3A_577 = arith.addf %mul3A_575, %mul3A_576 : vector<16xf32>
          %mul3A_578 = arith.mulf %while3A_492, %exp3A : vector<16xf32>
          %mul3A_579 = arith.mulf %get3A_538, %exp3A_512 : vector<16xf32>
          %add3A_580 = arith.addf %mul3A_578, %mul3A_579 : vector<16xf32>
          %mul3A_581 = arith.mulf %while3A_493, %exp3A : vector<16xf32>
          %mul3A_582 = arith.mulf %get3A_542, %exp3A_512 : vector<16xf32>
          %add3A_583 = arith.addf %mul3A_581, %mul3A_582 : vector<16xf32>
          %mul3A_584 = arith.mulf %while3A_494, %exp3A : vector<16xf32>
          %mul3A_585 = arith.mulf %get3A_546, %exp3A_512 : vector<16xf32>
          %add3A_586 = arith.addf %mul3A_584, %mul3A_585 : vector<16xf32>
          %get3A_587 = arith.index_cast %add3A_502 : i32 to index
          %get3A_588 = tpu.vector_load %arg12[%get3A_587] {strides = array<i32>} : memref<272xf32, #tpu.memory_space<vmem>>, vector<16xf32>,
          %get3A_589 = vector.shape_cast %get3A_588 : vector<16xf32> to vector<16xf32>
          %slice3A_590 = vector.extract_strided_slice %get3A_589 {offsets = [0], sizes = [1], strides = [1]} : vector<16xf32> to vector<1xf32>
          %squeeze3A_591 = vector.extract %slice3A_590[0] : f32 from vector<1xf32>
          %broadcast_in_dim3A_592 = vector.broadcast %squeeze3A_591 : f32 to vector<16xf32>
          %max3A_593 = arith.maximumf %max3A_509, %broadcast_in_dim3A_592 : vector<16xf32>
          %sub3A_594 = arith.subf %max3A_509, %max3A_593 : vector<16xf32>
          %exp3A_595 = math.exp %sub3A_594 : vector<16xf32>
          %sub3A_596 = arith.subf %broadcast_in_dim3A_592, %max3A_593 : vector<16xf32>
          %exp3A_597 = math.exp %sub3A_596 : vector<16xf32>
          %mul3A_598 = arith.mulf %add3A_514, %exp3A_595 : vector<16xf32>
          %add3A_599 = arith.addf %mul3A_598, %exp3A_597 : vector<16xf32>
          %get3A_600 = arith.index_cast %add3A_502 : i32 to index
          %get3A_601 = arith.constant 0 : index
          %get3A_602 = tpu.vector_load %arg11[%get3A_600, %get3A_601] {strides = array<i32>} : memref<256x128xf32, #tpu.memory_space<vmem>>, vector<1x16xf32>,
          %get3A_603 = vector.shape_cast %get3A_602 : vector<1x16xf32> to vector<16xf32>
          %get3A_604 = arith.index_cast %add3A_502 : i32 to index
          %get3A_605 = arith.constant 16 : index
          %get3A_606 = tpu.vector_load %arg11[%get3A_604, %get3A_605] {strides = array<i32>} : memref<256x128xf32, #tpu.memory_space<vmem>>, vector<1x16xf32>,
          %get3A_607 = vector.shape_cast %get3A_606 : vector<1x16xf32> to vector<16xf32>
          %get3A_608 = arith.index_cast %add3A_502 : i32 to index
          %get3A_609 = arith.constant 32 : index
          %get3A_610 = tpu.vector_load %arg11[%get3A_608, %get3A_609] {strides = array<i32>} : memref<256x128xf32, #tpu.memory_space<vmem>>, vector<1x16xf32>,
          %get3A_611 = vector.shape_cast %get3A_610 : vector<1x16xf32> to vector<16xf32>
          %get3A_612 = arith.index_cast %add3A_502 : i32 to index
          %get3A_613 = arith.constant 48 : index
          %get3A_614 = tpu.vector_load %arg11[%get3A_612, %get3A_613] {strides = array<i32>} : memref<256x128xf32, #tpu.memory_space<vmem>>, vector<1x16xf32>,
          %get3A_615 = vector.shape_cast %get3A_614 : vector<1x16xf32> to vector<16xf32>
          %get3A_616 = arith.index_cast %add3A_502 : i32 to index
          %get3A_617 = arith.constant 64 : index
          %get3A_618 = tpu.vector_load %arg11[%get3A_616, %get3A_617] {strides = array<i32>} : memref<256x128xf32, #tpu.memory_space<vmem>>, vector<1x16xf32>,
          %get3A_619 = vector.shape_cast %get3A_618 : vector<1x16xf32> to vector<16xf32>
          %get3A_620 = arith.index_cast %add3A_502 : i32 to index
          %get3A_621 = arith.constant 80 : index
          %get3A_622 = tpu.vector_load %arg11[%get3A_620, %get3A_621] {strides = array<i32>} : memref<256x128xf32, #tpu.memory_space<vmem>>, vector<1x16xf32>,
          %get3A_623 = vector.shape_cast %get3A_622 : vector<1x16xf32> to vector<16xf32>
          %get3A_624 = arith.index_cast %add3A_502 : i32 to index
          %get3A_625 = arith.constant 96 : index
          %get3A_626 = tpu.vector_load %arg11[%get3A_624, %get3A_625] {strides = array<i32>} : memref<256x128xf32, #tpu.memory_space<vmem>>, vector<1x16xf32>,
          %get3A_627 = vector.shape_cast %get3A_626 : vector<1x16xf32> to vector<16xf32>
          %get3A_628 = arith.index_cast %add3A_502 : i32 to index
          %get3A_629 = arith.constant 112 : index
          %get3A_630 = tpu.vector_load %arg11[%get3A_628, %get3A_629] {strides = array<i32>} : memref<256x128xf32, #tpu.memory_space<vmem>>, vector<1x16xf32>,
          %get3A_631 = vector.shape_cast %get3A_630 : vector<1x16xf32> to vector<16xf32>
          %max3A_632 = arith.maximumf %max3A_547, %get3A_603 : vector<16xf32>
          %max3A_633 = arith.maximumf %max3A_548, %get3A_607 : vector<16xf32>
          %max3A_634 = arith.maximumf %max3A_549, %get3A_611 : vector<16xf32>
          %max3A_635 = arith.maximumf %max3A_550, %get3A_615 : vector<16xf32>
          %max3A_636 = arith.maximumf %max3A_551, %get3A_619 : vector<16xf32>
          %max3A_637 = arith.maximumf %max3A_552, %get3A_623 : vector<16xf32>
          %max3A_638 = arith.maximumf %max3A_553, %get3A_627 : vector<16xf32>
          %max3A_639 = arith.maximumf %max3A_554, %get3A_631 : vector<16xf32>
          %add3A_640 = arith.addf %add3A_555, %get3A_603 : vector<16xf32>
          %add3A_641 = arith.addf %add3A_556, %get3A_607 : vector<16xf32>
          %add3A_642 = arith.addf %add3A_557, %get3A_611 : vector<16xf32>
          %add3A_643 = arith.addf %add3A_558, %get3A_615 : vector<16xf32>
          %add3A_644 = arith.addf %add3A_559, %get3A_619 : vector<16xf32>
          %add3A_645 = arith.addf %add3A_560, %get3A_623 : vector<16xf32>
          %add3A_646 = arith.addf %add3A_561, %get3A_627 : vector<16xf32>
          %add3A_647 = arith.addf %add3A_562, %get3A_631 : vector<16xf32>
          %mul3A_648 = arith.mulf %add3A_565, %exp3A_595 : vector<16xf32>
          %mul3A_649 = arith.mulf %get3A_603, %exp3A_597 : vector<16xf32>
          %add3A_650 = arith.addf %mul3A_648, %mul3A_649 : vector<16xf32>
          %mul3A_651 = arith.mulf %add3A_568, %exp3A_595 : vector<16xf32>
          %mul3A_652 = arith.mulf %get3A_607, %exp3A_597 : vector<16xf32>
          %add3A_653 = arith.addf %mul3A_651, %mul3A_652 : vector<16xf32>
          %mul3A_654 = arith.mulf %add3A_571, %exp3A_595 : vector<16xf32>
          %mul3A_655 = arith.mulf %get3A_611, %exp3A_597 : vector<16xf32>
          %add3A_656 = arith.addf %mul3A_654, %mul3A_655 : vector<16xf32>
          %mul3A_657 = arith.mulf %add3A_574, %exp3A_595 : vector<16xf32>
          %mul3A_658 = arith.mulf %get3A_615, %exp3A_597 : vector<16xf32>
          %add3A_659 = arith.addf %mul3A_657, %mul3A_658 : vector<16xf32>
          %mul3A_660 = arith.mulf %add3A_577, %exp3A_595 : vector<16xf32>
          %mul3A_661 = arith.mulf %get3A_619, %exp3A_597 : vector<16xf32>
          %add3A_662 = arith.addf %mul3A_660, %mul3A_661 : vector<16xf32>
          %mul3A_663 = arith.mulf %add3A_580, %exp3A_595 : vector<16xf32>
          %mul3A_664 = arith.mulf %get3A_623, %exp3A_597 : vector<16xf32>
          %add3A_665 = arith.addf %mul3A_663, %mul3A_664 : vector<16xf32>
          %mul3A_666 = arith.mulf %add3A_583, %exp3A_595 : vector<16xf32>
          %mul3A_667 = arith.mulf %get3A_627, %exp3A_597 : vector<16xf32>
          %add3A_668 = arith.addf %mul3A_666, %mul3A_667 : vector<16xf32>
          %mul3A_669 = arith.mulf %add3A_586, %exp3A_595 : vector<16xf32>
          %mul3A_670 = arith.mulf %get3A_631, %exp3A_597 : vector<16xf32>
          %add3A_671 = arith.addf %mul3A_669, %mul3A_670 : vector<16xf32>
          scf.yield %max3A_632, %max3A_633, %max3A_634, %max3A_635, %max3A_636, %max3A_637, %max3A_638, %max3A_639, %add3A_640, %add3A_641, %add3A_642, %add3A_643, %add3A_644, %add3A_645, %add3A_646, %add3A_647, %add3A_650, %add3A_653, %add3A_656, %add3A_659, %add3A_662, %add3A_665, %add3A_668, %add3A_671, %max3A_593, %add3A_599 : vector<16xf32>, vector<16xf32>, vector<16xf32>, vector<16xf32>, vector<16xf32>, vector<16xf32>, vector<16xf32>, vector<16xf32>, vector<16xf32>, vector<16xf32>, vector<16xf32>, vector<16xf32>, vector<16xf32>, vector<16xf32>, vector<16xf32>, vector<16xf32>, vector<16xf32>, vector<16xf32>, vector<16xf32>, vector<16xf32>, vector<16xf32>, vector<16xf32>, vector<16xf32>, vector<16xf32>, vector<16xf32>, vector<16xf32>
        }
        %while3A_468 = arith.constant 1 : i32
        %while3A_469:26 = scf.for %while3A_470 = %while3A_465 to %while3A_461 step %while3A_468 iter_args(%while3A_471 = %while3A_467#0, %while3A_472 = %while3A_467#1, %while3A_473 = %while3A_467#2, %while3A_474 = %while3A_467#3, %while3A_475 = %while3A_467#4, %while3A_476 = %while3A_467#5, %while3A_477 = %while3A_467#6, %while3A_478 = %while3A_467#7, %while3A_479 = %while3A_467#8, %while3A_480 = %while3A_467#9, %while3A_481 = %while3A_467#10, %while3A_482 = %while3A_467#11, %while3A_483 = %while3A_467#12, %while3A_484 = %while3A_467#13, %while3A_485 = %while3A_467#14, %while3A_486 = %while3A_467#15, %while3A_487 = %while3A_467#16, %while3A_488 = %while3A_467#17, %while3A_489 = %while3A_467#18, %while3A_490 = %while3A_467#19, %while3A_491 = %while3A_467#20, %while3A_492 = %while3A_467#21, %while3A_493 = %while3A_467#22, %while3A_494 = %while3A_467#23, %while3A_495 = %while3A_467#24, %while3A_496 = %while3A_467#25) -> (vector<16xf32>, vector<16xf32>, vector<16xf32>, vector<16xf32>, vector<16xf32>, vector<16xf32>, vector<16xf32>, vector<16xf32>, vector<16xf32>, vector<16xf32>, vector<16xf32>, vector<16xf32>, vector<16xf32>, vector<16xf32>, vector<16xf32>, vector<16xf32>, vector<16xf32>, vector<16xf32>, vector<16xf32>, vector<16xf32>, vector<16xf32>, vector<16xf32>, vector<16xf32>, vector<16xf32>, vector<16xf32>, vector<16xf32>)  : i32 {
          %add3A_497 = arith.addi %add3A_417, %and3A_421 : i32
          %mul3A_498 = arith.constant 2 : i32
          %mul3A_499 = arith.muli %mul3A_498, %while3A_470 : i32
          %add3A_500 = arith.addi %add3A_497, %mul3A_499 : i32
          %add3A_501 = arith.constant 1 : i32
          %add3A_502 = arith.addi %add3A_500, %add3A_501 : i32
          %get3A_503 = arith.index_cast %add3A_500 : i32 to index
          %get3A_504 = tpu.vector_load %arg12[%get3A_503] {strides = array<i32>} : memref<272xf32, #tpu.memory_space<vmem>>, vector<16xf32>,
          %get3A_505 = vector.shape_cast %get3A_504 : vector<16xf32> to vector<16xf32>
          %slice3A_506 = vector.extract_strided_slice %get3A_505 {offsets = [0], sizes = [1], strides = [1]} : vector<16xf32> to vector<1xf32>
          %squeeze3A_507 = vector.extract %slice3A_506[0] : f32 from vector<1xf32>
          %broadcast_in_dim3A_508 = vector.broadcast %squeeze3A_507 : f32 to vector<16xf32>
          %max3A_509 = arith.maximumf %while3A_495, %broadcast_in_dim3A_508 : vector<16xf32>
          %sub3A_510 = arith.subf %while3A_495, %max3A_509 : vector<16xf32>
          %exp3A = math.exp %sub3A_510 : vector<16xf32>
          %sub3A_511 = arith.subf %broadcast_in_dim3A_508, %max3A_509 : vector<16xf32>
          %exp3A_512 = math.exp %sub3A_511 : vector<16xf32>
          %mul3A_513 = arith.mulf %while3A_496, %exp3A : vector<16xf32>
          %add3A_514 = arith.addf %mul3A_513, %exp3A_512 : vector<16xf32>
          %get3A_515 = arith.index_cast %add3A_500 : i32 to index
          %get3A_516 = arith.constant 0 : index
          %get3A_517 = tpu.vector_load %arg11[%get3A_515, %get3A_516] {strides = array<i32>} : memref<256x128xf32, #tpu.memory_space<vmem>>, vector<1x16xf32>,
          %get3A_518 = vector.shape_cast %get3A_517 : vector<1x16xf32> to vector<16xf32>
          %get3A_519 = arith.index_cast %add3A_500 : i32 to index
          %get3A_520 = arith.constant 16 : index
          %get3A_521 = tpu.vector_load %arg11[%get3A_519, %get3A_520] {strides = array<i32>} : memref<256x128xf32, #tpu.memory_space<vmem>>, vector<1x16xf32>,
          %get3A_522 = vector.shape_cast %get3A_521 : vector<1x16xf32> to vector<16xf32>
          %get3A_523 = arith.index_cast %add3A_500 : i32 to index
          %get3A_524 = arith.constant 32 : index
          %get3A_525 = tpu.vector_load %arg11[%get3A_523, %get3A_524] {strides = array<i32>} : memref<256x128xf32, #tpu.memory_space<vmem>>, vector<1x16xf32>,
          %get3A_526 = vector.shape_cast %get3A_525 : vector<1x16xf32> to vector<16xf32>
          %get3A_527 = arith.index_cast %add3A_500 : i32 to index
          %get3A_528 = arith.constant 48 : index
          %get3A_529 = tpu.vector_load %arg11[%get3A_527, %get3A_528] {strides = array<i32>} : memref<256x128xf32, #tpu.memory_space<vmem>>, vector<1x16xf32>,
          %get3A_530 = vector.shape_cast %get3A_529 : vector<1x16xf32> to vector<16xf32>
          %get3A_531 = arith.index_cast %add3A_500 : i32 to index
          %get3A_532 = arith.constant 64 : index
          %get3A_533 = tpu.vector_load %arg11[%get3A_531, %get3A_532] {strides = array<i32>} : memref<256x128xf32, #tpu.memory_space<vmem>>, vector<1x16xf32>,
          %get3A_534 = vector.shape_cast %get3A_533 : vector<1x16xf32> to vector<16xf32>
          %get3A_535 = arith.index_cast %add3A_500 : i32 to index
          %get3A_536 = arith.constant 80 : index
          %get3A_537 = tpu.vector_load %arg11[%get3A_535, %get3A_536] {strides = array<i32>} : memref<256x128xf32, #tpu.memory_space<vmem>>, vector<1x16xf32>,
          %get3A_538 = vector.shape_cast %get3A_537 : vector<1x16xf32> to vector<16xf32>
          %get3A_539 = arith.index_cast %add3A_500 : i32 to index
          %get3A_540 = arith.constant 96 : index
          %get3A_541 = tpu.vector_load %arg11[%get3A_539, %get3A_540] {strides = array<i32>} : memref<256x128xf32, #tpu.memory_space<vmem>>, vector<1x16xf32>,
          %get3A_542 = vector.shape_cast %get3A_541 : vector<1x16xf32> to vector<16xf32>
          %get3A_543 = arith.index_cast %add3A_500 : i32 to index
          %get3A_544 = arith.constant 112 : index
          %get3A_545 = tpu.vector_load %arg11[%get3A_543, %get3A_544] {strides = array<i32>} : memref<256x128xf32, #tpu.memory_space<vmem>>, vector<1x16xf32>,
          %get3A_546 = vector.shape_cast %get3A_545 : vector<1x16xf32> to vector<16xf32>
          %max3A_547 = arith.maximumf %while3A_471, %get3A_518 : vector<16xf32>
          %max3A_548 = arith.maximumf %while3A_472, %get3A_522 : vector<16xf32>
          %max3A_549 = arith.maximumf %while3A_473, %get3A_526 : vector<16xf32>
          %max3A_550 = arith.maximumf %while3A_474, %get3A_530 : vector<16xf32>
          %max3A_551 = arith.maximumf %while3A_475, %get3A_534 : vector<16xf32>
          %max3A_552 = arith.maximumf %while3A_476, %get3A_538 : vector<16xf32>
          %max3A_553 = arith.maximumf %while3A_477, %get3A_542 : vector<16xf32>
          %max3A_554 = arith.maximumf %while3A_478, %get3A_546 : vector<16xf32>
          %add3A_555 = arith.addf %while3A_479, %get3A_518 : vector<16xf32>
          %add3A_556 = arith.addf %while3A_480, %get3A_522 : vector<16xf32>
          %add3A_557 = arith.addf %while3A_481, %get3A_526 : vector<16xf32>
          %add3A_558 = arith.addf %while3A_482, %get3A_530 : vector<16xf32>
          %add3A_559 = arith.addf %while3A_483, %get3A_534 : vector<16xf32>
          %add3A_560 = arith.addf %while3A_484, %get3A_538 : vector<16xf32>
          %add3A_561 = arith.addf %while3A_485, %get3A_542 : vector<16xf32>
          %add3A_562 = arith.addf %while3A_486, %get3A_546 : vector<16xf32>
          %mul3A_563 = arith.mulf %while3A_487, %exp3A : vector<16xf32>
          %mul3A_564 = arith.mulf %get3A_518, %exp3A_512 : vector<16xf32>
          %add3A_565 = arith.addf %mul3A_563, %mul3A_564 : vector<16xf32>
          %mul3A_566 = arith.mulf %while3A_488, %exp3A : vector<16xf32>
          %mul3A_567 = arith.mulf %get3A_522, %exp3A_512 : vector<16xf32>
          %add3A_568 = arith.addf %mul3A_566, %mul3A_567 : vector<16xf32>
          %mul3A_569 = arith.mulf %while3A_489, %exp3A : vector<16xf32>
          %mul3A_570 = arith.mulf %get3A_526, %exp3A_512 : vector<16xf32>
          %add3A_571 = arith.addf %mul3A_569, %mul3A_570 : vector<16xf32>
          %mul3A_572 = arith.mulf %while3A_490, %exp3A : vector<16xf32>
          %mul3A_573 = arith.mulf %get3A_530, %exp3A_512 : vector<16xf32>
          %add3A_574 = arith.addf %mul3A_572, %mul3A_573 : vector<16xf32>
          %mul3A_575 = arith.mulf %while3A_491, %exp3A : vector<16xf32>
          %mul3A_576 = arith.mulf %get3A_534, %exp3A_512 : vector<16xf32>
          %add3A_577 = arith.addf %mul3A_575, %mul3A_576 : vector<16xf32>
          %mul3A_578 = arith.mulf %while3A_492, %exp3A : vector<16xf32>
          %mul3A_579 = arith.mulf %get3A_538, %exp3A_512 : vector<16xf32>
          %add3A_580 = arith.addf %mul3A_578, %mul3A_579 : vector<16xf32>
          %mul3A_581 = arith.mulf %while3A_493, %exp3A : vector<16xf32>
          %mul3A_582 = arith.mulf %get3A_542, %exp3A_512 : vector<16xf32>
          %add3A_583 = arith.addf %mul3A_581, %mul3A_582 : vector<16xf32>
          %mul3A_584 = arith.mulf %while3A_494, %exp3A : vector<16xf32>
          %mul3A_585 = arith.mulf %get3A_546, %exp3A_512 : vector<16xf32>
          %add3A_586 = arith.addf %mul3A_584, %mul3A_585 : vector<16xf32>
          %get3A_587 = arith.index_cast %add3A_502 : i32 to index
          %get3A_588 = tpu.vector_load %arg12[%get3A_587] {strides = array<i32>} : memref<272xf32, #tpu.memory_space<vmem>>, vector<16xf32>,
          %get3A_589 = vector.shape_cast %get3A_588 : vector<16xf32> to vector<16xf32>
          %slice3A_590 = vector.extract_strided_slice %get3A_589 {offsets = [0], sizes = [1], strides = [1]} : vector<16xf32> to vector<1xf32>
          %squeeze3A_591 = vector.extract %slice3A_590[0] : f32 from vector<1xf32>
          %broadcast_in_dim3A_592 = vector.broadcast %squeeze3A_591 : f32 to vector<16xf32>
          %max3A_593 = arith.maximumf %max3A_509, %broadcast_in_dim3A_592 : vector<16xf32>
          %sub3A_594 = arith.subf %max3A_509, %max3A_593 : vector<16xf32>
          %exp3A_595 = math.exp %sub3A_594 : vector<16xf32>
          %sub3A_596 = arith.subf %broadcast_in_dim3A_592, %max3A_593 : vector<16xf32>
          %exp3A_597 = math.exp %sub3A_596 : vector<16xf32>
          %mul3A_598 = arith.mulf %add3A_514, %exp3A_595 : vector<16xf32>
          %add3A_599 = arith.addf %mul3A_598, %exp3A_597 : vector<16xf32>
          %get3A_600 = arith.index_cast %add3A_502 : i32 to index
          %get3A_601 = arith.constant 0 : index
          %get3A_602 = tpu.vector_load %arg11[%get3A_600, %get3A_601] {strides = array<i32>} : memref<256x128xf32, #tpu.memory_space<vmem>>, vector<1x16xf32>,
          %get3A_603 = vector.shape_cast %get3A_602 : vector<1x16xf32> to vector<16xf32>
          %get3A_604 = arith.index_cast %add3A_502 : i32 to index
          %get3A_605 = arith.constant 16 : index
          %get3A_606 = tpu.vector_load %arg11[%get3A_604, %get3A_605] {strides = array<i32>} : memref<256x128xf32, #tpu.memory_space<vmem>>, vector<1x16xf32>,
          %get3A_607 = vector.shape_cast %get3A_606 : vector<1x16xf32> to vector<16xf32>
          %get3A_608 = arith.index_cast %add3A_502 : i32 to index
          %get3A_609 = arith.constant 32 : index
          %get3A_610 = tpu.vector_load %arg11[%get3A_608, %get3A_609] {strides = array<i32>} : memref<256x128xf32, #tpu.memory_space<vmem>>, vector<1x16xf32>,
          %get3A_611 = vector.shape_cast %get3A_610 : vector<1x16xf32> to vector<16xf32>
          %get3A_612 = arith.index_cast %add3A_502 : i32 to index
          %get3A_613 = arith.constant 48 : index
          %get3A_614 = tpu.vector_load %arg11[%get3A_612, %get3A_613] {strides = array<i32>} : memref<256x128xf32, #tpu.memory_space<vmem>>, vector<1x16xf32>,
          %get3A_615 = vector.shape_cast %get3A_614 : vector<1x16xf32> to vector<16xf32>
          %get3A_616 = arith.index_cast %add3A_502 : i32 to index
          %get3A_617 = arith.constant 64 : index
          %get3A_618 = tpu.vector_load %arg11[%get3A_616, %get3A_617] {strides = array<i32>} : memref<256x128xf32, #tpu.memory_space<vmem>>, vector<1x16xf32>,
          %get3A_619 = vector.shape_cast %get3A_618 : vector<1x16xf32> to vector<16xf32>
          %get3A_620 = arith.index_cast %add3A_502 : i32 to index
          %get3A_621 = arith.constant 80 : index
          %get3A_622 = tpu.vector_load %arg11[%get3A_620, %get3A_621] {strides = array<i32>} : memref<256x128xf32, #tpu.memory_space<vmem>>, vector<1x16xf32>,
          %get3A_623 = vector.shape_cast %get3A_622 : vector<1x16xf32> to vector<16xf32>
          %get3A_624 = arith.index_cast %add3A_502 : i32 to index
          %get3A_625 = arith.constant 96 : index
          %get3A_626 = tpu.vector_load %arg11[%get3A_624, %get3A_625] {strides = array<i32>} : memref<256x128xf32, #tpu.memory_space<vmem>>, vector<1x16xf32>,
          %get3A_627 = vector.shape_cast %get3A_626 : vector<1x16xf32> to vector<16xf32>
          %get3A_628 = arith.index_cast %add3A_502 : i32 to index
          %get3A_629 = arith.constant 112 : index
          %get3A_630 = tpu.vector_load %arg11[%get3A_628, %get3A_629] {strides = array<i32>} : memref<256x128xf32, #tpu.memory_space<vmem>>, vector<1x16xf32>,
          %get3A_631 = vector.shape_cast %get3A_630 : vector<1x16xf32> to vector<16xf32>
          %max3A_632 = arith.maximumf %max3A_547, %get3A_603 : vector<16xf32>
          %max3A_633 = arith.maximumf %max3A_548, %get3A_607 : vector<16xf32>
          %max3A_634 = arith.maximumf %max3A_549, %get3A_611 : vector<16xf32>
          %max3A_635 = arith.maximumf %max3A_550, %get3A_615 : vector<16xf32>
          %max3A_636 = arith.maximumf %max3A_551, %get3A_619 : vector<16xf32>
          %max3A_637 = arith.maximumf %max3A_552, %get3A_623 : vector<16xf32>
          %max3A_638 = arith.maximumf %max3A_553, %get3A_627 : vector<16xf32>
          %max3A_639 = arith.maximumf %max3A_554, %get3A_631 : vector<16xf32>
          %add3A_640 = arith.addf %add3A_555, %get3A_603 : vector<16xf32>
          %add3A_641 = arith.addf %add3A_556, %get3A_607 : vector<16xf32>
          %add3A_642 = arith.addf %add3A_557, %get3A_611 : vector<16xf32>
          %add3A_643 = arith.addf %add3A_558, %get3A_615 : vector<16xf32>
          %add3A_644 = arith.addf %add3A_559, %get3A_619 : vector<16xf32>
          %add3A_645 = arith.addf %add3A_560, %get3A_623 : vector<16xf32>
          %add3A_646 = arith.addf %add3A_561, %get3A_627 : vector<16xf32>
          %add3A_647 = arith.addf %add3A_562, %get3A_631 : vector<16xf32>
          %mul3A_648 = arith.mulf %add3A_565, %exp3A_595 : vector<16xf32>
          %mul3A_649 = arith.mulf %get3A_603, %exp3A_597 : vector<16xf32>
          %add3A_650 = arith.addf %mul3A_648, %mul3A_649 : vector<16xf32>
          %mul3A_651 = arith.mulf %add3A_568, %exp3A_595 : vector<16xf32>
          %mul3A_652 = arith.mulf %get3A_607, %exp3A_597 : vector<16xf32>
          %add3A_653 = arith.addf %mul3A_651, %mul3A_652 : vector<16xf32>
          %mul3A_654 = arith.mulf %add3A_571, %exp3A_595 : vector<16xf32>
          %mul3A_655 = arith.mulf %get3A_611, %exp3A_597 : vector<16xf32>
          %add3A_656 = arith.addf %mul3A_654, %mul3A_655 : vector<16xf32>
          %mul3A_657 = arith.mulf %add3A_574, %exp3A_595 : vector<16xf32>
          %mul3A_658 = arith.mulf %get3A_615, %exp3A_597 : vector<16xf32>
          %add3A_659 = arith.addf %mul3A_657, %mul3A_658 : vector<16xf32>
          %mul3A_660 = arith.mulf %add3A_577, %exp3A_595 : vector<16xf32>
          %mul3A_661 = arith.mulf %get3A_619, %exp3A_597 : vector<16xf32>
          %add3A_662 = arith.addf %mul3A_660, %mul3A_661 : vector<16xf32>
          %mul3A_663 = arith.mulf %add3A_580, %exp3A_595 : vector<16xf32>
          %mul3A_664 = arith.mulf %get3A_623, %exp3A_597 : vector<16xf32>
          %add3A_665 = arith.addf %mul3A_663, %mul3A_664 : vector<16xf32>
          %mul3A_666 = arith.mulf %add3A_583, %exp3A_595 : vector<16xf32>
          %mul3A_667 = arith.mulf %get3A_627, %exp3A_597 : vector<16xf32>
          %add3A_668 = arith.addf %mul3A_666, %mul3A_667 : vector<16xf32>
          %mul3A_669 = arith.mulf %add3A_586, %exp3A_595 : vector<16xf32>
          %mul3A_670 = arith.mulf %get3A_631, %exp3A_597 : vector<16xf32>
          %add3A_671 = arith.addf %mul3A_669, %mul3A_670 : vector<16xf32>
          scf.yield %max3A_632, %max3A_633, %max3A_634, %max3A_635, %max3A_636, %max3A_637, %max3A_638, %max3A_639, %add3A_640, %add3A_641, %add3A_642, %add3A_643, %add3A_644, %add3A_645, %add3A_646, %add3A_647, %add3A_650, %add3A_653, %add3A_656, %add3A_659, %add3A_662, %add3A_665, %add3A_668, %add3A_671, %max3A_593, %add3A_599 : vector<16xf32>, vector<16xf32>, vector<16xf32>, vector<16xf32>, vector<16xf32>, vector<16xf32>, vector<16xf32>, vector<16xf32>, vector<16xf32>, vector<16xf32>, vector<16xf32>, vector<16xf32>, vector<16xf32>, vector<16xf32>, vector<16xf32>, vector<16xf32>, vector<16xf32>, vector<16xf32>, vector<16xf32>, vector<16xf32>, vector<16xf32>, vector<16xf32>, vector<16xf32>, vector<16xf32>, vector<16xf32>, vector<16xf32>
        }
        scf.yield %while3A_469#0, %while3A_469#1, %while3A_469#2, %while3A_469#3, %while3A_469#4, %while3A_469#5, %while3A_469#6, %while3A_469#7, %while3A_469#8, %while3A_469#9, %while3A_469#10, %while3A_469#11, %while3A_469#12, %while3A_469#13, %while3A_469#14, %while3A_469#15, %while3A_469#16, %while3A_469#17, %while3A_469#18, %while3A_469#19, %while3A_469#20, %while3A_469#21, %while3A_469#22, %while3A_469#23, %while3A_469#24, %while3A_469#25, %select_n3A_404 : vector<16xf32>, vector<16xf32>, vector<16xf32>, vector<16xf32>, vector<16xf32>, vector<16xf32>, vector<16xf32>, vector<16xf32>, vector<16xf32>, vector<16xf32>, vector<16xf32>, vector<16xf32>, vector<16xf32>, vector<16xf32>, vector<16xf32>, vector<16xf32>, vector<16xf32>, vector<16xf32>, vector<16xf32>, vector<16xf32>, vector<16xf32>, vector<16xf32>, vector<16xf32>, vector<16xf32>, vector<16xf32>, vector<16xf32>, i32
      }
      %while3A_156 = arith.constant 1 : i32
      %while3A_157:27 = scf.for %while3A_364 = %while3A_153 to %while3A_149 step %while3A_156 iter_args(%while3A_365 = %while3A_155#0, %while3A_366 = %while3A_155#1, %while3A_367 = %while3A_155#2, %while3A_368 = %while3A_155#3, %while3A_369 = %while3A_155#4, %while3A_370 = %while3A_155#5, %while3A_371 = %while3A_155#6, %while3A_372 = %while3A_155#7, %while3A_373 = %while3A_155#8, %while3A_374 = %while3A_155#9, %while3A_375 = %while3A_155#10, %while3A_376 = %while3A_155#11, %while3A_377 = %while3A_155#12, %while3A_378 = %while3A_155#13, %while3A_379 = %while3A_155#14, %while3A_380 = %while3A_155#15, %while3A_381 = %while3A_155#16, %while3A_382 = %while3A_155#17, %while3A_383 = %while3A_155#18, %while3A_384 = %while3A_155#19, %while3A_385 = %while3A_155#20, %while3A_386 = %while3A_155#21, %while3A_387 = %while3A_155#22, %while3A_388 = %while3A_155#23, %while3A_389 = %while3A_155#24, %while3A_390 = %while3A_155#25, %while3A_391 = %while3A_155#26) -> (vector<16xf32>, vector<16xf32>, vector<16xf32>, vector<16xf32>, vector<16xf32>, vector<16xf32>, vector<16xf32>, vector<16xf32>, vector<16xf32>, vector<16xf32>, vector<16xf32>, vector<16xf32>, vector<16xf32>, vector<16xf32>, vector<16xf32>, vector<16xf32>, vector<16xf32>, vector<16xf32>, vector<16xf32>, vector<16xf32>, vector<16xf32>, vector<16xf32>, vector<16xf32>, vector<16xf32>, vector<16xf32>, vector<16xf32>, i32)  : i32 {
        %add3A_392 = arith.addi %select_n3A_114, %while3A_364 : i32
        %ge3A = arith.cmpi sge, %add3A_392, %while3A_391 : i32
        %add3A_393 = arith.constant 1 : i32
        %add3A_394 = arith.addi %add3A_392, %add3A_393 : i32
        %lt3A = arith.cmpi slt, %add3A_394, %select_n3A_61 : i32
        %and3A_395 = arith.andi %ge3A, %lt3A : i1
        %convert_element_type3A_396 = arith.extui %and3A_395 : i1 to i32
        %cond3A_397 = arith.constant 0 : i32
        %cond3A_398 = arith.cmpi ne, %convert_element_type3A_396, %cond3A_397 : i32
        scf.if %cond3A_398 {
          %add3A_470 = arith.constant 1 : i32
          %add3A_471 = arith.addi %add3A_392, %add3A_470 : i32
          %mul3A_472 = arith.constant 128 : i32
          %mul3A_473 = arith.muli %add3A_471, %mul3A_472 : i32
          %add3A_474 = arith.addi %mul3A_30, %mul3A_473 : i32
          %min3A_475 = arith.constant 99872 : i32
          %min3A_476 = arith.minsi %add3A_474, %min3A_475 : i32
          %and3A_477 = arith.constant 1 : i32
          %and3A_478 = arith.andi %add3A_471, %and3A_477 : i32
          %eq3A = arith.constant 0 : i32
          %eq3A_479 = arith.cmpi eq, %and3A_478, %eq3A : i32
          %convert_element_type3A_480 = arith.extui %eq3A_479 : i1 to i32
          %cond3A_481 = arith.constant 0 : i32
          %cond3A_482 = arith.cmpi ne, %convert_element_type3A_480, %cond3A_481 : i32
          scf.if %cond3A_482 {
            %dma_start3A = arith.constant 0 : i32
            %dma_start3A_490 = arith.constant 0 : i32
            %dma_start3A_491 = tpu.memref_slice %arg11[%dma_start3A, %dma_start3A_490] : memref<256x128xf32, #tpu.memory_space<vmem>> -> memref<128x128xf32, #tpu.memory_space<vmem>>
            %dma_start3A_492 = arith.constant 0 : i32
            %dma_start3A_493 = tpu.memref_slice %arg2[%min3A_476, %dma_start3A_492] : memref<100000x128xf32, #tpu.memory_space<hbm>> -> memref<128x128xf32, #tpu.memory_space<hbm>>
            %dma_start3A_494 = arith.constant 0 : i32
            %dma_start3A_495 = arith.constant 0 : i32
            %dma_start3A_496 = tpu.memref_slice %arg11[%dma_start3A_494, %dma_start3A_495] : memref<256x128xf32, #tpu.memory_space<vmem>> -> memref<128x128xf32, #tpu.memory_space<vmem>>
            %dma_start3A_497 = arith.constant 0 : i32
            %dma_start3A_498 = tpu.memref_slice %arg2[%min3A_476, %dma_start3A_497] : memref<100000x128xf32, #tpu.memory_space<hbm>> -> memref<128x128xf32, #tpu.memory_space<hbm>>
            tpu.enqueue_dma source(%dma_start3A_498 : memref<128x128xf32, #tpu.memory_space<hbm>>) target(%dma_start3A_496 : memref<128x128xf32, #tpu.memory_space<vmem>>) target_semaphore(%arg18 : memref<!tpu.dma_semaphore, #tpu.memory_space<semaphore_mem>>)
            %dma_start3A_499 = arith.constant 0 : i32
            %dma_start3A_500 = tpu.memref_slice %arg12[%dma_start3A_499] : memref<272xf32, #tpu.memory_space<vmem>> -> memref<128xf32, #tpu.memory_space<vmem>>
            %dma_start3A_501 = tpu.memref_slice %arg3[%min3A_476] : memref<100000xf32, #tpu.memory_space<hbm>> -> memref<128xf32, #tpu.memory_space<hbm>>
            %dma_start3A_502 = arith.constant 0 : i32
            %dma_start3A_503 = tpu.memref_slice %arg12[%dma_start3A_502] : memref<272xf32, #tpu.memory_space<vmem>> -> memref<128xf32, #tpu.memory_space<vmem>>
            %dma_start3A_504 = tpu.memref_slice %arg3[%min3A_476] : memref<100000xf32, #tpu.memory_space<hbm>> -> memref<128xf32, #tpu.memory_space<hbm>>
            tpu.enqueue_dma source(%dma_start3A_504 : memref<128xf32, #tpu.memory_space<hbm>>) target(%dma_start3A_503 : memref<128xf32, #tpu.memory_space<vmem>>) target_semaphore(%arg20 : memref<!tpu.dma_semaphore, #tpu.memory_space<semaphore_mem>>)
          } else {
          }
          %and3A_483 = arith.constant 1 : i32
          %and3A_484 = arith.andi %add3A_471, %and3A_483 : i32
          %eq3A_485 = arith.constant 1 : i32
          %eq3A_486 = arith.cmpi eq, %and3A_484, %eq3A_485 : i32
          %convert_element_type3A_487 = arith.extui %eq3A_486 : i1 to i32
          %cond3A_488 = arith.constant 0 : i32
          %cond3A_489 = arith.cmpi ne, %convert_element_type3A_487, %cond3A_488 : i32
          scf.if %cond3A_489 {
            %dma_start3A = arith.constant 128 : i32
            %dma_start3A_490 = arith.constant 0 : i32
            %dma_start3A_491 = tpu.memref_slice %arg11[%dma_start3A, %dma_start3A_490] : memref<256x128xf32, #tpu.memory_space<vmem>> -> memref<128x128xf32, #tpu.memory_space<vmem>>
            %dma_start3A_492 = arith.constant 0 : i32
            %dma_start3A_493 = tpu.memref_slice %arg2[%min3A_476, %dma_start3A_492] : memref<100000x128xf32, #tpu.memory_space<hbm>> -> memref<128x128xf32, #tpu.memory_space<hbm>>
            %dma_start3A_494 = arith.constant 128 : i32
            %dma_start3A_495 = arith.constant 0 : i32
            %dma_start3A_496 = tpu.memref_slice %arg11[%dma_start3A_494, %dma_start3A_495] : memref<256x128xf32, #tpu.memory_space<vmem>> -> memref<128x128xf32, #tpu.memory_space<vmem>>
            %dma_start3A_497 = arith.constant 0 : i32
            %dma_start3A_498 = tpu.memref_slice %arg2[%min3A_476, %dma_start3A_497] : memref<100000x128xf32, #tpu.memory_space<hbm>> -> memref<128x128xf32, #tpu.memory_space<hbm>>
            tpu.enqueue_dma source(%dma_start3A_498 : memref<128x128xf32, #tpu.memory_space<hbm>>) target(%dma_start3A_496 : memref<128x128xf32, #tpu.memory_space<vmem>>) target_semaphore(%arg19 : memref<!tpu.dma_semaphore, #tpu.memory_space<semaphore_mem>>)
            %dma_start3A_499 = arith.constant 128 : i32
            %dma_start3A_500 = tpu.memref_slice %arg12[%dma_start3A_499] : memref<272xf32, #tpu.memory_space<vmem>> -> memref<128xf32, #tpu.memory_space<vmem>>
            %dma_start3A_501 = tpu.memref_slice %arg3[%min3A_476] : memref<100000xf32, #tpu.memory_space<hbm>> -> memref<128xf32, #tpu.memory_space<hbm>>
            %dma_start3A_502 = arith.constant 128 : i32
            %dma_start3A_503 = tpu.memref_slice %arg12[%dma_start3A_502] : memref<272xf32, #tpu.memory_space<vmem>> -> memref<128xf32, #tpu.memory_space<vmem>>
            %dma_start3A_504 = tpu.memref_slice %arg3[%min3A_476] : memref<100000xf32, #tpu.memory_space<hbm>> -> memref<128xf32, #tpu.memory_space<hbm>>
            tpu.enqueue_dma source(%dma_start3A_504 : memref<128xf32, #tpu.memory_space<hbm>>) target(%dma_start3A_503 : memref<128xf32, #tpu.memory_space<vmem>>) target_semaphore(%arg21 : memref<!tpu.dma_semaphore, #tpu.memory_space<semaphore_mem>>)
          } else {
          }
        } else {
        }
        %convert_element_type3A_399 = arith.extui %ge3A : i1 to i32
        %cond3A_400 = arith.constant 0 : i32
        %cond3A_401 = arith.cmpi ne, %convert_element_type3A_399, %cond3A_400 : i32
        scf.if %cond3A_401 {
          %and3A_470 = arith.constant 1 : i32
          %and3A_471 = arith.andi %add3A_392, %and3A_470 : i32
          %eq3A = arith.constant 0 : i32
          %eq3A_472 = arith.cmpi eq, %and3A_471, %eq3A : i32
          %convert_element_type3A_473 = arith.extui %eq3A_472 : i1 to i32
          %cond3A_474 = arith.constant 0 : i32
          %cond3A_475 = arith.cmpi ne, %convert_element_type3A_473, %cond3A_474 : i32
          scf.if %cond3A_475 {
            %dma_wait3A = arith.constant 0 : i32
            %dma_wait3A_483 = arith.constant 0 : i32
            %dma_wait3A_484 = tpu.memref_slice %arg11[%dma_wait3A, %dma_wait3A_483] : memref<256x128xf32, #tpu.memory_space<vmem>> -> memref<128x128xf32, #tpu.memory_space<vmem>>
            %dma_wait3A_485 = arith.constant 0 : i32
            %dma_wait3A_486 = arith.constant 0 : i32
            %dma_wait3A_487 = tpu.memref_slice %arg2[%dma_wait3A_485, %dma_wait3A_486] : memref<100000x128xf32, #tpu.memory_space<hbm>> -> memref<128x128xf32, #tpu.memory_space<hbm>>
            %dma_wait3A_488 = arith.constant 0 : i32
            %dma_wait3A_489 = arith.constant 0 : i32
            %dma_wait3A_490 = tpu.memref_slice %arg11[%dma_wait3A_488, %dma_wait3A_489] : memref<256x128xf32, #tpu.memory_space<vmem>> -> memref<128x128xf32, #tpu.memory_space<vmem>>
            %dma_wait3A_491 = arith.constant 0 : i32
            %dma_wait3A_492 = arith.constant 0 : i32
            %dma_wait3A_493 = tpu.memref_slice %arg2[%dma_wait3A_491, %dma_wait3A_492] : memref<100000x128xf32, #tpu.memory_space<hbm>> -> memref<128x128xf32, #tpu.memory_space<hbm>>
            tpu.wait_dma2 semaphore(%arg18 : memref<!tpu.dma_semaphore, #tpu.memory_space<semaphore_mem>>) src(%dma_wait3A_493 : memref<128x128xf32, #tpu.memory_space<hbm>>) dst(%dma_wait3A_490 : memref<128x128xf32, #tpu.memory_space<vmem>>)
            %dma_wait3A_494 = arith.constant 0 : i32
            %dma_wait3A_495 = tpu.memref_slice %arg12[%dma_wait3A_494] : memref<272xf32, #tpu.memory_space<vmem>> -> memref<128xf32, #tpu.memory_space<vmem>>
            %dma_wait3A_496 = arith.constant 0 : i32
            %dma_wait3A_497 = tpu.memref_slice %arg3[%dma_wait3A_496] : memref<100000xf32, #tpu.memory_space<hbm>> -> memref<128xf32, #tpu.memory_space<hbm>>
            %dma_wait3A_498 = arith.constant 0 : i32
            %dma_wait3A_499 = tpu.memref_slice %arg12[%dma_wait3A_498] : memref<272xf32, #tpu.memory_space<vmem>> -> memref<128xf32, #tpu.memory_space<vmem>>
            %dma_wait3A_500 = arith.constant 0 : i32
            %dma_wait3A_501 = tpu.memref_slice %arg3[%dma_wait3A_500] : memref<100000xf32, #tpu.memory_space<hbm>> -> memref<128xf32, #tpu.memory_space<hbm>>
            tpu.wait_dma2 semaphore(%arg20 : memref<!tpu.dma_semaphore, #tpu.memory_space<semaphore_mem>>) src(%dma_wait3A_501 : memref<128xf32, #tpu.memory_space<hbm>>) dst(%dma_wait3A_499 : memref<128xf32, #tpu.memory_space<vmem>>)
          } else {
          }
          %and3A_476 = arith.constant 1 : i32
          %and3A_477 = arith.andi %add3A_392, %and3A_476 : i32
          %eq3A_478 = arith.constant 1 : i32
          %eq3A_479 = arith.cmpi eq, %and3A_477, %eq3A_478 : i32
          %convert_element_type3A_480 = arith.extui %eq3A_479 : i1 to i32
          %cond3A_481 = arith.constant 0 : i32
          %cond3A_482 = arith.cmpi ne, %convert_element_type3A_480, %cond3A_481 : i32
          scf.if %cond3A_482 {
            %dma_wait3A = arith.constant 128 : i32
            %dma_wait3A_483 = arith.constant 0 : i32
            %dma_wait3A_484 = tpu.memref_slice %arg11[%dma_wait3A, %dma_wait3A_483] : memref<256x128xf32, #tpu.memory_space<vmem>> -> memref<128x128xf32, #tpu.memory_space<vmem>>
            %dma_wait3A_485 = arith.constant 0 : i32
            %dma_wait3A_486 = arith.constant 0 : i32
            %dma_wait3A_487 = tpu.memref_slice %arg2[%dma_wait3A_485, %dma_wait3A_486] : memref<100000x128xf32, #tpu.memory_space<hbm>> -> memref<128x128xf32, #tpu.memory_space<hbm>>
            %dma_wait3A_488 = arith.constant 128 : i32
            %dma_wait3A_489 = arith.constant 0 : i32
            %dma_wait3A_490 = tpu.memref_slice %arg11[%dma_wait3A_488, %dma_wait3A_489] : memref<256x128xf32, #tpu.memory_space<vmem>> -> memref<128x128xf32, #tpu.memory_space<vmem>>
            %dma_wait3A_491 = arith.constant 0 : i32
            %dma_wait3A_492 = arith.constant 0 : i32
            %dma_wait3A_493 = tpu.memref_slice %arg2[%dma_wait3A_491, %dma_wait3A_492] : memref<100000x128xf32, #tpu.memory_space<hbm>> -> memref<128x128xf32, #tpu.memory_space<hbm>>
            tpu.wait_dma2 semaphore(%arg19 : memref<!tpu.dma_semaphore, #tpu.memory_space<semaphore_mem>>) src(%dma_wait3A_493 : memref<128x128xf32, #tpu.memory_space<hbm>>) dst(%dma_wait3A_490 : memref<128x128xf32, #tpu.memory_space<vmem>>)
            %dma_wait3A_494 = arith.constant 128 : i32
            %dma_wait3A_495 = tpu.memref_slice %arg12[%dma_wait3A_494] : memref<272xf32, #tpu.memory_space<vmem>> -> memref<128xf32, #tpu.memory_space<vmem>>
            %dma_wait3A_496 = arith.constant 0 : i32
            %dma_wait3A_497 = tpu.memref_slice %arg3[%dma_wait3A_496] : memref<100000xf32, #tpu.memory_space<hbm>> -> memref<128xf32, #tpu.memory_space<hbm>>
            %dma_wait3A_498 = arith.constant 128 : i32
            %dma_wait3A_499 = tpu.memref_slice %arg12[%dma_wait3A_498] : memref<272xf32, #tpu.memory_space<vmem>> -> memref<128xf32, #tpu.memory_space<vmem>>
            %dma_wait3A_500 = arith.constant 0 : i32
            %dma_wait3A_501 = tpu.memref_slice %arg3[%dma_wait3A_500] : memref<100000xf32, #tpu.memory_space<hbm>> -> memref<128xf32, #tpu.memory_space<hbm>>
            tpu.wait_dma2 semaphore(%arg21 : memref<!tpu.dma_semaphore, #tpu.memory_space<semaphore_mem>>) src(%dma_wait3A_501 : memref<128xf32, #tpu.memory_space<hbm>>) dst(%dma_wait3A_499 : memref<128xf32, #tpu.memory_space<vmem>>)
          } else {
          }
        } else {
        }
        %add3A_402 = arith.constant 1 : i32
        %add3A_403 = arith.addi %add3A_392, %add3A_402 : i32
        %select_n3A_404 = arith.select %ge3A, %add3A_403, %while3A_391 : i32
        %mul3A_405 = arith.constant 128 : i32
        %mul3A_406 = arith.muli %add3A_392, %mul3A_405 : i32
        %add3A_407 = arith.addi %mul3A_30, %mul3A_406 : i32
        %min3A = arith.constant 99872 : i32
        %min3A_408 = arith.minsi %add3A_407, %min3A : i32
        %and3A_409 = arith.constant 1 : i32
        %and3A_410 = arith.andi %add3A_392, %and3A_409 : i32
        %mul3A_411 = arith.constant 128 : i32
        %mul3A_412 = arith.muli %and3A_410, %mul3A_411 : i32
        %sub3A_413 = arith.subi %mul3A_412, %min3A_408 : i32
        %max3A = arith.maxsi %squeeze3A_87, %add3A_407 : i32
        %add3A_414 = arith.constant 128 : i32
        %add3A_415 = arith.addi %add3A_407, %add3A_414 : i32
        %min3A_416 = arith.minsi %squeeze3A_89, %add3A_415 : i32
        %add3A_417 = arith.addi %max3A, %sub3A_413 : i32
        %add3A_418 = arith.addi %min3A_416, %sub3A_413 : i32
        %sub3A_419 = arith.subi %add3A_418, %add3A_417 : i32
        %and3A_420 = arith.constant 1 : i32
        %and3A_421 = arith.andi %sub3A_419, %and3A_420 : i32
        %add3A_422 = arith.addi %add3A_417, %and3A_421 : i32
        %while3A_423 = arith.subi %add3A_422, %add3A_417 : i32
        %while3A_424 = arith.addi %add3A_417, %while3A_423 : i32
        %while3A_425 = arith.constant 1 : i32
        %while3A_426 = arith.divsi %while3A_423, %while3A_425 : i32
        %while3A_427 = arith.muli %while3A_426, %while3A_425 : i32
        %while3A_428 = arith.addi %add3A_417, %while3A_427 : i32
        %while3A_429 = arith.constant 1 : i32
        %while3A_430:26 = scf.for %while3A_470 = %add3A_417 to %while3A_428 step %while3A_429 iter_args(%while3A_471 = %while3A_365, %while3A_472 = %while3A_366, %while3A_473 = %while3A_367, %while3A_474 = %while3A_368, %while3A_475 = %while3A_369, %while3A_476 = %while3A_370, %while3A_477 = %while3A_371, %while3A_478 = %while3A_372, %while3A_479 = %while3A_373, %while3A_480 = %while3A_374, %while3A_481 = %while3A_375, %while3A_482 = %while3A_376, %while3A_483 = %while3A_377, %while3A_484 = %while3A_378, %while3A_485 = %while3A_379, %while3A_486 = %while3A_380, %while3A_487 = %while3A_381, %while3A_488 = %while3A_382, %while3A_489 = %while3A_383, %while3A_490 = %while3A_384, %while3A_491 = %while3A_385, %while3A_492 = %while3A_386, %while3A_493 = %while3A_387, %while3A_494 = %while3A_388, %while3A_495 = %while3A_389, %while3A_496 = %while3A_390) -> (vector<16xf32>, vector<16xf32>, vector<16xf32>, vector<16xf32>, vector<16xf32>, vector<16xf32>, vector<16xf32>, vector<16xf32>, vector<16xf32>, vector<16xf32>, vector<16xf32>, vector<16xf32>, vector<16xf32>, vector<16xf32>, vector<16xf32>, vector<16xf32>, vector<16xf32>, vector<16xf32>, vector<16xf32>, vector<16xf32>, vector<16xf32>, vector<16xf32>, vector<16xf32>, vector<16xf32>, vector<16xf32>, vector<16xf32>)  : i32 {
          %get3A_497 = arith.index_cast %while3A_470 : i32 to index
          %get3A_498 = tpu.vector_load %arg12[%get3A_497] {strides = array<i32>} : memref<272xf32, #tpu.memory_space<vmem>>, vector<16xf32>,
          %get3A_499 = vector.shape_cast %get3A_498 : vector<16xf32> to vector<16xf32>
          %slice3A_500 = vector.extract_strided_slice %get3A_499 {offsets = [0], sizes = [1], strides = [1]} : vector<16xf32> to vector<1xf32>
          %squeeze3A_501 = vector.extract %slice3A_500[0] : f32 from vector<1xf32>
          %broadcast_in_dim3A_502 = vector.broadcast %squeeze3A_501 : f32 to vector<16xf32>
          %max3A_503 = arith.maximumf %while3A_495, %broadcast_in_dim3A_502 : vector<16xf32>
          %sub3A_504 = arith.subf %while3A_495, %max3A_503 : vector<16xf32>
          %exp3A = math.exp %sub3A_504 : vector<16xf32>
          %sub3A_505 = arith.subf %broadcast_in_dim3A_502, %max3A_503 : vector<16xf32>
          %exp3A_506 = math.exp %sub3A_505 : vector<16xf32>
          %mul3A_507 = arith.mulf %while3A_496, %exp3A : vector<16xf32>
          %add3A_508 = arith.addf %mul3A_507, %exp3A_506 : vector<16xf32>
          %get3A_509 = arith.index_cast %while3A_470 : i32 to index
          %get3A_510 = arith.constant 0 : index
          %get3A_511 = tpu.vector_load %arg11[%get3A_509, %get3A_510] {strides = array<i32>} : memref<256x128xf32, #tpu.memory_space<vmem>>, vector<1x16xf32>,
          %get3A_512 = vector.shape_cast %get3A_511 : vector<1x16xf32> to vector<16xf32>
          %get3A_513 = arith.index_cast %while3A_470 : i32 to index
          %get3A_514 = arith.constant 16 : index
          %get3A_515 = tpu.vector_load %arg11[%get3A_513, %get3A_514] {strides = array<i32>} : memref<256x128xf32, #tpu.memory_space<vmem>>, vector<1x16xf32>,
          %get3A_516 = vector.shape_cast %get3A_515 : vector<1x16xf32> to vector<16xf32>
          %get3A_517 = arith.index_cast %while3A_470 : i32 to index
          %get3A_518 = arith.constant 32 : index
          %get3A_519 = tpu.vector_load %arg11[%get3A_517, %get3A_518] {strides = array<i32>} : memref<256x128xf32, #tpu.memory_space<vmem>>, vector<1x16xf32>,
          %get3A_520 = vector.shape_cast %get3A_519 : vector<1x16xf32> to vector<16xf32>
          %get3A_521 = arith.index_cast %while3A_470 : i32 to index
          %get3A_522 = arith.constant 48 : index
          %get3A_523 = tpu.vector_load %arg11[%get3A_521, %get3A_522] {strides = array<i32>} : memref<256x128xf32, #tpu.memory_space<vmem>>, vector<1x16xf32>,
          %get3A_524 = vector.shape_cast %get3A_523 : vector<1x16xf32> to vector<16xf32>
          %get3A_525 = arith.index_cast %while3A_470 : i32 to index
          %get3A_526 = arith.constant 64 : index
          %get3A_527 = tpu.vector_load %arg11[%get3A_525, %get3A_526] {strides = array<i32>} : memref<256x128xf32, #tpu.memory_space<vmem>>, vector<1x16xf32>,
          %get3A_528 = vector.shape_cast %get3A_527 : vector<1x16xf32> to vector<16xf32>
          %get3A_529 = arith.index_cast %while3A_470 : i32 to index
          %get3A_530 = arith.constant 80 : index
          %get3A_531 = tpu.vector_load %arg11[%get3A_529, %get3A_530] {strides = array<i32>} : memref<256x128xf32, #tpu.memory_space<vmem>>, vector<1x16xf32>,
          %get3A_532 = vector.shape_cast %get3A_531 : vector<1x16xf32> to vector<16xf32>
          %get3A_533 = arith.index_cast %while3A_470 : i32 to index
          %get3A_534 = arith.constant 96 : index
          %get3A_535 = tpu.vector_load %arg11[%get3A_533, %get3A_534] {strides = array<i32>} : memref<256x128xf32, #tpu.memory_space<vmem>>, vector<1x16xf32>,
          %get3A_536 = vector.shape_cast %get3A_535 : vector<1x16xf32> to vector<16xf32>
          %get3A_537 = arith.index_cast %while3A_470 : i32 to index
          %get3A_538 = arith.constant 112 : index
          %get3A_539 = tpu.vector_load %arg11[%get3A_537, %get3A_538] {strides = array<i32>} : memref<256x128xf32, #tpu.memory_space<vmem>>, vector<1x16xf32>,
          %get3A_540 = vector.shape_cast %get3A_539 : vector<1x16xf32> to vector<16xf32>
          %max3A_541 = arith.maximumf %while3A_471, %get3A_512 : vector<16xf32>
          %max3A_542 = arith.maximumf %while3A_472, %get3A_516 : vector<16xf32>
          %max3A_543 = arith.maximumf %while3A_473, %get3A_520 : vector<16xf32>
          %max3A_544 = arith.maximumf %while3A_474, %get3A_524 : vector<16xf32>
          %max3A_545 = arith.maximumf %while3A_475, %get3A_528 : vector<16xf32>
          %max3A_546 = arith.maximumf %while3A_476, %get3A_532 : vector<16xf32>
          %max3A_547 = arith.maximumf %while3A_477, %get3A_536 : vector<16xf32>
          %max3A_548 = arith.maximumf %while3A_478, %get3A_540 : vector<16xf32>
          %add3A_549 = arith.addf %while3A_479, %get3A_512 : vector<16xf32>
          %add3A_550 = arith.addf %while3A_480, %get3A_516 : vector<16xf32>
          %add3A_551 = arith.addf %while3A_481, %get3A_520 : vector<16xf32>
          %add3A_552 = arith.addf %while3A_482, %get3A_524 : vector<16xf32>
          %add3A_553 = arith.addf %while3A_483, %get3A_528 : vector<16xf32>
          %add3A_554 = arith.addf %while3A_484, %get3A_532 : vector<16xf32>
          %add3A_555 = arith.addf %while3A_485, %get3A_536 : vector<16xf32>
          %add3A_556 = arith.addf %while3A_486, %get3A_540 : vector<16xf32>
          %mul3A_557 = arith.mulf %while3A_487, %exp3A : vector<16xf32>
          %mul3A_558 = arith.mulf %get3A_512, %exp3A_506 : vector<16xf32>
          %add3A_559 = arith.addf %mul3A_557, %mul3A_558 : vector<16xf32>
          %mul3A_560 = arith.mulf %while3A_488, %exp3A : vector<16xf32>
          %mul3A_561 = arith.mulf %get3A_516, %exp3A_506 : vector<16xf32>
          %add3A_562 = arith.addf %mul3A_560, %mul3A_561 : vector<16xf32>
          %mul3A_563 = arith.mulf %while3A_489, %exp3A : vector<16xf32>
          %mul3A_564 = arith.mulf %get3A_520, %exp3A_506 : vector<16xf32>
          %add3A_565 = arith.addf %mul3A_563, %mul3A_564 : vector<16xf32>
          %mul3A_566 = arith.mulf %while3A_490, %exp3A : vector<16xf32>
          %mul3A_567 = arith.mulf %get3A_524, %exp3A_506 : vector<16xf32>
          %add3A_568 = arith.addf %mul3A_566, %mul3A_567 : vector<16xf32>
          %mul3A_569 = arith.mulf %while3A_491, %exp3A : vector<16xf32>
          %mul3A_570 = arith.mulf %get3A_528, %exp3A_506 : vector<16xf32>
          %add3A_571 = arith.addf %mul3A_569, %mul3A_570 : vector<16xf32>
          %mul3A_572 = arith.mulf %while3A_492, %exp3A : vector<16xf32>
          %mul3A_573 = arith.mulf %get3A_532, %exp3A_506 : vector<16xf32>
          %add3A_574 = arith.addf %mul3A_572, %mul3A_573 : vector<16xf32>
          %mul3A_575 = arith.mulf %while3A_493, %exp3A : vector<16xf32>
          %mul3A_576 = arith.mulf %get3A_536, %exp3A_506 : vector<16xf32>
          %add3A_577 = arith.addf %mul3A_575, %mul3A_576 : vector<16xf32>
          %mul3A_578 = arith.mulf %while3A_494, %exp3A : vector<16xf32>
          %mul3A_579 = arith.mulf %get3A_540, %exp3A_506 : vector<16xf32>
          %add3A_580 = arith.addf %mul3A_578, %mul3A_579 : vector<16xf32>
          scf.yield %max3A_541, %max3A_542, %max3A_543, %max3A_544, %max3A_545, %max3A_546, %max3A_547, %max3A_548, %add3A_549, %add3A_550, %add3A_551, %add3A_552, %add3A_553, %add3A_554, %add3A_555, %add3A_556, %add3A_559, %add3A_562, %add3A_565, %add3A_568, %add3A_571, %add3A_574, %add3A_577, %add3A_580, %max3A_503, %add3A_508 : vector<16xf32>, vector<16xf32>, vector<16xf32>, vector<16xf32>, vector<16xf32>, vector<16xf32>, vector<16xf32>, vector<16xf32>, vector<16xf32>, vector<16xf32>, vector<16xf32>, vector<16xf32>, vector<16xf32>, vector<16xf32>, vector<16xf32>, vector<16xf32>, vector<16xf32>, vector<16xf32>, vector<16xf32>, vector<16xf32>, vector<16xf32>, vector<16xf32>, vector<16xf32>, vector<16xf32>, vector<16xf32>, vector<16xf32>
        }
        %while3A_431 = arith.constant 1 : i32
        %while3A_432:26 = scf.for %while3A_470 = %while3A_428 to %while3A_424 step %while3A_431 iter_args(%while3A_471 = %while3A_430#0, %while3A_472 = %while3A_430#1, %while3A_473 = %while3A_430#2, %while3A_474 = %while3A_430#3, %while3A_475 = %while3A_430#4, %while3A_476 = %while3A_430#5, %while3A_477 = %while3A_430#6, %while3A_478 = %while3A_430#7, %while3A_479 = %while3A_430#8, %while3A_480 = %while3A_430#9, %while3A_481 = %while3A_430#10, %while3A_482 = %while3A_430#11, %while3A_483 = %while3A_430#12, %while3A_484 = %while3A_430#13, %while3A_485 = %while3A_430#14, %while3A_486 = %while3A_430#15, %while3A_487 = %while3A_430#16, %while3A_488 = %while3A_430#17, %while3A_489 = %while3A_430#18, %while3A_490 = %while3A_430#19, %while3A_491 = %while3A_430#20, %while3A_492 = %while3A_430#21, %while3A_493 = %while3A_430#22, %while3A_494 = %while3A_430#23, %while3A_495 = %while3A_430#24, %while3A_496 = %while3A_430#25) -> (vector<16xf32>, vector<16xf32>, vector<16xf32>, vector<16xf32>, vector<16xf32>, vector<16xf32>, vector<16xf32>, vector<16xf32>, vector<16xf32>, vector<16xf32>, vector<16xf32>, vector<16xf32>, vector<16xf32>, vector<16xf32>, vector<16xf32>, vector<16xf32>, vector<16xf32>, vector<16xf32>, vector<16xf32>, vector<16xf32>, vector<16xf32>, vector<16xf32>, vector<16xf32>, vector<16xf32>, vector<16xf32>, vector<16xf32>)  : i32 {
          %get3A_497 = arith.index_cast %while3A_470 : i32 to index
          %get3A_498 = tpu.vector_load %arg12[%get3A_497] {strides = array<i32>} : memref<272xf32, #tpu.memory_space<vmem>>, vector<16xf32>,
          %get3A_499 = vector.shape_cast %get3A_498 : vector<16xf32> to vector<16xf32>
          %slice3A_500 = vector.extract_strided_slice %get3A_499 {offsets = [0], sizes = [1], strides = [1]} : vector<16xf32> to vector<1xf32>
          %squeeze3A_501 = vector.extract %slice3A_500[0] : f32 from vector<1xf32>
          %broadcast_in_dim3A_502 = vector.broadcast %squeeze3A_501 : f32 to vector<16xf32>
          %max3A_503 = arith.maximumf %while3A_495, %broadcast_in_dim3A_502 : vector<16xf32>
          %sub3A_504 = arith.subf %while3A_495, %max3A_503 : vector<16xf32>
          %exp3A = math.exp %sub3A_504 : vector<16xf32>
          %sub3A_505 = arith.subf %broadcast_in_dim3A_502, %max3A_503 : vector<16xf32>
          %exp3A_506 = math.exp %sub3A_505 : vector<16xf32>
          %mul3A_507 = arith.mulf %while3A_496, %exp3A : vector<16xf32>
          %add3A_508 = arith.addf %mul3A_507, %exp3A_506 : vector<16xf32>
          %get3A_509 = arith.index_cast %while3A_470 : i32 to index
          %get3A_510 = arith.constant 0 : index
          %get3A_511 = tpu.vector_load %arg11[%get3A_509, %get3A_510] {strides = array<i32>} : memref<256x128xf32, #tpu.memory_space<vmem>>, vector<1x16xf32>,
          %get3A_512 = vector.shape_cast %get3A_511 : vector<1x16xf32> to vector<16xf32>
          %get3A_513 = arith.index_cast %while3A_470 : i32 to index
          %get3A_514 = arith.constant 16 : index
          %get3A_515 = tpu.vector_load %arg11[%get3A_513, %get3A_514] {strides = array<i32>} : memref<256x128xf32, #tpu.memory_space<vmem>>, vector<1x16xf32>,
          %get3A_516 = vector.shape_cast %get3A_515 : vector<1x16xf32> to vector<16xf32>
          %get3A_517 = arith.index_cast %while3A_470 : i32 to index
          %get3A_518 = arith.constant 32 : index
          %get3A_519 = tpu.vector_load %arg11[%get3A_517, %get3A_518] {strides = array<i32>} : memref<256x128xf32, #tpu.memory_space<vmem>>, vector<1x16xf32>,
          %get3A_520 = vector.shape_cast %get3A_519 : vector<1x16xf32> to vector<16xf32>
          %get3A_521 = arith.index_cast %while3A_470 : i32 to index
          %get3A_522 = arith.constant 48 : index
          %get3A_523 = tpu.vector_load %arg11[%get3A_521, %get3A_522] {strides = array<i32>} : memref<256x128xf32, #tpu.memory_space<vmem>>, vector<1x16xf32>,
          %get3A_524 = vector.shape_cast %get3A_523 : vector<1x16xf32> to vector<16xf32>
          %get3A_525 = arith.index_cast %while3A_470 : i32 to index
          %get3A_526 = arith.constant 64 : index
          %get3A_527 = tpu.vector_load %arg11[%get3A_525, %get3A_526] {strides = array<i32>} : memref<256x128xf32, #tpu.memory_space<vmem>>, vector<1x16xf32>,
          %get3A_528 = vector.shape_cast %get3A_527 : vector<1x16xf32> to vector<16xf32>
          %get3A_529 = arith.index_cast %while3A_470 : i32 to index
          %get3A_530 = arith.constant 80 : index
          %get3A_531 = tpu.vector_load %arg11[%get3A_529, %get3A_530] {strides = array<i32>} : memref<256x128xf32, #tpu.memory_space<vmem>>, vector<1x16xf32>,
          %get3A_532 = vector.shape_cast %get3A_531 : vector<1x16xf32> to vector<16xf32>
          %get3A_533 = arith.index_cast %while3A_470 : i32 to index
          %get3A_534 = arith.constant 96 : index
          %get3A_535 = tpu.vector_load %arg11[%get3A_533, %get3A_534] {strides = array<i32>} : memref<256x128xf32, #tpu.memory_space<vmem>>, vector<1x16xf32>,
          %get3A_536 = vector.shape_cast %get3A_535 : vector<1x16xf32> to vector<16xf32>
          %get3A_537 = arith.index_cast %while3A_470 : i32 to index
          %get3A_538 = arith.constant 112 : index
          %get3A_539 = tpu.vector_load %arg11[%get3A_537, %get3A_538] {strides = array<i32>} : memref<256x128xf32, #tpu.memory_space<vmem>>, vector<1x16xf32>,
          %get3A_540 = vector.shape_cast %get3A_539 : vector<1x16xf32> to vector<16xf32>
          %max3A_541 = arith.maximumf %while3A_471, %get3A_512 : vector<16xf32>
          %max3A_542 = arith.maximumf %while3A_472, %get3A_516 : vector<16xf32>
          %max3A_543 = arith.maximumf %while3A_473, %get3A_520 : vector<16xf32>
          %max3A_544 = arith.maximumf %while3A_474, %get3A_524 : vector<16xf32>
          %max3A_545 = arith.maximumf %while3A_475, %get3A_528 : vector<16xf32>
          %max3A_546 = arith.maximumf %while3A_476, %get3A_532 : vector<16xf32>
          %max3A_547 = arith.maximumf %while3A_477, %get3A_536 : vector<16xf32>
          %max3A_548 = arith.maximumf %while3A_478, %get3A_540 : vector<16xf32>
          %add3A_549 = arith.addf %while3A_479, %get3A_512 : vector<16xf32>
          %add3A_550 = arith.addf %while3A_480, %get3A_516 : vector<16xf32>
          %add3A_551 = arith.addf %while3A_481, %get3A_520 : vector<16xf32>
          %add3A_552 = arith.addf %while3A_482, %get3A_524 : vector<16xf32>
          %add3A_553 = arith.addf %while3A_483, %get3A_528 : vector<16xf32>
          %add3A_554 = arith.addf %while3A_484, %get3A_532 : vector<16xf32>
          %add3A_555 = arith.addf %while3A_485, %get3A_536 : vector<16xf32>
          %add3A_556 = arith.addf %while3A_486, %get3A_540 : vector<16xf32>
          %mul3A_557 = arith.mulf %while3A_487, %exp3A : vector<16xf32>
          %mul3A_558 = arith.mulf %get3A_512, %exp3A_506 : vector<16xf32>
          %add3A_559 = arith.addf %mul3A_557, %mul3A_558 : vector<16xf32>
          %mul3A_560 = arith.mulf %while3A_488, %exp3A : vector<16xf32>
          %mul3A_561 = arith.mulf %get3A_516, %exp3A_506 : vector<16xf32>
          %add3A_562 = arith.addf %mul3A_560, %mul3A_561 : vector<16xf32>
          %mul3A_563 = arith.mulf %while3A_489, %exp3A : vector<16xf32>
          %mul3A_564 = arith.mulf %get3A_520, %exp3A_506 : vector<16xf32>
          %add3A_565 = arith.addf %mul3A_563, %mul3A_564 : vector<16xf32>
          %mul3A_566 = arith.mulf %while3A_490, %exp3A : vector<16xf32>
          %mul3A_567 = arith.mulf %get3A_524, %exp3A_506 : vector<16xf32>
          %add3A_568 = arith.addf %mul3A_566, %mul3A_567 : vector<16xf32>
          %mul3A_569 = arith.mulf %while3A_491, %exp3A : vector<16xf32>
          %mul3A_570 = arith.mulf %get3A_528, %exp3A_506 : vector<16xf32>
          %add3A_571 = arith.addf %mul3A_569, %mul3A_570 : vector<16xf32>
          %mul3A_572 = arith.mulf %while3A_492, %exp3A : vector<16xf32>
          %mul3A_573 = arith.mulf %get3A_532, %exp3A_506 : vector<16xf32>
          %add3A_574 = arith.addf %mul3A_572, %mul3A_573 : vector<16xf32>
          %mul3A_575 = arith.mulf %while3A_493, %exp3A : vector<16xf32>
          %mul3A_576 = arith.mulf %get3A_536, %exp3A_506 : vector<16xf32>
          %add3A_577 = arith.addf %mul3A_575, %mul3A_576 : vector<16xf32>
          %mul3A_578 = arith.mulf %while3A_494, %exp3A : vector<16xf32>
          %mul3A_579 = arith.mulf %get3A_540, %exp3A_506 : vector<16xf32>
          %add3A_580 = arith.addf %mul3A_578, %mul3A_579 : vector<16xf32>
          scf.yield %max3A_541, %max3A_542, %max3A_543, %max3A_544, %max3A_545, %max3A_546, %max3A_547, %max3A_548, %add3A_549, %add3A_550, %add3A_551, %add3A_552, %add3A_553, %add3A_554, %add3A_555, %add3A_556, %add3A_559, %add3A_562, %add3A_565, %add3A_568, %add3A_571, %add3A_574, %add3A_577, %add3A_580, %max3A_503, %add3A_508 : vector<16xf32>, vector<16xf32>, vector<16xf32>, vector<16xf32>, vector<16xf32>, vector<16xf32>, vector<16xf32>, vector<16xf32>, vector<16xf32>, vector<16xf32>, vector<16xf32>, vector<16xf32>, vector<16xf32>, vector<16xf32>, vector<16xf32>, vector<16xf32>, vector<16xf32>, vector<16xf32>, vector<16xf32>, vector<16xf32>, vector<16xf32>, vector<16xf32>, vector<16xf32>, vector<16xf32>, vector<16xf32>, vector<16xf32>
        }
        %sub3A_433 = arith.subi %add3A_418, %add3A_417 : i32
        %sub3A_434 = arith.subi %sub3A_433, %and3A_421 : i32
        %jit3A_435 = arith.constant 2 : i32
        %div3A_436 = arith.divsi %sub3A_434, %jit3A_435 : i32
        %sign3A_437 = arith.constant 0 : i32
        %sign3A_438 = arith.cmpi sgt, %sub3A_434, %sign3A_437 : i32
        %sign3A_439 = arith.extui %sign3A_438 : i1 to i32
        %sign3A_440 = arith.constant 0 : i32
        %sign3A_441 = arith.cmpi slt, %sub3A_434, %sign3A_440 : i32
        %sign3A_442 = arith.extui %sign3A_441 : i1 to i32
        %sign3A_443 = arith.subi %sign3A_439, %sign3A_442 : i32
        %sign3A_444 = arith.constant 0 : i32
        %sign3A_445 = arith.cmpi sgt, %jit3A_435, %sign3A_444 : i32
        %sign3A_446 = arith.extui %sign3A_445 : i1 to i32
        %sign3A_447 = arith.constant 0 : i32
        %sign3A_448 = arith.cmpi slt, %jit3A_435, %sign3A_447 : i32
        %sign3A_449 = arith.extui %sign3A_448 : i1 to i32
        %sign3A_450 = arith.subi %sign3A_446, %sign3A_449 : i32
        %ne3A_451 = arith.cmpi ne, %sign3A_443, %sign3A_450 : i32
        %rem3A_452 = arith.remsi %sub3A_434, %jit3A_435 : i32
        %ne3A_453 = arith.constant 0 : i32
        %ne3A_454 = arith.cmpi ne, %rem3A_452, %ne3A_453 : i32
        %and3A_455 = arith.andi %ne3A_451, %ne3A_454 : i1
        %sub3A_456 = arith.constant 1 : i32
        %sub3A_457 = arith.subi %div3A_436, %sub3A_456 : i32
        %select_n3A_458 = arith.select %and3A_455, %sub3A_457, %div3A_436 : i32
        %while3A_459 = arith.constant 0 : i32
        %while3A_460 = arith.subi %select_n3A_458, %while3A_459 : i32
        %while3A_461 = arith.addi %while3A_459, %while3A_460 : i32
        %while3A_462 = arith.constant 1 : i32
        %while3A_463 = arith.divsi %while3A_460, %while3A_462 : i32
        %while3A_464 = arith.muli %while3A_463, %while3A_462 : i32
        %while3A_465 = arith.addi %while3A_459, %while3A_464 : i32
        %while3A_466 = arith.constant 1 : i32
        %while3A_467:26 = scf.for %while3A_470 = %while3A_459 to %while3A_465 step %while3A_466 iter_args(%while3A_471 = %while3A_432#0, %while3A_472 = %while3A_432#1, %while3A_473 = %while3A_432#2, %while3A_474 = %while3A_432#3, %while3A_475 = %while3A_432#4, %while3A_476 = %while3A_432#5, %while3A_477 = %while3A_432#6, %while3A_478 = %while3A_432#7, %while3A_479 = %while3A_432#8, %while3A_480 = %while3A_432#9, %while3A_481 = %while3A_432#10, %while3A_482 = %while3A_432#11, %while3A_483 = %while3A_432#12, %while3A_484 = %while3A_432#13, %while3A_485 = %while3A_432#14, %while3A_486 = %while3A_432#15, %while3A_487 = %while3A_432#16, %while3A_488 = %while3A_432#17, %while3A_489 = %while3A_432#18, %while3A_490 = %while3A_432#19, %while3A_491 = %while3A_432#20, %while3A_492 = %while3A_432#21, %while3A_493 = %while3A_432#22, %while3A_494 = %while3A_432#23, %while3A_495 = %while3A_432#24, %while3A_496 = %while3A_432#25) -> (vector<16xf32>, vector<16xf32>, vector<16xf32>, vector<16xf32>, vector<16xf32>, vector<16xf32>, vector<16xf32>, vector<16xf32>, vector<16xf32>, vector<16xf32>, vector<16xf32>, vector<16xf32>, vector<16xf32>, vector<16xf32>, vector<16xf32>, vector<16xf32>, vector<16xf32>, vector<16xf32>, vector<16xf32>, vector<16xf32>, vector<16xf32>, vector<16xf32>, vector<16xf32>, vector<16xf32>, vector<16xf32>, vector<16xf32>)  : i32 {
          %add3A_497 = arith.addi %add3A_417, %and3A_421 : i32
          %mul3A_498 = arith.constant 2 : i32
          %mul3A_499 = arith.muli %mul3A_498, %while3A_470 : i32
          %add3A_500 = arith.addi %add3A_497, %mul3A_499 : i32
          %add3A_501 = arith.constant 1 : i32
          %add3A_502 = arith.addi %add3A_500, %add3A_501 : i32
          %get3A_503 = arith.index_cast %add3A_500 : i32 to index
          %get3A_504 = tpu.vector_load %arg12[%get3A_503] {strides = array<i32>} : memref<272xf32, #tpu.memory_space<vmem>>, vector<16xf32>,
          %get3A_505 = vector.shape_cast %get3A_504 : vector<16xf32> to vector<16xf32>
          %slice3A_506 = vector.extract_strided_slice %get3A_505 {offsets = [0], sizes = [1], strides = [1]} : vector<16xf32> to vector<1xf32>
          %squeeze3A_507 = vector.extract %slice3A_506[0] : f32 from vector<1xf32>
          %broadcast_in_dim3A_508 = vector.broadcast %squeeze3A_507 : f32 to vector<16xf32>
          %max3A_509 = arith.maximumf %while3A_495, %broadcast_in_dim3A_508 : vector<16xf32>
          %sub3A_510 = arith.subf %while3A_495, %max3A_509 : vector<16xf32>
          %exp3A = math.exp %sub3A_510 : vector<16xf32>
          %sub3A_511 = arith.subf %broadcast_in_dim3A_508, %max3A_509 : vector<16xf32>
          %exp3A_512 = math.exp %sub3A_511 : vector<16xf32>
          %mul3A_513 = arith.mulf %while3A_496, %exp3A : vector<16xf32>
          %add3A_514 = arith.addf %mul3A_513, %exp3A_512 : vector<16xf32>
          %get3A_515 = arith.index_cast %add3A_500 : i32 to index
          %get3A_516 = arith.constant 0 : index
          %get3A_517 = tpu.vector_load %arg11[%get3A_515, %get3A_516] {strides = array<i32>} : memref<256x128xf32, #tpu.memory_space<vmem>>, vector<1x16xf32>,
          %get3A_518 = vector.shape_cast %get3A_517 : vector<1x16xf32> to vector<16xf32>
          %get3A_519 = arith.index_cast %add3A_500 : i32 to index
          %get3A_520 = arith.constant 16 : index
          %get3A_521 = tpu.vector_load %arg11[%get3A_519, %get3A_520] {strides = array<i32>} : memref<256x128xf32, #tpu.memory_space<vmem>>, vector<1x16xf32>,
          %get3A_522 = vector.shape_cast %get3A_521 : vector<1x16xf32> to vector<16xf32>
          %get3A_523 = arith.index_cast %add3A_500 : i32 to index
          %get3A_524 = arith.constant 32 : index
          %get3A_525 = tpu.vector_load %arg11[%get3A_523, %get3A_524] {strides = array<i32>} : memref<256x128xf32, #tpu.memory_space<vmem>>, vector<1x16xf32>,
          %get3A_526 = vector.shape_cast %get3A_525 : vector<1x16xf32> to vector<16xf32>
          %get3A_527 = arith.index_cast %add3A_500 : i32 to index
          %get3A_528 = arith.constant 48 : index
          %get3A_529 = tpu.vector_load %arg11[%get3A_527, %get3A_528] {strides = array<i32>} : memref<256x128xf32, #tpu.memory_space<vmem>>, vector<1x16xf32>,
          %get3A_530 = vector.shape_cast %get3A_529 : vector<1x16xf32> to vector<16xf32>
          %get3A_531 = arith.index_cast %add3A_500 : i32 to index
          %get3A_532 = arith.constant 64 : index
          %get3A_533 = tpu.vector_load %arg11[%get3A_531, %get3A_532] {strides = array<i32>} : memref<256x128xf32, #tpu.memory_space<vmem>>, vector<1x16xf32>,
          %get3A_534 = vector.shape_cast %get3A_533 : vector<1x16xf32> to vector<16xf32>
          %get3A_535 = arith.index_cast %add3A_500 : i32 to index
          %get3A_536 = arith.constant 80 : index
          %get3A_537 = tpu.vector_load %arg11[%get3A_535, %get3A_536] {strides = array<i32>} : memref<256x128xf32, #tpu.memory_space<vmem>>, vector<1x16xf32>,
          %get3A_538 = vector.shape_cast %get3A_537 : vector<1x16xf32> to vector<16xf32>
          %get3A_539 = arith.index_cast %add3A_500 : i32 to index
          %get3A_540 = arith.constant 96 : index
          %get3A_541 = tpu.vector_load %arg11[%get3A_539, %get3A_540] {strides = array<i32>} : memref<256x128xf32, #tpu.memory_space<vmem>>, vector<1x16xf32>,
          %get3A_542 = vector.shape_cast %get3A_541 : vector<1x16xf32> to vector<16xf32>
          %get3A_543 = arith.index_cast %add3A_500 : i32 to index
          %get3A_544 = arith.constant 112 : index
          %get3A_545 = tpu.vector_load %arg11[%get3A_543, %get3A_544] {strides = array<i32>} : memref<256x128xf32, #tpu.memory_space<vmem>>, vector<1x16xf32>,
          %get3A_546 = vector.shape_cast %get3A_545 : vector<1x16xf32> to vector<16xf32>
          %max3A_547 = arith.maximumf %while3A_471, %get3A_518 : vector<16xf32>
          %max3A_548 = arith.maximumf %while3A_472, %get3A_522 : vector<16xf32>
          %max3A_549 = arith.maximumf %while3A_473, %get3A_526 : vector<16xf32>
          %max3A_550 = arith.maximumf %while3A_474, %get3A_530 : vector<16xf32>
          %max3A_551 = arith.maximumf %while3A_475, %get3A_534 : vector<16xf32>
          %max3A_552 = arith.maximumf %while3A_476, %get3A_538 : vector<16xf32>
          %max3A_553 = arith.maximumf %while3A_477, %get3A_542 : vector<16xf32>
          %max3A_554 = arith.maximumf %while3A_478, %get3A_546 : vector<16xf32>
          %add3A_555 = arith.addf %while3A_479, %get3A_518 : vector<16xf32>
          %add3A_556 = arith.addf %while3A_480, %get3A_522 : vector<16xf32>
          %add3A_557 = arith.addf %while3A_481, %get3A_526 : vector<16xf32>
          %add3A_558 = arith.addf %while3A_482, %get3A_530 : vector<16xf32>
          %add3A_559 = arith.addf %while3A_483, %get3A_534 : vector<16xf32>
          %add3A_560 = arith.addf %while3A_484, %get3A_538 : vector<16xf32>
          %add3A_561 = arith.addf %while3A_485, %get3A_542 : vector<16xf32>
          %add3A_562 = arith.addf %while3A_486, %get3A_546 : vector<16xf32>
          %mul3A_563 = arith.mulf %while3A_487, %exp3A : vector<16xf32>
          %mul3A_564 = arith.mulf %get3A_518, %exp3A_512 : vector<16xf32>
          %add3A_565 = arith.addf %mul3A_563, %mul3A_564 : vector<16xf32>
          %mul3A_566 = arith.mulf %while3A_488, %exp3A : vector<16xf32>
          %mul3A_567 = arith.mulf %get3A_522, %exp3A_512 : vector<16xf32>
          %add3A_568 = arith.addf %mul3A_566, %mul3A_567 : vector<16xf32>
          %mul3A_569 = arith.mulf %while3A_489, %exp3A : vector<16xf32>
          %mul3A_570 = arith.mulf %get3A_526, %exp3A_512 : vector<16xf32>
          %add3A_571 = arith.addf %mul3A_569, %mul3A_570 : vector<16xf32>
          %mul3A_572 = arith.mulf %while3A_490, %exp3A : vector<16xf32>
          %mul3A_573 = arith.mulf %get3A_530, %exp3A_512 : vector<16xf32>
          %add3A_574 = arith.addf %mul3A_572, %mul3A_573 : vector<16xf32>
          %mul3A_575 = arith.mulf %while3A_491, %exp3A : vector<16xf32>
          %mul3A_576 = arith.mulf %get3A_534, %exp3A_512 : vector<16xf32>
          %add3A_577 = arith.addf %mul3A_575, %mul3A_576 : vector<16xf32>
          %mul3A_578 = arith.mulf %while3A_492, %exp3A : vector<16xf32>
          %mul3A_579 = arith.mulf %get3A_538, %exp3A_512 : vector<16xf32>
          %add3A_580 = arith.addf %mul3A_578, %mul3A_579 : vector<16xf32>
          %mul3A_581 = arith.mulf %while3A_493, %exp3A : vector<16xf32>
          %mul3A_582 = arith.mulf %get3A_542, %exp3A_512 : vector<16xf32>
          %add3A_583 = arith.addf %mul3A_581, %mul3A_582 : vector<16xf32>
          %mul3A_584 = arith.mulf %while3A_494, %exp3A : vector<16xf32>
          %mul3A_585 = arith.mulf %get3A_546, %exp3A_512 : vector<16xf32>
          %add3A_586 = arith.addf %mul3A_584, %mul3A_585 : vector<16xf32>
          %get3A_587 = arith.index_cast %add3A_502 : i32 to index
          %get3A_588 = tpu.vector_load %arg12[%get3A_587] {strides = array<i32>} : memref<272xf32, #tpu.memory_space<vmem>>, vector<16xf32>,
          %get3A_589 = vector.shape_cast %get3A_588 : vector<16xf32> to vector<16xf32>
          %slice3A_590 = vector.extract_strided_slice %get3A_589 {offsets = [0], sizes = [1], strides = [1]} : vector<16xf32> to vector<1xf32>
          %squeeze3A_591 = vector.extract %slice3A_590[0] : f32 from vector<1xf32>
          %broadcast_in_dim3A_592 = vector.broadcast %squeeze3A_591 : f32 to vector<16xf32>
          %max3A_593 = arith.maximumf %max3A_509, %broadcast_in_dim3A_592 : vector<16xf32>
          %sub3A_594 = arith.subf %max3A_509, %max3A_593 : vector<16xf32>
          %exp3A_595 = math.exp %sub3A_594 : vector<16xf32>
          %sub3A_596 = arith.subf %broadcast_in_dim3A_592, %max3A_593 : vector<16xf32>
          %exp3A_597 = math.exp %sub3A_596 : vector<16xf32>
          %mul3A_598 = arith.mulf %add3A_514, %exp3A_595 : vector<16xf32>
          %add3A_599 = arith.addf %mul3A_598, %exp3A_597 : vector<16xf32>
          %get3A_600 = arith.index_cast %add3A_502 : i32 to index
          %get3A_601 = arith.constant 0 : index
          %get3A_602 = tpu.vector_load %arg11[%get3A_600, %get3A_601] {strides = array<i32>} : memref<256x128xf32, #tpu.memory_space<vmem>>, vector<1x16xf32>,
          %get3A_603 = vector.shape_cast %get3A_602 : vector<1x16xf32> to vector<16xf32>
          %get3A_604 = arith.index_cast %add3A_502 : i32 to index
          %get3A_605 = arith.constant 16 : index
          %get3A_606 = tpu.vector_load %arg11[%get3A_604, %get3A_605] {strides = array<i32>} : memref<256x128xf32, #tpu.memory_space<vmem>>, vector<1x16xf32>,
          %get3A_607 = vector.shape_cast %get3A_606 : vector<1x16xf32> to vector<16xf32>
          %get3A_608 = arith.index_cast %add3A_502 : i32 to index
          %get3A_609 = arith.constant 32 : index
          %get3A_610 = tpu.vector_load %arg11[%get3A_608, %get3A_609] {strides = array<i32>} : memref<256x128xf32, #tpu.memory_space<vmem>>, vector<1x16xf32>,
          %get3A_611 = vector.shape_cast %get3A_610 : vector<1x16xf32> to vector<16xf32>
          %get3A_612 = arith.index_cast %add3A_502 : i32 to index
          %get3A_613 = arith.constant 48 : index
          %get3A_614 = tpu.vector_load %arg11[%get3A_612, %get3A_613] {strides = array<i32>} : memref<256x128xf32, #tpu.memory_space<vmem>>, vector<1x16xf32>,
          %get3A_615 = vector.shape_cast %get3A_614 : vector<1x16xf32> to vector<16xf32>
          %get3A_616 = arith.index_cast %add3A_502 : i32 to index
          %get3A_617 = arith.constant 64 : index
          %get3A_618 = tpu.vector_load %arg11[%get3A_616, %get3A_617] {strides = array<i32>} : memref<256x128xf32, #tpu.memory_space<vmem>>, vector<1x16xf32>,
          %get3A_619 = vector.shape_cast %get3A_618 : vector<1x16xf32> to vector<16xf32>
          %get3A_620 = arith.index_cast %add3A_502 : i32 to index
          %get3A_621 = arith.constant 80 : index
          %get3A_622 = tpu.vector_load %arg11[%get3A_620, %get3A_621] {strides = array<i32>} : memref<256x128xf32, #tpu.memory_space<vmem>>, vector<1x16xf32>,
          %get3A_623 = vector.shape_cast %get3A_622 : vector<1x16xf32> to vector<16xf32>
          %get3A_624 = arith.index_cast %add3A_502 : i32 to index
          %get3A_625 = arith.constant 96 : index
          %get3A_626 = tpu.vector_load %arg11[%get3A_624, %get3A_625] {strides = array<i32>} : memref<256x128xf32, #tpu.memory_space<vmem>>, vector<1x16xf32>,
          %get3A_627 = vector.shape_cast %get3A_626 : vector<1x16xf32> to vector<16xf32>
          %get3A_628 = arith.index_cast %add3A_502 : i32 to index
          %get3A_629 = arith.constant 112 : index
          %get3A_630 = tpu.vector_load %arg11[%get3A_628, %get3A_629] {strides = array<i32>} : memref<256x128xf32, #tpu.memory_space<vmem>>, vector<1x16xf32>,
          %get3A_631 = vector.shape_cast %get3A_630 : vector<1x16xf32> to vector<16xf32>
          %max3A_632 = arith.maximumf %max3A_547, %get3A_603 : vector<16xf32>
          %max3A_633 = arith.maximumf %max3A_548, %get3A_607 : vector<16xf32>
          %max3A_634 = arith.maximumf %max3A_549, %get3A_611 : vector<16xf32>
          %max3A_635 = arith.maximumf %max3A_550, %get3A_615 : vector<16xf32>
          %max3A_636 = arith.maximumf %max3A_551, %get3A_619 : vector<16xf32>
          %max3A_637 = arith.maximumf %max3A_552, %get3A_623 : vector<16xf32>
          %max3A_638 = arith.maximumf %max3A_553, %get3A_627 : vector<16xf32>
          %max3A_639 = arith.maximumf %max3A_554, %get3A_631 : vector<16xf32>
          %add3A_640 = arith.addf %add3A_555, %get3A_603 : vector<16xf32>
          %add3A_641 = arith.addf %add3A_556, %get3A_607 : vector<16xf32>
          %add3A_642 = arith.addf %add3A_557, %get3A_611 : vector<16xf32>
          %add3A_643 = arith.addf %add3A_558, %get3A_615 : vector<16xf32>
          %add3A_644 = arith.addf %add3A_559, %get3A_619 : vector<16xf32>
          %add3A_645 = arith.addf %add3A_560, %get3A_623 : vector<16xf32>
          %add3A_646 = arith.addf %add3A_561, %get3A_627 : vector<16xf32>
          %add3A_647 = arith.addf %add3A_562, %get3A_631 : vector<16xf32>
          %mul3A_648 = arith.mulf %add3A_565, %exp3A_595 : vector<16xf32>
          %mul3A_649 = arith.mulf %get3A_603, %exp3A_597 : vector<16xf32>
          %add3A_650 = arith.addf %mul3A_648, %mul3A_649 : vector<16xf32>
          %mul3A_651 = arith.mulf %add3A_568, %exp3A_595 : vector<16xf32>
          %mul3A_652 = arith.mulf %get3A_607, %exp3A_597 : vector<16xf32>
          %add3A_653 = arith.addf %mul3A_651, %mul3A_652 : vector<16xf32>
          %mul3A_654 = arith.mulf %add3A_571, %exp3A_595 : vector<16xf32>
          %mul3A_655 = arith.mulf %get3A_611, %exp3A_597 : vector<16xf32>
          %add3A_656 = arith.addf %mul3A_654, %mul3A_655 : vector<16xf32>
          %mul3A_657 = arith.mulf %add3A_574, %exp3A_595 : vector<16xf32>
          %mul3A_658 = arith.mulf %get3A_615, %exp3A_597 : vector<16xf32>
          %add3A_659 = arith.addf %mul3A_657, %mul3A_658 : vector<16xf32>
          %mul3A_660 = arith.mulf %add3A_577, %exp3A_595 : vector<16xf32>
          %mul3A_661 = arith.mulf %get3A_619, %exp3A_597 : vector<16xf32>
          %add3A_662 = arith.addf %mul3A_660, %mul3A_661 : vector<16xf32>
          %mul3A_663 = arith.mulf %add3A_580, %exp3A_595 : vector<16xf32>
          %mul3A_664 = arith.mulf %get3A_623, %exp3A_597 : vector<16xf32>
          %add3A_665 = arith.addf %mul3A_663, %mul3A_664 : vector<16xf32>
          %mul3A_666 = arith.mulf %add3A_583, %exp3A_595 : vector<16xf32>
          %mul3A_667 = arith.mulf %get3A_627, %exp3A_597 : vector<16xf32>
          %add3A_668 = arith.addf %mul3A_666, %mul3A_667 : vector<16xf32>
          %mul3A_669 = arith.mulf %add3A_586, %exp3A_595 : vector<16xf32>
          %mul3A_670 = arith.mulf %get3A_631, %exp3A_597 : vector<16xf32>
          %add3A_671 = arith.addf %mul3A_669, %mul3A_670 : vector<16xf32>
          scf.yield %max3A_632, %max3A_633, %max3A_634, %max3A_635, %max3A_636, %max3A_637, %max3A_638, %max3A_639, %add3A_640, %add3A_641, %add3A_642, %add3A_643, %add3A_644, %add3A_645, %add3A_646, %add3A_647, %add3A_650, %add3A_653, %add3A_656, %add3A_659, %add3A_662, %add3A_665, %add3A_668, %add3A_671, %max3A_593, %add3A_599 : vector<16xf32>, vector<16xf32>, vector<16xf32>, vector<16xf32>, vector<16xf32>, vector<16xf32>, vector<16xf32>, vector<16xf32>, vector<16xf32>, vector<16xf32>, vector<16xf32>, vector<16xf32>, vector<16xf32>, vector<16xf32>, vector<16xf32>, vector<16xf32>, vector<16xf32>, vector<16xf32>, vector<16xf32>, vector<16xf32>, vector<16xf32>, vector<16xf32>, vector<16xf32>, vector<16xf32>, vector<16xf32>, vector<16xf32>
        }
        %while3A_468 = arith.constant 1 : i32
        %while3A_469:26 = scf.for %while3A_470 = %while3A_465 to %while3A_461 step %while3A_468 iter_args(%while3A_471 = %while3A_467#0, %while3A_472 = %while3A_467#1, %while3A_473 = %while3A_467#2, %while3A_474 = %while3A_467#3, %while3A_475 = %while3A_467#4, %while3A_476 = %while3A_467#5, %while3A_477 = %while3A_467#6, %while3A_478 = %while3A_467#7, %while3A_479 = %while3A_467#8, %while3A_480 = %while3A_467#9, %while3A_481 = %while3A_467#10, %while3A_482 = %while3A_467#11, %while3A_483 = %while3A_467#12, %while3A_484 = %while3A_467#13, %while3A_485 = %while3A_467#14, %while3A_486 = %while3A_467#15, %while3A_487 = %while3A_467#16, %while3A_488 = %while3A_467#17, %while3A_489 = %while3A_467#18, %while3A_490 = %while3A_467#19, %while3A_491 = %while3A_467#20, %while3A_492 = %while3A_467#21, %while3A_493 = %while3A_467#22, %while3A_494 = %while3A_467#23, %while3A_495 = %while3A_467#24, %while3A_496 = %while3A_467#25) -> (vector<16xf32>, vector<16xf32>, vector<16xf32>, vector<16xf32>, vector<16xf32>, vector<16xf32>, vector<16xf32>, vector<16xf32>, vector<16xf32>, vector<16xf32>, vector<16xf32>, vector<16xf32>, vector<16xf32>, vector<16xf32>, vector<16xf32>, vector<16xf32>, vector<16xf32>, vector<16xf32>, vector<16xf32>, vector<16xf32>, vector<16xf32>, vector<16xf32>, vector<16xf32>, vector<16xf32>, vector<16xf32>, vector<16xf32>)  : i32 {
          %add3A_497 = arith.addi %add3A_417, %and3A_421 : i32
          %mul3A_498 = arith.constant 2 : i32
          %mul3A_499 = arith.muli %mul3A_498, %while3A_470 : i32
          %add3A_500 = arith.addi %add3A_497, %mul3A_499 : i32
          %add3A_501 = arith.constant 1 : i32
          %add3A_502 = arith.addi %add3A_500, %add3A_501 : i32
          %get3A_503 = arith.index_cast %add3A_500 : i32 to index
          %get3A_504 = tpu.vector_load %arg12[%get3A_503] {strides = array<i32>} : memref<272xf32, #tpu.memory_space<vmem>>, vector<16xf32>,
          %get3A_505 = vector.shape_cast %get3A_504 : vector<16xf32> to vector<16xf32>
          %slice3A_506 = vector.extract_strided_slice %get3A_505 {offsets = [0], sizes = [1], strides = [1]} : vector<16xf32> to vector<1xf32>
          %squeeze3A_507 = vector.extract %slice3A_506[0] : f32 from vector<1xf32>
          %broadcast_in_dim3A_508 = vector.broadcast %squeeze3A_507 : f32 to vector<16xf32>
          %max3A_509 = arith.maximumf %while3A_495, %broadcast_in_dim3A_508 : vector<16xf32>
          %sub3A_510 = arith.subf %while3A_495, %max3A_509 : vector<16xf32>
          %exp3A = math.exp %sub3A_510 : vector<16xf32>
          %sub3A_511 = arith.subf %broadcast_in_dim3A_508, %max3A_509 : vector<16xf32>
          %exp3A_512 = math.exp %sub3A_511 : vector<16xf32>
          %mul3A_513 = arith.mulf %while3A_496, %exp3A : vector<16xf32>
          %add3A_514 = arith.addf %mul3A_513, %exp3A_512 : vector<16xf32>
          %get3A_515 = arith.index_cast %add3A_500 : i32 to index
          %get3A_516 = arith.constant 0 : index
          %get3A_517 = tpu.vector_load %arg11[%get3A_515, %get3A_516] {strides = array<i32>} : memref<256x128xf32, #tpu.memory_space<vmem>>, vector<1x16xf32>,
          %get3A_518 = vector.shape_cast %get3A_517 : vector<1x16xf32> to vector<16xf32>
          %get3A_519 = arith.index_cast %add3A_500 : i32 to index
          %get3A_520 = arith.constant 16 : index
          %get3A_521 = tpu.vector_load %arg11[%get3A_519, %get3A_520] {strides = array<i32>} : memref<256x128xf32, #tpu.memory_space<vmem>>, vector<1x16xf32>,
          %get3A_522 = vector.shape_cast %get3A_521 : vector<1x16xf32> to vector<16xf32>
          %get3A_523 = arith.index_cast %add3A_500 : i32 to index
          %get3A_524 = arith.constant 32 : index
          %get3A_525 = tpu.vector_load %arg11[%get3A_523, %get3A_524] {strides = array<i32>} : memref<256x128xf32, #tpu.memory_space<vmem>>, vector<1x16xf32>,
          %get3A_526 = vector.shape_cast %get3A_525 : vector<1x16xf32> to vector<16xf32>
          %get3A_527 = arith.index_cast %add3A_500 : i32 to index
          %get3A_528 = arith.constant 48 : index
          %get3A_529 = tpu.vector_load %arg11[%get3A_527, %get3A_528] {strides = array<i32>} : memref<256x128xf32, #tpu.memory_space<vmem>>, vector<1x16xf32>,
          %get3A_530 = vector.shape_cast %get3A_529 : vector<1x16xf32> to vector<16xf32>
          %get3A_531 = arith.index_cast %add3A_500 : i32 to index
          %get3A_532 = arith.constant 64 : index
          %get3A_533 = tpu.vector_load %arg11[%get3A_531, %get3A_532] {strides = array<i32>} : memref<256x128xf32, #tpu.memory_space<vmem>>, vector<1x16xf32>,
          %get3A_534 = vector.shape_cast %get3A_533 : vector<1x16xf32> to vector<16xf32>
          %get3A_535 = arith.index_cast %add3A_500 : i32 to index
          %get3A_536 = arith.constant 80 : index
          %get3A_537 = tpu.vector_load %arg11[%get3A_535, %get3A_536] {strides = array<i32>} : memref<256x128xf32, #tpu.memory_space<vmem>>, vector<1x16xf32>,
          %get3A_538 = vector.shape_cast %get3A_537 : vector<1x16xf32> to vector<16xf32>
          %get3A_539 = arith.index_cast %add3A_500 : i32 to index
          %get3A_540 = arith.constant 96 : index
          %get3A_541 = tpu.vector_load %arg11[%get3A_539, %get3A_540] {strides = array<i32>} : memref<256x128xf32, #tpu.memory_space<vmem>>, vector<1x16xf32>,
          %get3A_542 = vector.shape_cast %get3A_541 : vector<1x16xf32> to vector<16xf32>
          %get3A_543 = arith.index_cast %add3A_500 : i32 to index
          %get3A_544 = arith.constant 112 : index
          %get3A_545 = tpu.vector_load %arg11[%get3A_543, %get3A_544] {strides = array<i32>} : memref<256x128xf32, #tpu.memory_space<vmem>>, vector<1x16xf32>,
          %get3A_546 = vector.shape_cast %get3A_545 : vector<1x16xf32> to vector<16xf32>
          %max3A_547 = arith.maximumf %while3A_471, %get3A_518 : vector<16xf32>
          %max3A_548 = arith.maximumf %while3A_472, %get3A_522 : vector<16xf32>
          %max3A_549 = arith.maximumf %while3A_473, %get3A_526 : vector<16xf32>
          %max3A_550 = arith.maximumf %while3A_474, %get3A_530 : vector<16xf32>
          %max3A_551 = arith.maximumf %while3A_475, %get3A_534 : vector<16xf32>
          %max3A_552 = arith.maximumf %while3A_476, %get3A_538 : vector<16xf32>
          %max3A_553 = arith.maximumf %while3A_477, %get3A_542 : vector<16xf32>
          %max3A_554 = arith.maximumf %while3A_478, %get3A_546 : vector<16xf32>
          %add3A_555 = arith.addf %while3A_479, %get3A_518 : vector<16xf32>
          %add3A_556 = arith.addf %while3A_480, %get3A_522 : vector<16xf32>
          %add3A_557 = arith.addf %while3A_481, %get3A_526 : vector<16xf32>
          %add3A_558 = arith.addf %while3A_482, %get3A_530 : vector<16xf32>
          %add3A_559 = arith.addf %while3A_483, %get3A_534 : vector<16xf32>
          %add3A_560 = arith.addf %while3A_484, %get3A_538 : vector<16xf32>
          %add3A_561 = arith.addf %while3A_485, %get3A_542 : vector<16xf32>
          %add3A_562 = arith.addf %while3A_486, %get3A_546 : vector<16xf32>
          %mul3A_563 = arith.mulf %while3A_487, %exp3A : vector<16xf32>
          %mul3A_564 = arith.mulf %get3A_518, %exp3A_512 : vector<16xf32>
          %add3A_565 = arith.addf %mul3A_563, %mul3A_564 : vector<16xf32>
          %mul3A_566 = arith.mulf %while3A_488, %exp3A : vector<16xf32>
          %mul3A_567 = arith.mulf %get3A_522, %exp3A_512 : vector<16xf32>
          %add3A_568 = arith.addf %mul3A_566, %mul3A_567 : vector<16xf32>
          %mul3A_569 = arith.mulf %while3A_489, %exp3A : vector<16xf32>
          %mul3A_570 = arith.mulf %get3A_526, %exp3A_512 : vector<16xf32>
          %add3A_571 = arith.addf %mul3A_569, %mul3A_570 : vector<16xf32>
          %mul3A_572 = arith.mulf %while3A_490, %exp3A : vector<16xf32>
          %mul3A_573 = arith.mulf %get3A_530, %exp3A_512 : vector<16xf32>
          %add3A_574 = arith.addf %mul3A_572, %mul3A_573 : vector<16xf32>
          %mul3A_575 = arith.mulf %while3A_491, %exp3A : vector<16xf32>
          %mul3A_576 = arith.mulf %get3A_534, %exp3A_512 : vector<16xf32>
          %add3A_577 = arith.addf %mul3A_575, %mul3A_576 : vector<16xf32>
          %mul3A_578 = arith.mulf %while3A_492, %exp3A : vector<16xf32>
          %mul3A_579 = arith.mulf %get3A_538, %exp3A_512 : vector<16xf32>
          %add3A_580 = arith.addf %mul3A_578, %mul3A_579 : vector<16xf32>
          %mul3A_581 = arith.mulf %while3A_493, %exp3A : vector<16xf32>
          %mul3A_582 = arith.mulf %get3A_542, %exp3A_512 : vector<16xf32>
          %add3A_583 = arith.addf %mul3A_581, %mul3A_582 : vector<16xf32>
          %mul3A_584 = arith.mulf %while3A_494, %exp3A : vector<16xf32>
          %mul3A_585 = arith.mulf %get3A_546, %exp3A_512 : vector<16xf32>
          %add3A_586 = arith.addf %mul3A_584, %mul3A_585 : vector<16xf32>
          %get3A_587 = arith.index_cast %add3A_502 : i32 to index
          %get3A_588 = tpu.vector_load %arg12[%get3A_587] {strides = array<i32>} : memref<272xf32, #tpu.memory_space<vmem>>, vector<16xf32>,
          %get3A_589 = vector.shape_cast %get3A_588 : vector<16xf32> to vector<16xf32>
          %slice3A_590 = vector.extract_strided_slice %get3A_589 {offsets = [0], sizes = [1], strides = [1]} : vector<16xf32> to vector<1xf32>
          %squeeze3A_591 = vector.extract %slice3A_590[0] : f32 from vector<1xf32>
          %broadcast_in_dim3A_592 = vector.broadcast %squeeze3A_591 : f32 to vector<16xf32>
          %max3A_593 = arith.maximumf %max3A_509, %broadcast_in_dim3A_592 : vector<16xf32>
          %sub3A_594 = arith.subf %max3A_509, %max3A_593 : vector<16xf32>
          %exp3A_595 = math.exp %sub3A_594 : vector<16xf32>
          %sub3A_596 = arith.subf %broadcast_in_dim3A_592, %max3A_593 : vector<16xf32>
          %exp3A_597 = math.exp %sub3A_596 : vector<16xf32>
          %mul3A_598 = arith.mulf %add3A_514, %exp3A_595 : vector<16xf32>
          %add3A_599 = arith.addf %mul3A_598, %exp3A_597 : vector<16xf32>
          %get3A_600 = arith.index_cast %add3A_502 : i32 to index
          %get3A_601 = arith.constant 0 : index
          %get3A_602 = tpu.vector_load %arg11[%get3A_600, %get3A_601] {strides = array<i32>} : memref<256x128xf32, #tpu.memory_space<vmem>>, vector<1x16xf32>,
          %get3A_603 = vector.shape_cast %get3A_602 : vector<1x16xf32> to vector<16xf32>
          %get3A_604 = arith.index_cast %add3A_502 : i32 to index
          %get3A_605 = arith.constant 16 : index
          %get3A_606 = tpu.vector_load %arg11[%get3A_604, %get3A_605] {strides = array<i32>} : memref<256x128xf32, #tpu.memory_space<vmem>>, vector<1x16xf32>,
          %get3A_607 = vector.shape_cast %get3A_606 : vector<1x16xf32> to vector<16xf32>
          %get3A_608 = arith.index_cast %add3A_502 : i32 to index
          %get3A_609 = arith.constant 32 : index
          %get3A_610 = tpu.vector_load %arg11[%get3A_608, %get3A_609] {strides = array<i32>} : memref<256x128xf32, #tpu.memory_space<vmem>>, vector<1x16xf32>,
          %get3A_611 = vector.shape_cast %get3A_610 : vector<1x16xf32> to vector<16xf32>
          %get3A_612 = arith.index_cast %add3A_502 : i32 to index
          %get3A_613 = arith.constant 48 : index
          %get3A_614 = tpu.vector_load %arg11[%get3A_612, %get3A_613] {strides = array<i32>} : memref<256x128xf32, #tpu.memory_space<vmem>>, vector<1x16xf32>,
          %get3A_615 = vector.shape_cast %get3A_614 : vector<1x16xf32> to vector<16xf32>
          %get3A_616 = arith.index_cast %add3A_502 : i32 to index
          %get3A_617 = arith.constant 64 : index
          %get3A_618 = tpu.vector_load %arg11[%get3A_616, %get3A_617] {strides = array<i32>} : memref<256x128xf32, #tpu.memory_space<vmem>>, vector<1x16xf32>,
          %get3A_619 = vector.shape_cast %get3A_618 : vector<1x16xf32> to vector<16xf32>
          %get3A_620 = arith.index_cast %add3A_502 : i32 to index
          %get3A_621 = arith.constant 80 : index
          %get3A_622 = tpu.vector_load %arg11[%get3A_620, %get3A_621] {strides = array<i32>} : memref<256x128xf32, #tpu.memory_space<vmem>>, vector<1x16xf32>,
          %get3A_623 = vector.shape_cast %get3A_622 : vector<1x16xf32> to vector<16xf32>
          %get3A_624 = arith.index_cast %add3A_502 : i32 to index
          %get3A_625 = arith.constant 96 : index
          %get3A_626 = tpu.vector_load %arg11[%get3A_624, %get3A_625] {strides = array<i32>} : memref<256x128xf32, #tpu.memory_space<vmem>>, vector<1x16xf32>,
          %get3A_627 = vector.shape_cast %get3A_626 : vector<1x16xf32> to vector<16xf32>
          %get3A_628 = arith.index_cast %add3A_502 : i32 to index
          %get3A_629 = arith.constant 112 : index
          %get3A_630 = tpu.vector_load %arg11[%get3A_628, %get3A_629] {strides = array<i32>} : memref<256x128xf32, #tpu.memory_space<vmem>>, vector<1x16xf32>,
          %get3A_631 = vector.shape_cast %get3A_630 : vector<1x16xf32> to vector<16xf32>
          %max3A_632 = arith.maximumf %max3A_547, %get3A_603 : vector<16xf32>
          %max3A_633 = arith.maximumf %max3A_548, %get3A_607 : vector<16xf32>
          %max3A_634 = arith.maximumf %max3A_549, %get3A_611 : vector<16xf32>
          %max3A_635 = arith.maximumf %max3A_550, %get3A_615 : vector<16xf32>
          %max3A_636 = arith.maximumf %max3A_551, %get3A_619 : vector<16xf32>
          %max3A_637 = arith.maximumf %max3A_552, %get3A_623 : vector<16xf32>
          %max3A_638 = arith.maximumf %max3A_553, %get3A_627 : vector<16xf32>
          %max3A_639 = arith.maximumf %max3A_554, %get3A_631 : vector<16xf32>
          %add3A_640 = arith.addf %add3A_555, %get3A_603 : vector<16xf32>
          %add3A_641 = arith.addf %add3A_556, %get3A_607 : vector<16xf32>
          %add3A_642 = arith.addf %add3A_557, %get3A_611 : vector<16xf32>
          %add3A_643 = arith.addf %add3A_558, %get3A_615 : vector<16xf32>
          %add3A_644 = arith.addf %add3A_559, %get3A_619 : vector<16xf32>
          %add3A_645 = arith.addf %add3A_560, %get3A_623 : vector<16xf32>
          %add3A_646 = arith.addf %add3A_561, %get3A_627 : vector<16xf32>
          %add3A_647 = arith.addf %add3A_562, %get3A_631 : vector<16xf32>
          %mul3A_648 = arith.mulf %add3A_565, %exp3A_595 : vector<16xf32>
          %mul3A_649 = arith.mulf %get3A_603, %exp3A_597 : vector<16xf32>
          %add3A_650 = arith.addf %mul3A_648, %mul3A_649 : vector<16xf32>
          %mul3A_651 = arith.mulf %add3A_568, %exp3A_595 : vector<16xf32>
          %mul3A_652 = arith.mulf %get3A_607, %exp3A_597 : vector<16xf32>
          %add3A_653 = arith.addf %mul3A_651, %mul3A_652 : vector<16xf32>
          %mul3A_654 = arith.mulf %add3A_571, %exp3A_595 : vector<16xf32>
          %mul3A_655 = arith.mulf %get3A_611, %exp3A_597 : vector<16xf32>
          %add3A_656 = arith.addf %mul3A_654, %mul3A_655 : vector<16xf32>
          %mul3A_657 = arith.mulf %add3A_574, %exp3A_595 : vector<16xf32>
          %mul3A_658 = arith.mulf %get3A_615, %exp3A_597 : vector<16xf32>
          %add3A_659 = arith.addf %mul3A_657, %mul3A_658 : vector<16xf32>
          %mul3A_660 = arith.mulf %add3A_577, %exp3A_595 : vector<16xf32>
          %mul3A_661 = arith.mulf %get3A_619, %exp3A_597 : vector<16xf32>
          %add3A_662 = arith.addf %mul3A_660, %mul3A_661 : vector<16xf32>
          %mul3A_663 = arith.mulf %add3A_580, %exp3A_595 : vector<16xf32>
          %mul3A_664 = arith.mulf %get3A_623, %exp3A_597 : vector<16xf32>
          %add3A_665 = arith.addf %mul3A_663, %mul3A_664 : vector<16xf32>
          %mul3A_666 = arith.mulf %add3A_583, %exp3A_595 : vector<16xf32>
          %mul3A_667 = arith.mulf %get3A_627, %exp3A_597 : vector<16xf32>
          %add3A_668 = arith.addf %mul3A_666, %mul3A_667 : vector<16xf32>
          %mul3A_669 = arith.mulf %add3A_586, %exp3A_595 : vector<16xf32>
          %mul3A_670 = arith.mulf %get3A_631, %exp3A_597 : vector<16xf32>
          %add3A_671 = arith.addf %mul3A_669, %mul3A_670 : vector<16xf32>
          scf.yield %max3A_632, %max3A_633, %max3A_634, %max3A_635, %max3A_636, %max3A_637, %max3A_638, %max3A_639, %add3A_640, %add3A_641, %add3A_642, %add3A_643, %add3A_644, %add3A_645, %add3A_646, %add3A_647, %add3A_650, %add3A_653, %add3A_656, %add3A_659, %add3A_662, %add3A_665, %add3A_668, %add3A_671, %max3A_593, %add3A_599 : vector<16xf32>, vector<16xf32>, vector<16xf32>, vector<16xf32>, vector<16xf32>, vector<16xf32>, vector<16xf32>, vector<16xf32>, vector<16xf32>, vector<16xf32>, vector<16xf32>, vector<16xf32>, vector<16xf32>, vector<16xf32>, vector<16xf32>, vector<16xf32>, vector<16xf32>, vector<16xf32>, vector<16xf32>, vector<16xf32>, vector<16xf32>, vector<16xf32>, vector<16xf32>, vector<16xf32>, vector<16xf32>, vector<16xf32>
        }
        scf.yield %while3A_469#0, %while3A_469#1, %while3A_469#2, %while3A_469#3, %while3A_469#4, %while3A_469#5, %while3A_469#6, %while3A_469#7, %while3A_469#8, %while3A_469#9, %while3A_469#10, %while3A_469#11, %while3A_469#12, %while3A_469#13, %while3A_469#14, %while3A_469#15, %while3A_469#16, %while3A_469#17, %while3A_469#18, %while3A_469#19, %while3A_469#20, %while3A_469#21, %while3A_469#22, %while3A_469#23, %while3A_469#24, %while3A_469#25, %select_n3A_404 : vector<16xf32>, vector<16xf32>, vector<16xf32>, vector<16xf32>, vector<16xf32>, vector<16xf32>, vector<16xf32>, vector<16xf32>, vector<16xf32>, vector<16xf32>, vector<16xf32>, vector<16xf32>, vector<16xf32>, vector<16xf32>, vector<16xf32>, vector<16xf32>, vector<16xf32>, vector<16xf32>, vector<16xf32>, vector<16xf32>, vector<16xf32>, vector<16xf32>, vector<16xf32>, vector<16xf32>, vector<16xf32>, vector<16xf32>, i32
      }
      %sub3A_158 = arith.subi %squeeze3A_89, %squeeze3A_87 : i32
      %convert_element_type3A_159 = arith.sitofp %sub3A_158 : i32 to f32
      %broadcast_in_dim3A_160 = vector.broadcast %convert_element_type3A_159 : f32 to vector<16xf32>
      %mul3A_161 = arith.constant 128 : i32
      %mul3A_162 = arith.muli %scan3A_81, %mul3A_161 : i32
      %add3A_163 = arith.constant 0 : i32
      %add3A_164 = arith.addi %mul3A_162, %add3A_163 : i32
      %swap3A = arith.index_cast %add3A_164 : i32 to index
      %swap3A_165 = tpu.vector_load %arg13[%swap3A] {strides = array<i32>} : memref<4096xf32, #tpu.memory_space<vmem>>, vector<16xf32>,
      %swap3A_166 = vector.shape_cast %swap3A_165 : vector<16xf32> to vector<16xf32>
      %swap3A_167 = vector.shape_cast %while3A_157#0 : vector<16xf32> to vector<16xf32>
      tpu.vector_store %arg13[%swap3A], %swap3A_167 {strides = array<i32>} : memref<4096xf32, #tpu.memory_space<vmem>>, vector<16xf32>,
      %mul3A_168 = arith.constant 128 : i32
      %mul3A_169 = arith.muli %scan3A_81, %mul3A_168 : i32
      %add3A_170 = arith.constant 0 : i32
      %add3A_171 = arith.addi %mul3A_169, %add3A_170 : i32
      %swap3A_172 = arith.index_cast %add3A_171 : i32 to index
      %swap3A_173 = tpu.vector_load %arg14[%swap3A_172] {strides = array<i32>} : memref<4096xf32, #tpu.memory_space<vmem>>, vector<16xf32>,
      %swap3A_174 = vector.shape_cast %swap3A_173 : vector<16xf32> to vector<16xf32>
      %swap3A_175 = vector.shape_cast %while3A_157#8 : vector<16xf32> to vector<16xf32>
      tpu.vector_store %arg14[%swap3A_172], %swap3A_175 {strides = array<i32>} : memref<4096xf32, #tpu.memory_space<vmem>>, vector<16xf32>,
      %mul3A_176 = arith.constant 128 : i32
      %mul3A_177 = arith.muli %scan3A_81, %mul3A_176 : i32
      %add3A_178 = arith.constant 0 : i32
      %add3A_179 = arith.addi %mul3A_177, %add3A_178 : i32
      %swap3A_180 = arith.index_cast %add3A_179 : i32 to index
      %swap3A_181 = tpu.vector_load %arg15[%swap3A_180] {strides = array<i32>} : memref<4096xf32, #tpu.memory_space<vmem>>, vector<16xf32>,
      %swap3A_182 = vector.shape_cast %swap3A_181 : vector<16xf32> to vector<16xf32>
      %swap3A_183 = vector.shape_cast %while3A_157#16 : vector<16xf32> to vector<16xf32>
      tpu.vector_store %arg15[%swap3A_180], %swap3A_183 {strides = array<i32>} : memref<4096xf32, #tpu.memory_space<vmem>>, vector<16xf32>,
      %mul3A_184 = arith.constant 128 : i32
      %mul3A_185 = arith.muli %scan3A_81, %mul3A_184 : i32
      %add3A_186 = arith.constant 16 : i32
      %add3A_187 = arith.addi %mul3A_185, %add3A_186 : i32
      %swap3A_188 = arith.index_cast %add3A_187 : i32 to index
      %swap3A_189 = tpu.vector_load %arg13[%swap3A_188] {strides = array<i32>} : memref<4096xf32, #tpu.memory_space<vmem>>, vector<16xf32>,
      %swap3A_190 = vector.shape_cast %swap3A_189 : vector<16xf32> to vector<16xf32>
      %swap3A_191 = vector.shape_cast %while3A_157#1 : vector<16xf32> to vector<16xf32>
      tpu.vector_store %arg13[%swap3A_188], %swap3A_191 {strides = array<i32>} : memref<4096xf32, #tpu.memory_space<vmem>>, vector<16xf32>,
      %mul3A_192 = arith.constant 128 : i32
      %mul3A_193 = arith.muli %scan3A_81, %mul3A_192 : i32
      %add3A_194 = arith.constant 16 : i32
      %add3A_195 = arith.addi %mul3A_193, %add3A_194 : i32
      %swap3A_196 = arith.index_cast %add3A_195 : i32 to index
      %swap3A_197 = tpu.vector_load %arg14[%swap3A_196] {strides = array<i32>} : memref<4096xf32, #tpu.memory_space<vmem>>, vector<16xf32>,
      %swap3A_198 = vector.shape_cast %swap3A_197 : vector<16xf32> to vector<16xf32>
      %swap3A_199 = vector.shape_cast %while3A_157#9 : vector<16xf32> to vector<16xf32>
      tpu.vector_store %arg14[%swap3A_196], %swap3A_199 {strides = array<i32>} : memref<4096xf32, #tpu.memory_space<vmem>>, vector<16xf32>,
      %mul3A_200 = arith.constant 128 : i32
      %mul3A_201 = arith.muli %scan3A_81, %mul3A_200 : i32
      %add3A_202 = arith.constant 16 : i32
      %add3A_203 = arith.addi %mul3A_201, %add3A_202 : i32
      %swap3A_204 = arith.index_cast %add3A_203 : i32 to index
      %swap3A_205 = tpu.vector_load %arg15[%swap3A_204] {strides = array<i32>} : memref<4096xf32, #tpu.memory_space<vmem>>, vector<16xf32>,
      %swap3A_206 = vector.shape_cast %swap3A_205 : vector<16xf32> to vector<16xf32>
      %swap3A_207 = vector.shape_cast %while3A_157#17 : vector<16xf32> to vector<16xf32>
      tpu.vector_store %arg15[%swap3A_204], %swap3A_207 {strides = array<i32>} : memref<4096xf32, #tpu.memory_space<vmem>>, vector<16xf32>,
      %mul3A_208 = arith.constant 128 : i32
      %mul3A_209 = arith.muli %scan3A_81, %mul3A_208 : i32
      %add3A_210 = arith.constant 32 : i32
      %add3A_211 = arith.addi %mul3A_209, %add3A_210 : i32
      %swap3A_212 = arith.index_cast %add3A_211 : i32 to index
      %swap3A_213 = tpu.vector_load %arg13[%swap3A_212] {strides = array<i32>} : memref<4096xf32, #tpu.memory_space<vmem>>, vector<16xf32>,
      %swap3A_214 = vector.shape_cast %swap3A_213 : vector<16xf32> to vector<16xf32>
      %swap3A_215 = vector.shape_cast %while3A_157#2 : vector<16xf32> to vector<16xf32>
      tpu.vector_store %arg13[%swap3A_212], %swap3A_215 {strides = array<i32>} : memref<4096xf32, #tpu.memory_space<vmem>>, vector<16xf32>,
      %mul3A_216 = arith.constant 128 : i32
      %mul3A_217 = arith.muli %scan3A_81, %mul3A_216 : i32
      %add3A_218 = arith.constant 32 : i32
      %add3A_219 = arith.addi %mul3A_217, %add3A_218 : i32
      %swap3A_220 = arith.index_cast %add3A_219 : i32 to index
      %swap3A_221 = tpu.vector_load %arg14[%swap3A_220] {strides = array<i32>} : memref<4096xf32, #tpu.memory_space<vmem>>, vector<16xf32>,
      %swap3A_222 = vector.shape_cast %swap3A_221 : vector<16xf32> to vector<16xf32>
      %swap3A_223 = vector.shape_cast %while3A_157#10 : vector<16xf32> to vector<16xf32>
      tpu.vector_store %arg14[%swap3A_220], %swap3A_223 {strides = array<i32>} : memref<4096xf32, #tpu.memory_space<vmem>>, vector<16xf32>,
      %mul3A_224 = arith.constant 128 : i32
      %mul3A_225 = arith.muli %scan3A_81, %mul3A_224 : i32
      %add3A_226 = arith.constant 32 : i32
      %add3A_227 = arith.addi %mul3A_225, %add3A_226 : i32
      %swap3A_228 = arith.index_cast %add3A_227 : i32 to index
      %swap3A_229 = tpu.vector_load %arg15[%swap3A_228] {strides = array<i32>} : memref<4096xf32, #tpu.memory_space<vmem>>, vector<16xf32>,
      %swap3A_230 = vector.shape_cast %swap3A_229 : vector<16xf32> to vector<16xf32>
      %swap3A_231 = vector.shape_cast %while3A_157#18 : vector<16xf32> to vector<16xf32>
      tpu.vector_store %arg15[%swap3A_228], %swap3A_231 {strides = array<i32>} : memref<4096xf32, #tpu.memory_space<vmem>>, vector<16xf32>,
      %mul3A_232 = arith.constant 128 : i32
      %mul3A_233 = arith.muli %scan3A_81, %mul3A_232 : i32
      %add3A_234 = arith.constant 48 : i32
      %add3A_235 = arith.addi %mul3A_233, %add3A_234 : i32
      %swap3A_236 = arith.index_cast %add3A_235 : i32 to index
      %swap3A_237 = tpu.vector_load %arg13[%swap3A_236] {strides = array<i32>} : memref<4096xf32, #tpu.memory_space<vmem>>, vector<16xf32>,
      %swap3A_238 = vector.shape_cast %swap3A_237 : vector<16xf32> to vector<16xf32>
      %swap3A_239 = vector.shape_cast %while3A_157#3 : vector<16xf32> to vector<16xf32>
      tpu.vector_store %arg13[%swap3A_236], %swap3A_239 {strides = array<i32>} : memref<4096xf32, #tpu.memory_space<vmem>>, vector<16xf32>,
      %mul3A_240 = arith.constant 128 : i32
      %mul3A_241 = arith.muli %scan3A_81, %mul3A_240 : i32
      %add3A_242 = arith.constant 48 : i32
      %add3A_243 = arith.addi %mul3A_241, %add3A_242 : i32
      %swap3A_244 = arith.index_cast %add3A_243 : i32 to index
      %swap3A_245 = tpu.vector_load %arg14[%swap3A_244] {strides = array<i32>} : memref<4096xf32, #tpu.memory_space<vmem>>, vector<16xf32>,
      %swap3A_246 = vector.shape_cast %swap3A_245 : vector<16xf32> to vector<16xf32>
      %swap3A_247 = vector.shape_cast %while3A_157#11 : vector<16xf32> to vector<16xf32>
      tpu.vector_store %arg14[%swap3A_244], %swap3A_247 {strides = array<i32>} : memref<4096xf32, #tpu.memory_space<vmem>>, vector<16xf32>,
      %mul3A_248 = arith.constant 128 : i32
      %mul3A_249 = arith.muli %scan3A_81, %mul3A_248 : i32
      %add3A_250 = arith.constant 48 : i32
      %add3A_251 = arith.addi %mul3A_249, %add3A_250 : i32
      %swap3A_252 = arith.index_cast %add3A_251 : i32 to index
      %swap3A_253 = tpu.vector_load %arg15[%swap3A_252] {strides = array<i32>} : memref<4096xf32, #tpu.memory_space<vmem>>, vector<16xf32>,
      %swap3A_254 = vector.shape_cast %swap3A_253 : vector<16xf32> to vector<16xf32>
      %swap3A_255 = vector.shape_cast %while3A_157#19 : vector<16xf32> to vector<16xf32>
      tpu.vector_store %arg15[%swap3A_252], %swap3A_255 {strides = array<i32>} : memref<4096xf32, #tpu.memory_space<vmem>>, vector<16xf32>,
      %mul3A_256 = arith.constant 128 : i32
      %mul3A_257 = arith.muli %scan3A_81, %mul3A_256 : i32
      %add3A_258 = arith.constant 64 : i32
      %add3A_259 = arith.addi %mul3A_257, %add3A_258 : i32
      %swap3A_260 = arith.index_cast %add3A_259 : i32 to index
      %swap3A_261 = tpu.vector_load %arg13[%swap3A_260] {strides = array<i32>} : memref<4096xf32, #tpu.memory_space<vmem>>, vector<16xf32>,
      %swap3A_262 = vector.shape_cast %swap3A_261 : vector<16xf32> to vector<16xf32>
      %swap3A_263 = vector.shape_cast %while3A_157#4 : vector<16xf32> to vector<16xf32>
      tpu.vector_store %arg13[%swap3A_260], %swap3A_263 {strides = array<i32>} : memref<4096xf32, #tpu.memory_space<vmem>>, vector<16xf32>,
      %mul3A_264 = arith.constant 128 : i32
      %mul3A_265 = arith.muli %scan3A_81, %mul3A_264 : i32
      %add3A_266 = arith.constant 64 : i32
      %add3A_267 = arith.addi %mul3A_265, %add3A_266 : i32
      %swap3A_268 = arith.index_cast %add3A_267 : i32 to index
      %swap3A_269 = tpu.vector_load %arg14[%swap3A_268] {strides = array<i32>} : memref<4096xf32, #tpu.memory_space<vmem>>, vector<16xf32>,
      %swap3A_270 = vector.shape_cast %swap3A_269 : vector<16xf32> to vector<16xf32>
      %swap3A_271 = vector.shape_cast %while3A_157#12 : vector<16xf32> to vector<16xf32>
      tpu.vector_store %arg14[%swap3A_268], %swap3A_271 {strides = array<i32>} : memref<4096xf32, #tpu.memory_space<vmem>>, vector<16xf32>,
      %mul3A_272 = arith.constant 128 : i32
      %mul3A_273 = arith.muli %scan3A_81, %mul3A_272 : i32
      %add3A_274 = arith.constant 64 : i32
      %add3A_275 = arith.addi %mul3A_273, %add3A_274 : i32
      %swap3A_276 = arith.index_cast %add3A_275 : i32 to index
      %swap3A_277 = tpu.vector_load %arg15[%swap3A_276] {strides = array<i32>} : memref<4096xf32, #tpu.memory_space<vmem>>, vector<16xf32>,
      %swap3A_278 = vector.shape_cast %swap3A_277 : vector<16xf32> to vector<16xf32>
      %swap3A_279 = vector.shape_cast %while3A_157#20 : vector<16xf32> to vector<16xf32>
      tpu.vector_store %arg15[%swap3A_276], %swap3A_279 {strides = array<i32>} : memref<4096xf32, #tpu.memory_space<vmem>>, vector<16xf32>,
      %mul3A_280 = arith.constant 128 : i32
      %mul3A_281 = arith.muli %scan3A_81, %mul3A_280 : i32
      %add3A_282 = arith.constant 80 : i32
      %add3A_283 = arith.addi %mul3A_281, %add3A_282 : i32
      %swap3A_284 = arith.index_cast %add3A_283 : i32 to index
      %swap3A_285 = tpu.vector_load %arg13[%swap3A_284] {strides = array<i32>} : memref<4096xf32, #tpu.memory_space<vmem>>, vector<16xf32>,
      %swap3A_286 = vector.shape_cast %swap3A_285 : vector<16xf32> to vector<16xf32>
      %swap3A_287 = vector.shape_cast %while3A_157#5 : vector<16xf32> to vector<16xf32>
      tpu.vector_store %arg13[%swap3A_284], %swap3A_287 {strides = array<i32>} : memref<4096xf32, #tpu.memory_space<vmem>>, vector<16xf32>,
      %mul3A_288 = arith.constant 128 : i32
      %mul3A_289 = arith.muli %scan3A_81, %mul3A_288 : i32
      %add3A_290 = arith.constant 80 : i32
      %add3A_291 = arith.addi %mul3A_289, %add3A_290 : i32
      %swap3A_292 = arith.index_cast %add3A_291 : i32 to index
      %swap3A_293 = tpu.vector_load %arg14[%swap3A_292] {strides = array<i32>} : memref<4096xf32, #tpu.memory_space<vmem>>, vector<16xf32>,
      %swap3A_294 = vector.shape_cast %swap3A_293 : vector<16xf32> to vector<16xf32>
      %swap3A_295 = vector.shape_cast %while3A_157#13 : vector<16xf32> to vector<16xf32>
      tpu.vector_store %arg14[%swap3A_292], %swap3A_295 {strides = array<i32>} : memref<4096xf32, #tpu.memory_space<vmem>>, vector<16xf32>,
      %mul3A_296 = arith.constant 128 : i32
      %mul3A_297 = arith.muli %scan3A_81, %mul3A_296 : i32
      %add3A_298 = arith.constant 80 : i32
      %add3A_299 = arith.addi %mul3A_297, %add3A_298 : i32
      %swap3A_300 = arith.index_cast %add3A_299 : i32 to index
      %swap3A_301 = tpu.vector_load %arg15[%swap3A_300] {strides = array<i32>} : memref<4096xf32, #tpu.memory_space<vmem>>, vector<16xf32>,
      %swap3A_302 = vector.shape_cast %swap3A_301 : vector<16xf32> to vector<16xf32>
      %swap3A_303 = vector.shape_cast %while3A_157#21 : vector<16xf32> to vector<16xf32>
      tpu.vector_store %arg15[%swap3A_300], %swap3A_303 {strides = array<i32>} : memref<4096xf32, #tpu.memory_space<vmem>>, vector<16xf32>,
      %mul3A_304 = arith.constant 128 : i32
      %mul3A_305 = arith.muli %scan3A_81, %mul3A_304 : i32
      %add3A_306 = arith.constant 96 : i32
      %add3A_307 = arith.addi %mul3A_305, %add3A_306 : i32
      %swap3A_308 = arith.index_cast %add3A_307 : i32 to index
      %swap3A_309 = tpu.vector_load %arg13[%swap3A_308] {strides = array<i32>} : memref<4096xf32, #tpu.memory_space<vmem>>, vector<16xf32>,
      %swap3A_310 = vector.shape_cast %swap3A_309 : vector<16xf32> to vector<16xf32>
      %swap3A_311 = vector.shape_cast %while3A_157#6 : vector<16xf32> to vector<16xf32>
      tpu.vector_store %arg13[%swap3A_308], %swap3A_311 {strides = array<i32>} : memref<4096xf32, #tpu.memory_space<vmem>>, vector<16xf32>,
      %mul3A_312 = arith.constant 128 : i32
      %mul3A_313 = arith.muli %scan3A_81, %mul3A_312 : i32
      %add3A_314 = arith.constant 96 : i32
      %add3A_315 = arith.addi %mul3A_313, %add3A_314 : i32
      %swap3A_316 = arith.index_cast %add3A_315 : i32 to index
      %swap3A_317 = tpu.vector_load %arg14[%swap3A_316] {strides = array<i32>} : memref<4096xf32, #tpu.memory_space<vmem>>, vector<16xf32>,
      %swap3A_318 = vector.shape_cast %swap3A_317 : vector<16xf32> to vector<16xf32>
      %swap3A_319 = vector.shape_cast %while3A_157#14 : vector<16xf32> to vector<16xf32>
      tpu.vector_store %arg14[%swap3A_316], %swap3A_319 {strides = array<i32>} : memref<4096xf32, #tpu.memory_space<vmem>>, vector<16xf32>,
      %mul3A_320 = arith.constant 128 : i32
      %mul3A_321 = arith.muli %scan3A_81, %mul3A_320 : i32
      %add3A_322 = arith.constant 96 : i32
      %add3A_323 = arith.addi %mul3A_321, %add3A_322 : i32
      %swap3A_324 = arith.index_cast %add3A_323 : i32 to index
      %swap3A_325 = tpu.vector_load %arg15[%swap3A_324] {strides = array<i32>} : memref<4096xf32, #tpu.memory_space<vmem>>, vector<16xf32>,
      %swap3A_326 = vector.shape_cast %swap3A_325 : vector<16xf32> to vector<16xf32>
      %swap3A_327 = vector.shape_cast %while3A_157#22 : vector<16xf32> to vector<16xf32>
      tpu.vector_store %arg15[%swap3A_324], %swap3A_327 {strides = array<i32>} : memref<4096xf32, #tpu.memory_space<vmem>>, vector<16xf32>,
      %mul3A_328 = arith.constant 128 : i32
      %mul3A_329 = arith.muli %scan3A_81, %mul3A_328 : i32
      %add3A_330 = arith.constant 112 : i32
      %add3A_331 = arith.addi %mul3A_329, %add3A_330 : i32
      %swap3A_332 = arith.index_cast %add3A_331 : i32 to index
      %swap3A_333 = tpu.vector_load %arg13[%swap3A_332] {strides = array<i32>} : memref<4096xf32, #tpu.memory_space<vmem>>, vector<16xf32>,
      %swap3A_334 = vector.shape_cast %swap3A_333 : vector<16xf32> to vector<16xf32>
      %swap3A_335 = vector.shape_cast %while3A_157#7 : vector<16xf32> to vector<16xf32>
      tpu.vector_store %arg13[%swap3A_332], %swap3A_335 {strides = array<i32>} : memref<4096xf32, #tpu.memory_space<vmem>>, vector<16xf32>,
      %mul3A_336 = arith.constant 128 : i32
      %mul3A_337 = arith.muli %scan3A_81, %mul3A_336 : i32
      %add3A_338 = arith.constant 112 : i32
      %add3A_339 = arith.addi %mul3A_337, %add3A_338 : i32
      %swap3A_340 = arith.index_cast %add3A_339 : i32 to index
      %swap3A_341 = tpu.vector_load %arg14[%swap3A_340] {strides = array<i32>} : memref<4096xf32, #tpu.memory_space<vmem>>, vector<16xf32>,
      %swap3A_342 = vector.shape_cast %swap3A_341 : vector<16xf32> to vector<16xf32>
      %swap3A_343 = vector.shape_cast %while3A_157#15 : vector<16xf32> to vector<16xf32>
      tpu.vector_store %arg14[%swap3A_340], %swap3A_343 {strides = array<i32>} : memref<4096xf32, #tpu.memory_space<vmem>>, vector<16xf32>,
      %mul3A_344 = arith.constant 128 : i32
      %mul3A_345 = arith.muli %scan3A_81, %mul3A_344 : i32
      %add3A_346 = arith.constant 112 : i32
      %add3A_347 = arith.addi %mul3A_345, %add3A_346 : i32
      %swap3A_348 = arith.index_cast %add3A_347 : i32 to index
      %swap3A_349 = tpu.vector_load %arg15[%swap3A_348] {strides = array<i32>} : memref<4096xf32, #tpu.memory_space<vmem>>, vector<16xf32>,
      %swap3A_350 = vector.shape_cast %swap3A_349 : vector<16xf32> to vector<16xf32>
      %swap3A_351 = vector.shape_cast %while3A_157#23 : vector<16xf32> to vector<16xf32>
      tpu.vector_store %arg15[%swap3A_348], %swap3A_351 {strides = array<i32>} : memref<4096xf32, #tpu.memory_space<vmem>>, vector<16xf32>,
      %mul3A_352 = arith.constant 16 : i32
      %mul3A_353 = arith.muli %scan3A_81, %mul3A_352 : i32
      %swap3A_354 = arith.index_cast %mul3A_353 : i32 to index
      %swap3A_355 = tpu.vector_load %arg16[%swap3A_354] {strides = array<i32>} : memref<512xf32, #tpu.memory_space<vmem>>, vector<16xf32>,
      %swap3A_356 = vector.shape_cast %swap3A_355 : vector<16xf32> to vector<16xf32>
      %swap3A_357 = vector.shape_cast %broadcast_in_dim3A_160 : vector<16xf32> to vector<16xf32>
      tpu.vector_store %arg16[%swap3A_354], %swap3A_357 {strides = array<i32>} : memref<512xf32, #tpu.memory_space<vmem>>, vector<16xf32>,
      %mul3A_358 = arith.constant 16 : i32
      %mul3A_359 = arith.muli %scan3A_81, %mul3A_358 : i32
      %swap3A_360 = arith.index_cast %mul3A_359 : i32 to index
      %swap3A_361 = tpu.vector_load %arg17[%swap3A_360] {strides = array<i32>} : memref<512xf32, #tpu.memory_space<vmem>>, vector<16xf32>,
      %swap3A_362 = vector.shape_cast %swap3A_361 : vector<16xf32> to vector<16xf32>
      %swap3A_363 = vector.shape_cast %while3A_157#25 : vector<16xf32> to vector<16xf32>
      tpu.vector_store %arg17[%swap3A_360], %swap3A_363 {strides = array<i32>} : memref<512xf32, #tpu.memory_space<vmem>>, vector<16xf32>,
      scf.yield %while3A_157#26 : i32
    }
    %scan3A_70 = arith.constant 32 : i32
    %mul3A_71 = arith.constant 128 : i32
    %mul3A_72 = arith.muli %mul3A_2, %mul3A_71 : i32
    "tpu.region"() ({
      %run_scoped3A = tpu.sem_alloc : memref<!tpu.dma_semaphore, #tpu.memory_space<semaphore_mem>>
      %dma_start3A = tpu.memref_slice %arg5[%mul3A_72] : memref<131072xf32, #tpu.memory_space<hbm>> -> memref<4096xf32, #tpu.memory_space<hbm>>
      %dma_start3A_81 = tpu.memref_slice %arg5[%mul3A_72] : memref<131072xf32, #tpu.memory_space<hbm>> -> memref<4096xf32, #tpu.memory_space<hbm>>
      tpu.enqueue_dma source(%arg13 : memref<4096xf32, #tpu.memory_space<vmem>>) target(%dma_start3A_81 : memref<4096xf32, #tpu.memory_space<hbm>>) target_semaphore(%run_scoped3A : memref<!tpu.dma_semaphore, #tpu.memory_space<semaphore_mem>>)
      %dma_wait3A = tpu.memref_slice %arg5[%mul3A_72] : memref<131072xf32, #tpu.memory_space<hbm>> -> memref<4096xf32, #tpu.memory_space<hbm>>
      %dma_wait3A_82 = tpu.memref_slice %arg5[%mul3A_72] : memref<131072xf32, #tpu.memory_space<hbm>> -> memref<4096xf32, #tpu.memory_space<hbm>>
      tpu.wait_dma2 semaphore(%run_scoped3A : memref<!tpu.dma_semaphore, #tpu.memory_space<semaphore_mem>>) src(%arg13 : memref<4096xf32, #tpu.memory_space<vmem>>) dst(%dma_wait3A_82 : memref<4096xf32, #tpu.memory_space<hbm>>)
      tpu.yield
    }) : () -> ()
    %mul3A_73 = arith.constant 128 : i32
    %mul3A_74 = arith.muli %mul3A_2, %mul3A_73 : i32
    "tpu.region"() ({
      %run_scoped3A = tpu.sem_alloc : memref<!tpu.dma_semaphore, #tpu.memory_space<semaphore_mem>>
      %dma_start3A = tpu.memref_slice %arg6[%mul3A_74] : memref<131072xf32, #tpu.memory_space<hbm>> -> memref<4096xf32, #tpu.memory_space<hbm>>
      %dma_start3A_81 = tpu.memref_slice %arg6[%mul3A_74] : memref<131072xf32, #tpu.memory_space<hbm>> -> memref<4096xf32, #tpu.memory_space<hbm>>
      tpu.enqueue_dma source(%arg14 : memref<4096xf32, #tpu.memory_space<vmem>>) target(%dma_start3A_81 : memref<4096xf32, #tpu.memory_space<hbm>>) target_semaphore(%run_scoped3A : memref<!tpu.dma_semaphore, #tpu.memory_space<semaphore_mem>>)
      %dma_wait3A = tpu.memref_slice %arg6[%mul3A_74] : memref<131072xf32, #tpu.memory_space<hbm>> -> memref<4096xf32, #tpu.memory_space<hbm>>
      %dma_wait3A_82 = tpu.memref_slice %arg6[%mul3A_74] : memref<131072xf32, #tpu.memory_space<hbm>> -> memref<4096xf32, #tpu.memory_space<hbm>>
      tpu.wait_dma2 semaphore(%run_scoped3A : memref<!tpu.dma_semaphore, #tpu.memory_space<semaphore_mem>>) src(%arg14 : memref<4096xf32, #tpu.memory_space<vmem>>) dst(%dma_wait3A_82 : memref<4096xf32, #tpu.memory_space<hbm>>)
      tpu.yield
    }) : () -> ()
    %mul3A_75 = arith.constant 128 : i32
    %mul3A_76 = arith.muli %mul3A_2, %mul3A_75 : i32
    "tpu.region"() ({
      %run_scoped3A = tpu.sem_alloc : memref<!tpu.dma_semaphore, #tpu.memory_space<semaphore_mem>>
      %dma_start3A = tpu.memref_slice %arg7[%mul3A_76] : memref<131072xf32, #tpu.memory_space<hbm>> -> memref<4096xf32, #tpu.memory_space<hbm>>
      %dma_start3A_81 = tpu.memref_slice %arg7[%mul3A_76] : memref<131072xf32, #tpu.memory_space<hbm>> -> memref<4096xf32, #tpu.memory_space<hbm>>
      tpu.enqueue_dma source(%arg15 : memref<4096xf32, #tpu.memory_space<vmem>>) target(%dma_start3A_81 : memref<4096xf32, #tpu.memory_space<hbm>>) target_semaphore(%run_scoped3A : memref<!tpu.dma_semaphore, #tpu.memory_space<semaphore_mem>>)
      %dma_wait3A = tpu.memref_slice %arg7[%mul3A_76] : memref<131072xf32, #tpu.memory_space<hbm>> -> memref<4096xf32, #tpu.memory_space<hbm>>
      %dma_wait3A_82 = tpu.memref_slice %arg7[%mul3A_76] : memref<131072xf32, #tpu.memory_space<hbm>> -> memref<4096xf32, #tpu.memory_space<hbm>>
      tpu.wait_dma2 semaphore(%run_scoped3A : memref<!tpu.dma_semaphore, #tpu.memory_space<semaphore_mem>>) src(%arg15 : memref<4096xf32, #tpu.memory_space<vmem>>) dst(%dma_wait3A_82 : memref<4096xf32, #tpu.memory_space<hbm>>)
      tpu.yield
    }) : () -> ()
    %mul3A_77 = arith.constant 16 : i32
    %mul3A_78 = arith.muli %mul3A_2, %mul3A_77 : i32
    "tpu.region"() ({
      %run_scoped3A = tpu.sem_alloc : memref<!tpu.dma_semaphore, #tpu.memory_space<semaphore_mem>>
      %dma_start3A = tpu.memref_slice %arg8[%mul3A_78] : memref<16384xf32, #tpu.memory_space<hbm>> -> memref<512xf32, #tpu.memory_space<hbm>>
      %dma_start3A_81 = tpu.memref_slice %arg8[%mul3A_78] : memref<16384xf32, #tpu.memory_space<hbm>> -> memref<512xf32, #tpu.memory_space<hbm>>
      tpu.enqueue_dma source(%arg16 : memref<512xf32, #tpu.memory_space<vmem>>) target(%dma_start3A_81 : memref<512xf32, #tpu.memory_space<hbm>>) target_semaphore(%run_scoped3A : memref<!tpu.dma_semaphore, #tpu.memory_space<semaphore_mem>>)
      %dma_wait3A = tpu.memref_slice %arg8[%mul3A_78] : memref<16384xf32, #tpu.memory_space<hbm>> -> memref<512xf32, #tpu.memory_space<hbm>>
      %dma_wait3A_82 = tpu.memref_slice %arg8[%mul3A_78] : memref<16384xf32, #tpu.memory_space<hbm>> -> memref<512xf32, #tpu.memory_space<hbm>>
      tpu.wait_dma2 semaphore(%run_scoped3A : memref<!tpu.dma_semaphore, #tpu.memory_space<semaphore_mem>>) src(%arg16 : memref<512xf32, #tpu.memory_space<vmem>>) dst(%dma_wait3A_82 : memref<512xf32, #tpu.memory_space<hbm>>)
      tpu.yield
    }) : () -> ()
    %mul3A_79 = arith.constant 16 : i32
    %mul3A_80 = arith.muli %mul3A_2, %mul3A_79 : i32
    "tpu.region"() ({
      %run_scoped3A = tpu.sem_alloc : memref<!tpu.dma_semaphore, #tpu.memory_space<semaphore_mem>>
      %dma_start3A = tpu.memref_slice %arg9[%mul3A_80] : memref<16384xf32, #tpu.memory_space<hbm>> -> memref<512xf32, #tpu.memory_space<hbm>>
      %dma_start3A_81 = tpu.memref_slice %arg9[%mul3A_80] : memref<16384xf32, #tpu.memory_space<hbm>> -> memref<512xf32, #tpu.memory_space<hbm>>
      tpu.enqueue_dma source(%arg17 : memref<512xf32, #tpu.memory_space<vmem>>) target(%dma_start3A_81 : memref<512xf32, #tpu.memory_space<hbm>>) target_semaphore(%run_scoped3A : memref<!tpu.dma_semaphore, #tpu.memory_space<semaphore_mem>>)
      %dma_wait3A = tpu.memref_slice %arg9[%mul3A_80] : memref<16384xf32, #tpu.memory_space<hbm>> -> memref<512xf32, #tpu.memory_space<hbm>>
      %dma_wait3A_82 = tpu.memref_slice %arg9[%mul3A_80] : memref<16384xf32, #tpu.memory_space<hbm>> -> memref<512xf32, #tpu.memory_space<hbm>>
      tpu.wait_dma2 semaphore(%run_scoped3A : memref<!tpu.dma_semaphore, #tpu.memory_space<semaphore_mem>>) src(%arg17 : memref<512xf32, #tpu.memory_space<vmem>>) dst(%dma_wait3A_82 : memref<512xf32, #tpu.memory_space<hbm>>)
      tpu.yield
    }) : () -> ()
    return
  }
}

module attributes {stable_mosaic.version = 14 : i64} {
  func.func @_score_body(%arg0: i32, %arg1: memref<10000x128xf32, #tpu.memory_space<vmem>>, %arg2: memref<128x128xf32, #tpu.memory_space<vmem>>, %arg3: memref<1x128xf32, #tpu.memory_space<vmem>>, %arg4: memref<1x128xf32, #tpu.memory_space<vmem>>, %arg5: memref<1x1xf32, #tpu.memory_space<vmem>>, %arg6: memref<1x1x10000xi32, #tpu.memory_space<vmem>>, %arg7: memref<1x1x10000xf32, #tpu.memory_space<vmem>>, %arg8: memref<8x128xi32, #tpu.memory_space<vmem>>, %arg9: memref<8x128xf32, #tpu.memory_space<vmem>>) attributes {dimension_semantics = [#tpu.dimension_semantics<arbitrary>], iteration_bounds = array<i64: 10>, scalar_prefetch = 0 : i64, scratch_operands = 1 : i64, tpu.core_type = #tpu.core_type<tc>, window_params = [{transform_indices = @transform_0, window_bounds = array<i64: 10000, 128>}, {pipeline_mode = #tpu.pipeline_mode<synchronous>, transform_indices = @transform_1, window_bounds = array<i64: 128, 128>}, {pipeline_mode = #tpu.pipeline_mode<synchronous>, transform_indices = @transform_2, window_bounds = array<i64: 1, 128>}, {pipeline_mode = #tpu.pipeline_mode<synchronous>, transform_indices = @transform_3, window_bounds = array<i64: 1, 128>}, {pipeline_mode = #tpu.pipeline_mode<synchronous>, transform_indices = @transform_4, window_bounds = array<i64: 1, 1>}, {transform_indices = @transform_5, window_bounds = array<i64: 1, 1, 10000>}, {transform_indices = @transform_6, window_bounds = array<i64: 1, 1, 10000>}, {pipeline_mode = #tpu.pipeline_mode<synchronous>, transform_indices = @transform_7, window_bounds = array<i64: 8, 128>}]} {
    %eq3A = arith.constant 0 : i32
    %eq3A_0 = arith.cmpi eq, %arg0, %eq3A : i32
    %convert_element_type3A = arith.extui %eq3A_0 : i1 to i32
    %cond3A = arith.constant 0 : i32
    %cond3A_1 = arith.cmpi ne, %convert_element_type3A, %cond3A : i32
    scf.if %cond3A_1 {
      %broadcast_in_dim3A_105 = arith.constant 0.000000e+00 : f32
      %broadcast_in_dim3A_106 = vector.broadcast %broadcast_in_dim3A_105 : f32 to vector<8x128xf32>
      %swap3A_107 = arith.constant 0 : index
      %swap3A_108 = arith.constant 0 : index
      %swap3A_109 = vector.load %arg9[%swap3A_107, %swap3A_108] : memref<8x128xf32, #tpu.memory_space<vmem>>, vector<8x128xf32>
      tpu.vector_store %arg9[%swap3A_107, %swap3A_108], %broadcast_in_dim3A_106 {strides = array<i32>} : memref<8x128xf32, #tpu.memory_space<vmem>>, vector<8x128xf32>,
    } else {
    }
    %get3A = arith.constant 0 : index
    %get3A_2 = arith.constant 0 : index
    %get3A_3 = vector.load %arg1[%get3A, %get3A_2] : memref<10000x128xf32, #tpu.memory_space<vmem>>, vector<10000x128xf32>
    %get3A_4 = arith.constant 0 : index
    %get3A_5 = arith.constant 0 : index
    %get3A_6 = vector.load %arg2[%get3A_4, %get3A_5] : memref<128x128xf32, #tpu.memory_space<vmem>>, vector<128x128xf32>
    %dot_general3A = arith.constant dense<0.000000e+00> : vector<10000x128xf32>
    %dot_general3A_7 = tpu.matmul %get3A_3, %get3A_6, %dot_general3A {dimension_numbers = #tpu.dot_dimension_numbers<[1], [0], [0], [1], [0, 0, 1, 1], [], []>, transpose_lhs_hint = false} : vector<10000x128xf32>, vector<128x128xf32>, vector<10000x128xf32> -> vector<10000x128xf32>
    %get3A_8 = arith.constant 0 : index
    %get3A_9 = arith.constant 0 : index
    %get3A_10 = vector.load %arg3[%get3A_8, %get3A_9] : memref<1x128xf32, #tpu.memory_space<vmem>>, vector<1x128xf32>
    %add3A = vector.broadcast %get3A_10 : vector<1x128xf32> to vector<10000x128xf32>
    %add3A_11 = arith.addf %dot_general3A_7, %add3A : vector<10000x128xf32>
    %mul3A = arith.constant 0.00999999977 : f32
    %mul3A_12 = vector.broadcast %mul3A : f32 to vector<10000x128xf32>
    %mul3A_13 = arith.mulf %mul3A_12, %add3A_11 : vector<10000x128xf32>
    %max3A = arith.maximumf %add3A_11, %mul3A_13 : vector<10000x128xf32>
    %get3A_14 = arith.constant 0 : index
    %get3A_15 = arith.constant 0 : index
    %get3A_16 = vector.load %arg4[%get3A_14, %get3A_15] : memref<1x128xf32, #tpu.memory_space<vmem>>, vector<1x128xf32>
    %dot_general3A_17 = arith.constant dense<0.000000e+00> : vector<1x10000xf32>
    %dot_general3A_18 = tpu.matmul %get3A_16, %max3A, %dot_general3A_17 {dimension_numbers = #tpu.dot_dimension_numbers<[1], [1], [0], [0], [0, 0, 1, 0], [], []>, transpose_lhs_hint = false} : vector<1x128xf32>, vector<10000x128xf32>, vector<1x10000xf32> -> vector<1x10000xf32>
    %squeeze3A = vector.shape_cast %dot_general3A_18 : vector<1x10000xf32> to vector<10000xf32>
    %get3A_19 = arith.constant 0 : index
    %get3A_20 = arith.constant 0 : index
    %get3A_21 = vector.load %arg5[%get3A_19, %get3A_20] : memref<1x1xf32, #tpu.memory_space<vmem>>, vector<1x1xf32>
    %get3A_22 = vector.extract %get3A_21[0, 0] : f32 from vector<1x1xf32>
    %add3A_23 = vector.broadcast %get3A_22 : f32 to vector<10000xf32>
    %add3A_24 = arith.addf %squeeze3A, %add3A_23 : vector<10000xf32>
    %swap3A = arith.constant 0 : index
    %swap3A_25 = arith.constant 0 : index
    %swap3A_26 = arith.constant 0 : index
    %swap3A_27 = vector.load %arg7[%swap3A, %swap3A_25, %swap3A_26] : memref<1x1x10000xf32, #tpu.memory_space<vmem>>, vector<1x1x10000xf32>
    %swap3A_28 = vector.shape_cast %swap3A_27 : vector<1x1x10000xf32> to vector<10000xf32>
    %swap3A_29 = vector.shape_cast %add3A_24 : vector<10000xf32> to vector<1x1x10000xf32>
    tpu.vector_store %arg7[%swap3A, %swap3A_25, %swap3A_26], %swap3A_29 {strides = array<i32>} : memref<1x1x10000xf32, #tpu.memory_space<vmem>>, vector<1x1x10000xf32>,
    %get3A_30 = arith.constant 0 : index
    %get3A_31 = arith.constant 0 : index
    %get3A_32 = arith.constant 0 : index
    %get3A_33 = vector.load %arg6[%get3A_30, %get3A_31, %get3A_32] : memref<1x1x10000xi32, #tpu.memory_space<vmem>>, vector<1x1x10000xi32>
    %get3A_34 = vector.shape_cast %get3A_33 : vector<1x1x10000xi32> to vector<10000xi32>
    %jit3A = arith.constant 128 : i32
    %div3A = vector.broadcast %jit3A : i32 to vector<10000xi32>
    %div3A_35 = arith.divsi %get3A_34, %div3A : vector<10000xi32>
    %sign3A = arith.constant 0 : i32
    %sign3A_36 = vector.broadcast %sign3A : i32 to vector<10000xi32>
    %sign3A_37 = arith.cmpi sgt, %get3A_34, %sign3A_36 : vector<10000xi32>
    %sign3A_38 = arith.extui %sign3A_37 : vector<10000xi1> to vector<10000xi32>
    %sign3A_39 = arith.constant 0 : i32
    %sign3A_40 = vector.broadcast %sign3A_39 : i32 to vector<10000xi32>
    %sign3A_41 = arith.cmpi slt, %get3A_34, %sign3A_40 : vector<10000xi32>
    %sign3A_42 = arith.extui %sign3A_41 : vector<10000xi1> to vector<10000xi32>
    %sign3A_43 = arith.subi %sign3A_38, %sign3A_42 : vector<10000xi32>
    %sign3A_44 = arith.constant 0 : i32
    %sign3A_45 = arith.cmpi sgt, %jit3A, %sign3A_44 : i32
    %sign3A_46 = arith.extui %sign3A_45 : i1 to i32
    %sign3A_47 = arith.constant 0 : i32
    %sign3A_48 = arith.cmpi slt, %jit3A, %sign3A_47 : i32
    %sign3A_49 = arith.extui %sign3A_48 : i1 to i32
    %sign3A_50 = arith.subi %sign3A_46, %sign3A_49 : i32
    %ne3A = vector.broadcast %sign3A_50 : i32 to vector<10000xi32>
    %ne3A_51 = arith.cmpi ne, %sign3A_43, %ne3A : vector<10000xi32>
    %rem3A = vector.broadcast %jit3A : i32 to vector<10000xi32>
    %rem3A_52 = arith.remsi %get3A_34, %rem3A : vector<10000xi32>
    %ne3A_53 = arith.constant 0 : i32
    %ne3A_54 = vector.broadcast %ne3A_53 : i32 to vector<10000xi32>
    %ne3A_55 = arith.cmpi ne, %rem3A_52, %ne3A_54 : vector<10000xi32>
    %and3A = arith.andi %ne3A_51, %ne3A_55 : vector<10000xi1>
    %sub3A = arith.constant 1 : i32
    %sub3A_56 = vector.broadcast %sub3A : i32 to vector<10000xi32>
    %sub3A_57 = arith.subi %div3A_35, %sub3A_56 : vector<10000xi32>
    %select_n3A = arith.select %and3A, %sub3A_57, %div3A_35 : vector<10000xi1>, vector<10000xi32>
    %broadcast_in_dim3A = vector.shape_cast %select_n3A : vector<10000xi32> to vector<1x10000xi32>
    %iota3A = tpu.iota {dimensions = array<i32: 0>} : vector<8x10000xi32>
    %eq3A_58 = vector.broadcast %broadcast_in_dim3A : vector<1x10000xi32> to vector<8x10000xi32>
    %eq3A_59 = arith.cmpi eq, %eq3A_58, %iota3A : vector<8x10000xi32>
    %convert_element_type3A_60 = arith.extui %eq3A_59 : vector<8x10000xi1> to vector<8x10000xi32>
    %convert_element_type3A_61 = arith.sitofp %convert_element_type3A_60 : vector<8x10000xi32> to vector<8x10000xf32>
    %jit3A_62 = arith.constant 128 : i32
    %eq3A_63 = arith.constant 0 : i32
    %eq3A_64 = arith.cmpi eq, %jit3A_62, %eq3A_63 : i32
    %jit3A_65 = arith.constant 1 : i32
    %select_n3A_66 = arith.select %eq3A_64, %jit3A_65, %jit3A_62 : i32
    %rem3A_67 = vector.broadcast %select_n3A_66 : i32 to vector<10000xi32>
    %rem3A_68 = arith.remsi %get3A_34, %rem3A_67 : vector<10000xi32>
    %ne3A_69 = arith.constant 0 : i32
    %ne3A_70 = vector.broadcast %ne3A_69 : i32 to vector<10000xi32>
    %ne3A_71 = arith.cmpi ne, %rem3A_68, %ne3A_70 : vector<10000xi32>
    %lt3A = arith.constant 0 : i32
    %lt3A_72 = vector.broadcast %lt3A : i32 to vector<10000xi32>
    %lt3A_73 = arith.cmpi slt, %rem3A_68, %lt3A_72 : vector<10000xi32>
    %lt3A_74 = arith.constant 0 : i32
    %lt3A_75 = arith.cmpi slt, %select_n3A_66, %lt3A_74 : i32
    %ne3A_76 = vector.broadcast %lt3A_75 : i1 to vector<10000xi1>
    %ne3A_77 = vector.broadcast %ne3A_76 : vector<10000xi1> to vector<10000xi1>
    %ne3A_78 = arith.xori %lt3A_73, %ne3A_77 : vector<10000xi1>
    %and3A_79 = arith.andi %ne3A_78, %ne3A_71 : vector<10000xi1>
    %add3A_80 = vector.broadcast %select_n3A_66 : i32 to vector<10000xi32>
    %add3A_81 = arith.addi %rem3A_68, %add3A_80 : vector<10000xi32>
    %select_n3A_82 = arith.select %and3A_79, %add3A_81, %rem3A_68 : vector<10000xi1>, vector<10000xi32>
    %broadcast_in_dim3A_83 = vector.shape_cast %select_n3A_82 : vector<10000xi32> to vector<10000x1xi32>
    %iota3A_84 = tpu.iota {dimensions = array<i32: 1>} : vector<10000x128xi32>
    %eq3A_85 = vector.broadcast %broadcast_in_dim3A_83 : vector<10000x1xi32> to vector<10000x128xi32>
    %eq3A_86 = arith.cmpi eq, %eq3A_85, %iota3A_84 : vector<10000x128xi32>
    %convert_element_type3A_87 = arith.extui %eq3A_86 : vector<10000x128xi1> to vector<10000x128xi32>
    %convert_element_type3A_88 = arith.sitofp %convert_element_type3A_87 : vector<10000x128xi32> to vector<10000x128xf32>
    %get3A_89 = arith.constant 0 : index
    %get3A_90 = arith.constant 0 : index
    %get3A_91 = vector.load %arg9[%get3A_89, %get3A_90] : memref<8x128xf32, #tpu.memory_space<vmem>>, vector<8x128xf32>
    %dot_general3A_92 = arith.constant dense<0.000000e+00> : vector<8x128xf32>
    %dot_general3A_93 = tpu.matmul %convert_element_type3A_61, %convert_element_type3A_88, %dot_general3A_92 {dimension_numbers = #tpu.dot_dimension_numbers<[1], [0], [0], [1], [0, 0, 1, 1], [], []>, transpose_lhs_hint = false} : vector<8x10000xf32>, vector<10000x128xf32>, vector<8x128xf32> -> vector<8x128xf32>
    %add3A_94 = arith.addf %get3A_91, %dot_general3A_93 : vector<8x128xf32>
    %swap3A_95 = arith.constant 0 : index
    %swap3A_96 = arith.constant 0 : index
    %swap3A_97 = vector.load %arg9[%swap3A_95, %swap3A_96] : memref<8x128xf32, #tpu.memory_space<vmem>>, vector<8x128xf32>
    tpu.vector_store %arg9[%swap3A_95, %swap3A_96], %add3A_94 {strides = array<i32>} : memref<8x128xf32, #tpu.memory_space<vmem>>, vector<8x128xf32>,
    %get3A_98 = arith.constant 0 : index
    %get3A_99 = arith.constant 0 : index
    %get3A_100 = vector.load %arg9[%get3A_98, %get3A_99] : memref<8x128xf32, #tpu.memory_space<vmem>>, vector<8x128xf32>
    %convert_element_type3A_101 = arith.fptosi %get3A_100 : vector<8x128xf32> to vector<8x128xi32>
    %swap3A_102 = arith.constant 0 : index
    %swap3A_103 = arith.constant 0 : index
    %swap3A_104 = vector.load %arg8[%swap3A_102, %swap3A_103] : memref<8x128xi32, #tpu.memory_space<vmem>>, vector<8x128xi32>
    tpu.vector_store %arg8[%swap3A_102, %swap3A_103], %convert_element_type3A_101 {strides = array<i32>} : memref<8x128xi32, #tpu.memory_space<vmem>>, vector<8x128xi32>,
    return
  }
  func.func @transform_0(%arg0: i32) -> (i32, i32) {
    %c0_i32 = arith.constant 0 : i32
    %c0_i32_0 = arith.constant 0 : i32
    return %arg0, %c0_i32 : i32, i32
  }
  func.func @transform_1(%arg0: i32) -> (i32, i32) {
    %c0_i32 = arith.constant 0 : i32
    %c0_i32_0 = arith.constant 0 : i32
    %c0_i32_1 = arith.constant 0 : i32
    return %c0_i32, %c0_i32_0 : i32, i32
  }
  func.func @transform_2(%arg0: i32) -> (i32, i32) {
    %c0_i32 = arith.constant 0 : i32
    %c0_i32_0 = arith.constant 0 : i32
    %c0_i32_1 = arith.constant 0 : i32
    return %c0_i32, %c0_i32_0 : i32, i32
  }
  func.func @transform_3(%arg0: i32) -> (i32, i32) {
    %c0_i32 = arith.constant 0 : i32
    %c0_i32_0 = arith.constant 0 : i32
    %c0_i32_1 = arith.constant 0 : i32
    return %c0_i32, %c0_i32_0 : i32, i32
  }
  func.func @transform_4(%arg0: i32) -> (i32, i32) {
    %c0_i32 = arith.constant 0 : i32
    %c0_i32_0 = arith.constant 0 : i32
    %c0_i32_1 = arith.constant 0 : i32
    return %c0_i32, %c0_i32_0 : i32, i32
  }
  func.func @transform_5(%arg0: i32) -> (i32, i32, i32) {
    %c0_i32 = arith.constant 0 : i32
    %c0_i32_0 = arith.constant 0 : i32
    %c0_i32_1 = arith.constant 0 : i32
    return %arg0, %c0_i32, %c0_i32_0 : i32, i32, i32
  }
  func.func @transform_6(%arg0: i32) -> (i32, i32, i32) {
    %c0_i32 = arith.constant 0 : i32
    %c0_i32_0 = arith.constant 0 : i32
    %c0_i32_1 = arith.constant 0 : i32
    return %arg0, %c0_i32, %c0_i32_0 : i32, i32, i32
  }
  func.func @transform_7(%arg0: i32) -> (i32, i32) {
    %c0_i32 = arith.constant 0 : i32
    %c0_i32_0 = arith.constant 0 : i32
    %c0_i32_1 = arith.constant 0 : i32
    return %c0_i32, %c0_i32_0 : i32, i32
  }
}

module attributes {stable_mosaic.version = 14 : i64} {
  func.func @_comb_body(%arg0: memref<131072xf32, #tpu.memory_space<vmem>>, %arg1: memref<131072xf32, #tpu.memory_space<vmem>>, %arg2: memref<131072xf32, #tpu.memory_space<vmem>>, %arg3: memref<1024x16xf32, #tpu.memory_space<vmem>>, %arg4: memref<1024x16xf32, #tpu.memory_space<vmem>>, %arg5: memref<512x128xf32, #tpu.memory_space<vmem>>, %arg6: memref<1x128xf32, #tpu.memory_space<vmem>>, %arg7: memref<1000x128xf32, #tpu.memory_space<vmem>>) attributes {dimension_semantics = [], scalar_prefetch = 0 : i64, scratch_operands = 0 : i64, tpu.core_type = #tpu.core_type<tc>} {
    %get3A = arith.constant 0 : index
    %get3A_0 = arith.constant 0 : index
    %get3A_1 = vector.load %arg3[%get3A, %get3A_0] : memref<1024x16xf32, #tpu.memory_space<vmem>>, vector<1024x16xf32>
    %slice3A = vector.extract_strided_slice %get3A_1 {offsets = [0, 0], sizes = [1024, 1], strides = [1, 1]} : vector<1024x16xf32> to vector<1024x1xf32>
    %get3A_2 = arith.constant 0 : index
    %get3A_3 = arith.constant 0 : index
    %get3A_4 = vector.load %arg4[%get3A_2, %get3A_3] : memref<1024x16xf32, #tpu.memory_space<vmem>>, vector<1024x16xf32>
    %slice3A_5 = vector.extract_strided_slice %get3A_4 {offsets = [0, 0], sizes = [1024, 1], strides = [1, 1]} : vector<1024x16xf32> to vector<1024x1xf32>
    %gt3A = arith.constant 0.000000e+00 : f32
    %gt3A_6 = vector.broadcast %gt3A : f32 to vector<1024x1xf32>
    %gt3A_7 = arith.cmpf ogt, %slice3A, %gt3A_6 : vector<1024x1xf32>
    %get3A_8 = arith.constant 0 : index
    %get3A_9 = vector.load %arg0[%get3A_8] : memref<131072xf32, #tpu.memory_space<vmem>>, vector<131072xf32>
    %reshape3A = vector.shape_cast %get3A_9 : vector<131072xf32> to vector<1024x128xf32>
    %jit3A = arith.constant 0.000000e+00 : f32
    %broadcast_in_dim3A = vector.shape_cast %gt3A_7 : vector<1024x1xi1> to vector<1024x1xi1>
    %broadcast_in_dim3A_10 = vector.broadcast %broadcast_in_dim3A : vector<1024x1xi1> to vector<1024x128xi1>
    %broadcast_in_dim3A_11 = vector.broadcast %jit3A : f32 to vector<1024x128xf32>
    %select_n3A = arith.select %broadcast_in_dim3A_10, %reshape3A, %broadcast_in_dim3A_11 : vector<1024x128xi1>, vector<1024x128xf32>
    %get3A_12 = arith.constant 0 : index
    %get3A_13 = vector.load %arg1[%get3A_12] : memref<131072xf32, #tpu.memory_space<vmem>>, vector<131072xf32>
    %reshape3A_14 = vector.shape_cast %get3A_13 : vector<131072xf32> to vector<1024x128xf32>
    %jit3A_15 = arith.constant 0.000000e+00 : f32
    %broadcast_in_dim3A_16 = vector.shape_cast %gt3A_7 : vector<1024x1xi1> to vector<1024x1xi1>
    %broadcast_in_dim3A_17 = vector.broadcast %broadcast_in_dim3A_16 : vector<1024x1xi1> to vector<1024x128xi1>
    %broadcast_in_dim3A_18 = vector.broadcast %jit3A_15 : f32 to vector<1024x128xf32>
    %select_n3A_19 = arith.select %broadcast_in_dim3A_17, %reshape3A_14, %broadcast_in_dim3A_18 : vector<1024x128xi1>, vector<1024x128xf32>
    %max3A = arith.constant 1.000000e+00 : f32
    %max3A_20 = vector.broadcast %max3A : f32 to vector<1024x1xf32>
    %max3A_21 = arith.maximumf %slice3A, %max3A_20 : vector<1024x1xf32>
    %div3A = vector.broadcast %max3A_21 : vector<1024x1xf32> to vector<1024x128xf32>
    %div3A_22 = arith.divf %select_n3A_19, %div3A : vector<1024x128xf32>
    %get3A_23 = arith.constant 0 : index
    %get3A_24 = vector.load %arg2[%get3A_23] : memref<131072xf32, #tpu.memory_space<vmem>>, vector<131072xf32>
    %reshape3A_25 = vector.shape_cast %get3A_24 : vector<131072xf32> to vector<1024x128xf32>
    %add3A = arith.constant 1.000000e-16 : f32
    %add3A_26 = vector.broadcast %add3A : f32 to vector<1024x1xf32>
    %add3A_27 = arith.addf %slice3A_5, %add3A_26 : vector<1024x1xf32>
    %div3A_28 = vector.broadcast %add3A_27 : vector<1024x1xf32> to vector<1024x128xf32>
    %div3A_29 = arith.divf %reshape3A_25, %div3A_28 : vector<1024x128xf32>
    %jit3A_30 = arith.constant 0.000000e+00 : f32
    %broadcast_in_dim3A_31 = vector.shape_cast %gt3A_7 : vector<1024x1xi1> to vector<1024x1xi1>
    %broadcast_in_dim3A_32 = vector.broadcast %broadcast_in_dim3A_31 : vector<1024x1xi1> to vector<1024x128xi1>
    %broadcast_in_dim3A_33 = vector.broadcast %jit3A_30 : f32 to vector<1024x128xf32>
    %select_n3A_34 = arith.select %broadcast_in_dim3A_32, %div3A_29, %broadcast_in_dim3A_33 : vector<1024x128xi1>, vector<1024x128xf32>
    %get3A_35 = arith.constant 0 : index
    %get3A_36 = arith.constant 0 : index
    %get3A_37 = vector.load %arg5[%get3A_35, %get3A_36] : memref<512x128xf32, #tpu.memory_space<vmem>>, vector<512x128xf32>
    %slice3A_38 = vector.extract_strided_slice %get3A_37 {offsets = [0, 0], sizes = [128, 128], strides = [1, 1]} : vector<512x128xf32> to vector<128x128xf32>
    %dot_general3A = arith.constant dense<0.000000e+00> : vector<1024x128xf32>
    %dot_general3A_39 = tpu.matmul %select_n3A, %slice3A_38, %dot_general3A {dimension_numbers = #tpu.dot_dimension_numbers<[1], [0], [0], [1], [0, 0, 1, 1], [], []>, transpose_lhs_hint = false} : vector<1024x128xf32>, vector<128x128xf32>, vector<1024x128xf32> -> vector<1024x128xf32>
    %slice3A_40 = vector.extract_strided_slice %get3A_37 {offsets = [128, 0], sizes = [128, 128], strides = [1, 1]} : vector<512x128xf32> to vector<128x128xf32>
    %dot_general3A_41 = arith.constant dense<0.000000e+00> : vector<1024x128xf32>
    %dot_general3A_42 = tpu.matmul %div3A_22, %slice3A_40, %dot_general3A_41 {dimension_numbers = #tpu.dot_dimension_numbers<[1], [0], [0], [1], [0, 0, 1, 1], [], []>, transpose_lhs_hint = false} : vector<1024x128xf32>, vector<128x128xf32>, vector<1024x128xf32> -> vector<1024x128xf32>
    %add3A_43 = arith.addf %dot_general3A_39, %dot_general3A_42 : vector<1024x128xf32>
    %slice3A_44 = vector.extract_strided_slice %get3A_37 {offsets = [256, 0], sizes = [128, 128], strides = [1, 1]} : vector<512x128xf32> to vector<128x128xf32>
    %dot_general3A_45 = arith.constant dense<0.000000e+00> : vector<1024x128xf32>
    %dot_general3A_46 = tpu.matmul %select_n3A_19, %slice3A_44, %dot_general3A_45 {dimension_numbers = #tpu.dot_dimension_numbers<[1], [0], [0], [1], [0, 0, 1, 1], [], []>, transpose_lhs_hint = false} : vector<1024x128xf32>, vector<128x128xf32>, vector<1024x128xf32> -> vector<1024x128xf32>
    %add3A_47 = arith.addf %add3A_43, %dot_general3A_46 : vector<1024x128xf32>
    %slice3A_48 = vector.extract_strided_slice %get3A_37 {offsets = [384, 0], sizes = [128, 128], strides = [1, 1]} : vector<512x128xf32> to vector<128x128xf32>
    %dot_general3A_49 = arith.constant dense<0.000000e+00> : vector<1024x128xf32>
    %dot_general3A_50 = tpu.matmul %select_n3A_34, %slice3A_48, %dot_general3A_49 {dimension_numbers = #tpu.dot_dimension_numbers<[1], [0], [0], [1], [0, 0, 1, 1], [], []>, transpose_lhs_hint = false} : vector<1024x128xf32>, vector<128x128xf32>, vector<1024x128xf32> -> vector<1024x128xf32>
    %add3A_51 = arith.addf %add3A_47, %dot_general3A_50 : vector<1024x128xf32>
    %get3A_52 = arith.constant 0 : index
    %get3A_53 = arith.constant 0 : index
    %get3A_54 = vector.load %arg6[%get3A_52, %get3A_53] : memref<1x128xf32, #tpu.memory_space<vmem>>, vector<1x128xf32>
    %add3A_55 = vector.broadcast %get3A_54 : vector<1x128xf32> to vector<1024x128xf32>
    %add3A_56 = arith.addf %add3A_51, %add3A_55 : vector<1024x128xf32>
    %slice3A_57 = vector.extract_strided_slice %add3A_56 {offsets = [0, 0], sizes = [1000, 128], strides = [1, 1]} : vector<1024x128xf32> to vector<1000x128xf32>
    %swap3A = arith.constant 0 : index
    %swap3A_58 = arith.constant 0 : index
    %swap3A_59 = vector.load %arg7[%swap3A, %swap3A_58] : memref<1000x128xf32, #tpu.memory_space<vmem>>, vector<1000x128xf32>
    tpu.vector_store %arg7[%swap3A, %swap3A_58], %slice3A_57 {strides = array<i32>} : memref<1000x128xf32, #tpu.memory_space<vmem>>, vector<1000x128xf32>,
    return
  }
}

</mosaic_0001>

<sc_bundles>
// kernel: kernel.5.cloned.1.call-start
scs
__scs_entry_jumppad:
0x0: {  	(pc) =	sbr.rel $0x88, $3  }
0x1: {  	(tag) =	ssettag $0x0;
	lr =	simm.s32 $0x1  }
0x2: {  	[smem:$0x3F99] =	sst lr;
	_ =	strace $0xD0000000  }
0x3: {  	_ = 	snop  }
0x4: {  	_ = 	snop  }
0x5: {  	_ = 	snop  }
0x6: {  	_ = 	snop  }
0x7: {  	_ = 	snop  }
__scs_overlays_trampoline_lowered:
0x8: {  	[smem:$0x3FA8] =	sst s0  }
0x9: {  	[smem:$0x3FA9] =	sst s1  }
0xa: {  	[smem:$0x3FAA] =	sst s2  }
0xb: {  	[smem:$0x3FAB] =	sst s3  }
0xc: {  	[smem:$0x3FAC] =	sst s4  }
0xd: {  	[smem:$0x3FAD] =	sst s5  }
0xe: {  	[smem:$0x3FAE] =	sst s6  }
0xf: {  	[smem:$0x3FAF] =	sst s7  }
0x10: {  	[smem:$0x3FB0] =	sst s8  }
0x11: {  	[smem:$0x3FB1] =	sst s9;
	s0 =	simm.s32 @!p0 $0x0  }
0x12: {  	s1 =	sld [smem:$0x3F97];
	s0 =	simm.s32 @p0 $0x1  }
0x13: {  	[smem:$0x3FB2] =	sst s0;
	s0 =	simm.s32 @!p1 $0x0  }
0x14: {  	s2 =	sld [smem:$0x3F96];
	s0 =	simm.s32 @p1 $0x1  }
0x15: {  	[smem:$0x3FB3] =	sst s0;
	s0 =	simm.s32 @!p2 $0x0  }
0x16: {  	s3 =	sld [smem:$0x3FDB];
	s0 =	simm.s32 @p2 $0x1  }
0x17: {  	s4 =	simm.s32 $0x1BF5;
	[smem:$0x3FB5] =	sst s0  }
0x18: {  	s0 =	sld [smem:$0x3F98];
	_ =	swait.ge [sflag:s4], $0x0  }
0x19: {  	s7 =	sld [smem:$0x3F99]  }
0x1a: {  	s8 =	sadd.s32 $0xFFFFE003, lr  }
0x1b: {  	s9 =	sadd.s32 $0xFFFFFEF7, lr;
	s5 =	simm.s32 $0xFFFFFFFF;
	p2 =	slt.u32 s8, $0xFFFFF086  }
0x1c: {  	p1 =	slt.u32 s9, $0xF7A;
	s5 =	simm.s32 @!p2 $0x0  }
0x1d: {  	s5 =	simm.s32 @p1 $0x1;
	p0 =	seq.s32 s7, s2  }
0x1e: {  	s7 =	smul.u32 @!p0 $0xF7A, s2;
	p2 =	seq.s32 @!p0 s5, $0x0  }
0x1f: {  	s9 =	smul.u32 $0xF7A, s1;
	s8 =	simm.s32 @!p0 $0x1BF5;
	p2 =	por !p2, p0  }
0x20: {  	[sflag:s8] =	ssyncset.s32 @!p0 $0xFFFFF086;
	s6 =	sadd.s32 @!p0 s3, s7;
	s7 =	simm.s32 @!p0 $0x108  }
0x21: {  	s3 =	sadd.s32 s3, s9;
	s6 =	sadd.s32 @!p0 $0x88, s6;
	s7 =	simm.s32 @p2 $0x1082  }
0x22: {  	[simem:s7], [sflag:s8] =	dma.local @!p0 [hbm:s6], $0xF7A  }
0x23: {  	s9 =	sor.u32 $0xD0000000, s2;
	s6 =	simm.s32 $0x108;
	_ =	swait.ge @!p0 [sflag:s8], $0x0  }
0x24: {  	s3 =	sadd.s32 $0x88, s3;
	s6 =	simm.s32 @!p1 $0x1082;
	[sflag:s4] =	ssyncset.s32 $0xFFFFF086  }
0x25: {  	[simem:s6], [sflag:s4] =	dma.local [hbm:s3], $0xF7A  }
0x26: {  	[smem:$0x3F99] =	sst s1;
	(tag) =	ssettag s2;
	_ =	strace s9  }
0x27: {  	s1 =	sld [smem:$0x3FA9]  }
0x28: {  	s2 =	sld [smem:$0x3FAA]  }
0x29: {  	s4 =	sld [smem:$0x3FAC]  }
0x2a: {  	p0 =	seq.s32 s5, $0x0;
	s5 =	sld [smem:$0x3FAD]  }
0x2b: {  	s6 =	sld [smem:$0x3FAE]  }
0x2c: {  	s7 =	sld [smem:$0x3FAF]  }
0x2d: {  	s3 =	simm.s32 $0x108;
	s8 =	sld [smem:$0x3FB0]  }
0x2e: {  	s3 =	simm.s32 @!p0 $0x1082;
	s9 =	sld [smem:$0x3FB1]  }
0x2f: {  	lr =	sadd.s32 s0, s3;
	s0 =	sld [smem:$0x3FA8]  }
0x30: {  	s3 =	sld [smem:$0x3FAB]  }
0x31: {  	[smem:$0x3FB4] =	sst s10  }
0x32: {  	s10 =	sld [smem:$0x3FB2];
	_ =	sdelay $0x3  }
0x33: {  	p0 =	seq.s32 s10, $0x1;
	s10 =	sld [smem:$0x3FB4];
	_ =	sdelay $0x3  }
0x34: {  	[smem:$0x3FB4] =	sst s10  }
0x35: {  	s10 =	sld [smem:$0x3FB3];
	_ =	sdelay $0x3  }
0x36: {  	p1 =	seq.s32 s10, $0x1;
	s10 =	sld [smem:$0x3FB4];
	_ =	sdelay $0x3  }
0x37: {  	[smem:$0x3FB4] =	sst s10  }
0x38: {  	s10 =	sld [smem:$0x3FB5]  }
0x39: {  	_ = 	snop;
	(pc) =	sbr.ind lr, $3  }
0x3a: {  	_ = 	snop  }
0x3b: {  	_ = 	snop  }
0x3c: {  	p2 =	seq.s32 s10, $0x1;
	s10 =	sld [smem:$0x3FB4]  }
0x3d: {  	_ =	shalt  }
0x3e: {  	_ =	shalt  }
0x3f: {  	_ =	shalt  }
0x40: {  	_ =	shalt  }
0x41: {  	_ =	shalt  }
0x42: {  	_ =	shalt  }
0x43: {  	_ =	shalt  }
0x44: {  	_ =	shalt  }
0x45: {  	_ =	shalt  }
0x46: {  	_ =	shalt  }
0x47: {  	_ =	shalt  }
0x48: {  	_ =	shalt  }
0x49: {  	_ =	shalt  }
0x4a: {  	_ =	shalt  }
0x4b: {  	_ =	shalt  }
0x4c: {  	_ =	shalt  }
0x4d: {  	_ =	shalt  }
0x4e: {  	_ =	shalt  }
0x4f: {  	_ =	shalt  }
0x50: {  	_ =	shalt  }
0x51: {  	_ =	shalt  }
0x52: {  	_ =	shalt  }
0x53: {  	_ =	shalt  }
0x54: {  	_ =	shalt  }
0x55: {  	_ =	shalt  }
0x56: {  	_ =	shalt  }
0x57: {  	_ =	shalt  }
0x58: {  	_ =	shalt  }
0x59: {  	_ =	shalt  }
0x5a: {  	_ =	shalt  }
0x5b: {  	_ =	shalt  }
0x5c: {  	_ =	shalt  }
0x5d: {  	_ =	shalt  }
0x5e: {  	_ =	shalt  }
0x5f: {  	_ =	shalt  }
0x60: {  	_ =	shalt  }
0x61: {  	_ =	shalt  }
0x62: {  	_ =	shalt  }
0x63: {  	_ =	shalt  }
0x64: {  	_ =	shalt  }
0x65: {  	_ =	shalt  }
0x66: {  	_ =	shalt  }
0x67: {  	_ =	shalt  }
0x68: {  	_ =	shalt  }
0x69: {  	_ =	shalt  }
0x6a: {  	_ =	shalt  }
0x6b: {  	_ =	shalt  }
0x6c: {  	_ =	shalt  }
0x6d: {  	_ =	shalt  }
0x6e: {  	_ =	shalt  }
0x6f: {  	_ =	shalt  }
0x70: {  	_ =	shalt  }
0x71: {  	_ =	shalt  }
0x72: {  	_ =	shalt  }
0x73: {  	_ =	shalt  }
0x74: {  	_ =	shalt  }
0x75: {  	_ =	shalt  }
0x76: {  	_ =	shalt  }
0x77: {  	_ =	shalt  }
0x78: {  	_ =	shalt  }
0x79: {  	_ =	shalt  }
0x7a: {  	_ =	shalt  }
0x7b: {  	_ =	shalt  }
0x7c: {  	_ =	shalt  }
0x7d: {  	_ =	shalt  }
0x7e: {  	_ =	shalt  }
0x7f: {  	_ =	shalt  }
0x80: {  	_ =	shalt  }
0x81: {  	_ =	shalt  }
0x82: {  	_ =	shalt  }
0x83: {  	_ =	shalt  }
0x84: {  	_ =	shalt  }
0x85: {  	_ =	shalt  }
0x86: {  	_ =	shalt  }
0x87: {  	_ =	shalt  }
.Lfunc_end0:
.L_simem_size_0:
called_computation_lowered:
.L_overlay_start_0:
0x88: {  	s2 =	sld [smem:$0x3FD9]  }
0x89: {  	s3 =	sld [smem:$0x3FFE];
	_ =	sdelay $0x1  }
0x8a: {  	s1 =	srdreg.scid  }
0x8b: {  	s0 =	sand.u32 $0x1, s1  }
0x8c: {  	s17 =	sshll.u32 s0, $0xA;
	s2 =	sadd.s32 s3, s2  }
0x8d: {  	s2 =	sadd.s32 s2, s17  }
0x8e: {  	[smem:$0x3FC0] =	sst s2  }
0x8f: {  	_ = 	snop  }
0x90: {  	s2 =	sld [smem:$0x3FC9]  }
0x91: {  	s18 =	sld [smem:$0x3FD0];
	(tm) =	ssettm $0x1  }
0x92: {  	s4 =	sld [smem:$0x3FFB];
	_ =	sdelay $0x3  }
0x93: {  	_ =	strace s4  }
0x94: {  	s4 =	sld [smem:$0x3FFC];
	_ =	sdelay $0x3  }
0x95: {  	_ =	strace s4  }
0x96: {  	s4 =	sld [smem:$0x3FFD];
	_ =	sdelay $0x3  }
0x97: {  	_ =	strace s4  }
0x98: {  	_ =	strace $0x8FFFFFFF  }
0x99: {  	s19 =	sld [smem:$0x3FDB];
	_ =	sdelay $0x1  }
0x9a: {  	s5 =	simm.s32 $_scs_section_size  }
0x9b: {  	s6 =	simm.s32 $_size__tile_overlayer_lowered;
	s7 =	simm.s32 $_tile_overlayer_lowered  }
0x9c: {  	s22 =	simm.s32 $0x1BFF;
	s21 =	sshll.u32 s7, $0x1;
	s4 =	sadd.s32 s5, s19  }
0x9d: {  	s8 =	simm.s32 $0x0;
	s20 =	sshll.u32 s6, $0x1;
	s6 =	sadd.s32 s21, s4  }
0x9e: {  	[timem:s8], [sflag:s22] =	dma.local [hbm:s6], s20  }
0x9f: {  	_ =	swait.ge [sflag:s22], s20  }
0xa0: {  	s5 =	ssub.s32 $0x0, s20;
	[sflag:s22] =	ssyncset.done $0x0  }
0xa1: {  	[sflag:s22] =	ssyncadd.s32 s5;
	_ =	sdelay $0x1  }
0xa2: {  	s23 =	simm.s32 $0x1B8B  }
0xa3: {  	_ =	swait.ge [sflag:s23], $0x1  }
0xa4: {  	[sflag:s23] =	ssyncset.done $0x0  }
0xa5: {  	s25 =	simm.s32 $0x1B8E;
	s24 =	sld [smem:$0x3FFE];
	[sflag:s23] =	ssyncadd.s32 $0xFFFFFFFF  }
0xa6: {  	s26 =	simm.s32 $execute0_lowered;
	[smem:$0x3FD2] =	sst s25  }
0xa7: {  	s6 =	sshll.u32 s26, $0x1;
	_ =	strace $0x80000046;
	[dreg:$0x1] =	wrdreg $0xFFFFFFFF  }
0xa8: {  	s28 =	simm.s32 $_size_execute0_lowered;
	s4 =	sadd.s32 s4, s6;
	[dreg:$0x0] =	wrdreg $0x0  }
0xa9: {  	s6 =	sshll.u32 s28, $0x1;
	[dreg:$0x2] =	wrdreg s4  }
0xaa: {  	[dreg:$0x3] =	wrdreg s6  }
0xab: {  	[dreg:$0x4] =	wrdreg $0xC0  }
0xac: {  	_ =	task [dreg:s8], $0x5FFFF  }
0xad: {  	[dreg:$0x1] =	wrdreg $0xFFFFFFFF  }
0xae: {  	[dreg:$0x0] =	wrdreg $0x60  }
0xaf: {  	[dreg:$0x2] =	wrdreg s2  }
0xb0: {  	[dreg:$0x3] =	wrdreg s18  }
0xb1: {  	[dreg:$0x4] =	wrdreg s24  }
0xb2: {  	[dreg:$0x5] =	wrdreg $0x9  }
0xb3: {  	_ =	task.clear_ibuf [dreg:s8], $0x6FFFF;
	_ =	strace $0x90000046  }
0xb4: {  	s29 =	simm.s32 $0x9;
	_ =	strace $0x80000048  }
0xb5: {  	_ =	swait.ge [sflag:s29], $0x1  }
0xb6: {  	[sflag:s29] =	ssyncadd.s32 $0xFFFFFFFF  }
0xb7: {  	_ =	strace $0x90000048  }
0xb8: {  	_ =	sfence  }
0xb9: {  	s30 =	sld [smem:$0x0];
	_ =	sdelay $0x2  }
0xba: {  	s31 =	sshll.u32 s1, $0xD;
	s1 =	sshrl.u32 s1, $0x2  }
0xbb: {  	s3 =	sand.u32 $0x4000, s31;
	s1 =	sadd.s32 s1, s30  }
0xbc: {  	s0 =	sor.u32 s3, s0;
	s1 =	sshll.u32 s1, $0x11  }
0xbd: {  	s0 =	sor.u32 s1, s0  }
0xbe: {  	s0 =	sadd.s32 $0x8F2B, s0  }
0xbf: {  	[sflag:s0] =	ssyncadd.remote.s32 $0x1  }
0xc0: {  	_ =	sfence.sel $0xFFFF  }
0xc1: {  	[dreg:$0x0] =	wrdreg $0xFFFFFFFF;
	(pc) =	sbr.abs _section_cstart, $3  }
0xc2: {  	[dreg:$0x1] =	wrdreg $0xFFFFFFFF  }
0xc3: {  	_ =	task.clear_ibuf [dreg:s8], $0x2FFFF;
	_ =	strace $0x9FFFFFFF  }
0xc4: {  	(tm) =	ssettm $0x7FFFFFFF  }
0xc5: {  	_ =	shalt  }
tec
execute0_lowered:
.L_overlay_start_1:
0x0: {  	(tag) =	ssettag $0x1  }
0x1: {  	s1 =	rddreg [dreg:$0x0]  }
0x2: {  	s3 =	rddreg [dreg:$0x1];
	s0 =	srdreg.scid  }
0x3: {  	s4 =	stileid.u32;
	s2 =	rddreg [dreg:$0x2]  }
0x4: {  	s13 =	simm.s32 $0x4080;
	s0 =	sand.u32 $0x1, s0;
	s5 =	sshll.u32 s4, $0x1  }
0x5: {  	s14 =	simm.s32 $0x8100;
	s4 =	simm.s32 $0x0;
	s5 =	sor.u32 s0, s5  }
0x6: {  	s15 =	simm.s32 $0x80;
	[smem:$0x7FF] =	sst s4;
	s6 =	sshll.u32 s5, $0x2  }
0x7: {  	s0 =	ssub.s32 $0x2, s0;
	s7 =	sshll.u32 s5, $0x9;
	s6 =	sadd.s32 s6, s2  }
0x8: {  	_ =	strace $0x80000047;
	s7 =	sadd.s32 s7, s2;
	s26 =	sadd.s32 $0x400, s6  }
0x9: {  	s5 =	sshll.u32 s5, $0x6;
	s28 =	sadd.s32 $0x1600, s7;
	[dreg:$0x4] =	wrdreg s26  }
0xa: {  	s2 =	sadd.s32 s5, s2;
	s29 =	sadd.s32 $0x5600, s7;
	[dreg:$0x5] =	wrdreg s28  }
.Ltmp0:
0xb: {  	s30 =	sadd.s32 $0x9600, s7;
	[dreg:$0x6] =	wrdreg s29;
	(pc) =	sbr.rel .LBB2_1-.Ltmp0, $4  }
0xc: {  	s8 =	sshrl.u32 s0, $0x1;
	s31 =	sadd.s32 $0x600, s2;
	[dreg:$0x7] =	wrdreg s30  }
0xd: {  	s0 =	ssub.s32 s0, s8;
	s2 =	sadd.s32 $0xE00, s2;
	[dreg:$0x8] =	wrdreg s31  }
0xe: {  	s16 =	simm.s32 $0x8080;
	s0 =	smax.u32 s0, $0x1;
	[dreg:$0x9] =	wrdreg s2  }
0xf: {  	v0 =	vimm.f32 $0.0e+00;
	v1 =	vimm.f32 $-Inf;
	s5 =	simm.s32 $0x0;
	[dreg:$0xa] =	wrdreg s0;
	s2 =	simm.s32 $0x5  }
.LBB2_19:
0x10: {  	s0 =	rddreg [dreg:$0x5];
	s2 =	simm.s32 $0x8200  }
0x11: {  	[hbm4b:s0+s4] =	stream.linear.scatter [tilespmem:s2], [sflag:$0x5], $0x1000, $0x38;
	[tilespmem:$0xB600] =	vst v63  }
0x12: {  	s2 =	simm.s32 $0x5  }
0x13: {  	_ =	swait.ge [sflag:s2], $0x1000  }
0x14: {  	[sflag:s2] =	ssyncset.done $0x0  }
0x15: {  	s5 =	simm.s32 $0x9200;
	s22 =	rddreg [dreg:$0x6];
	[sflag:s2] =	ssyncadd.s32 $0xFFFFF000  }
0x16: {  	[hbm4b:s22+s4] =	stream.linear.scatter [tilespmem:s5], [sflag:$0x5], $0x1000, $0x38;
	[tilespmem:$0xB600] =	vst v63  }
0x17: {  	_ =	swait.ge [sflag:s2], $0x1000  }
0x18: {  	[sflag:s2] =	ssyncset.done $0x0  }
0x19: {  	s24 =	simm.s32 $0xA200;
	s23 =	rddreg [dreg:$0x7];
	[sflag:s2] =	ssyncadd.s32 $0xFFFFF000  }
0x1a: {  	[hbm4b:s23+s4] =	stream.linear.scatter [tilespmem:s24], [sflag:$0x5], $0x1000, $0x38;
	[tilespmem:$0xB600] =	vst v63  }
0x1b: {  	_ =	swait.ge [sflag:s2], $0x1000  }
0x1c: {  	[sflag:s2] =	ssyncset.done $0x0  }
0x1d: {  	s26 =	simm.s32 $0xB200;
	s25 =	rddreg [dreg:$0x8];
	[sflag:s2] =	ssyncadd.s32 $0xFFFFF000  }
0x1e: {  	[hbm4b:s25+s4] =	stream.linear.scatter [tilespmem:s26], [sflag:$0x5], $0x200, $0x38;
	[tilespmem:$0xB600] =	vst v63  }
0x1f: {  	_ =	swait.ge [sflag:s2], $0x200  }
0x20: {  	[sflag:s2] =	ssyncset.done $0x0  }
0x21: {  	s29 =	simm.s32 $0xB400;
	s28 =	rddreg [dreg:$0x9];
	[sflag:s2] =	ssyncadd.s32 $0xFFFFFE00  }
0x22: {  	[hbm4b:s28+s4] =	stream.linear.scatter [tilespmem:s29], [sflag:$0x5], $0x200, $0x38;
	[tilespmem:$0xB600] =	vst v63  }
0x23: {  	_ =	swait.ge [sflag:s2], $0x200  }
0x24: {  	s30 =	rddreg [dreg:$0xb]  }
0x25: {  	s31 =	rddreg [dreg:$0xa];
	s5 =	sadd.s32 $0x1, s30  }
0x26: {  	p0 =	sne.s32 s5, s31  }
.Ltmp1:
0x27: {  	_ = 	snop;
	(pc) =	sbr.rel @!p0 .LBB2_20-.Ltmp1, $3  }
0x28: {  	_ =	sdelay $0x1  }
0x29: {  	[sflag:s2] =	ssyncset.done $0x0  }
0x2a: {  	[sflag:s2] =	ssyncadd.s32 $0xFFFFFE00  }
.LBB2_1:
0x2b: {  	[dreg:$0xb] =	wrdreg s5  }
0x2c: {  	s0 =	rddreg [dreg:$0x4]  }
0x2d: {  	[tilespmem:s4], [sflag:$0x5] =	stream.linear.gather [hbm4b:s0+s4], $0x40, $0x38;
	[tilespmem:$0xB600] =	vst v63  }
0x2e: {  	_ =	swait.ge [sflag:s2], $0x40  }
0x2f: {  	[sflag:s2] =	ssyncset.done $0x0  }
0x30: {  	[sflag:s2] =	ssyncadd.s32 $0xFFFFFFC0  }
0x31: {  	v2 =	vld [tilespmem:$0x0];
	_ =	sdelay $0x4  }
0x32: {  	(v2sf) =	vpush v2, $0x0;
	_ =	sdelay $0x1  }
0x33: {  	v2 =	vld [tilespmem:$0x20];
	_ =	sdelay $0x4  }
0x34: {  	(v2sf) =	vpush v2, $0x0;
	_ =	sdelay $0x7  }
0x35: {  	s24 =	spop (v2sf)  }
0x36: {  	s25 =	sand.u32 $0x7, s24  }
0x37: {  	s26 =	sshra.s32 s24, $0x1F;
	p0 =	slt.s32 s24, $0x1;
	p1 =	sne.s32 s25, $0x0  }
0x38: {  	s29 =	sshrl.u32 s26, $0x1D;
	p0 =	por !p0, !p1  }
0x39: {  	s5 =	simm.s32 $0x1;
	s2 =	sadd.s32 s29, s24;
	p0 =	por !p0, !p0  }
0x3a: {  	s2 =	sshrl.u32 s2, $0x3;
	s5 =	simm.s32 @!p0 $0x0  }
0x3b: {  	s2 =	ssub.s32 s2, s5  }
0x3c: {  	s30 =	spop (v2sf);
	s23 =	sshll.u32 s2, $0x3  }
0x3d: {  	s2 =	ssub.s32 s30, s23  }
0x3e: {  	s2 =	sadd.s32 $0x7F, s2  }
0x3f: {  	s6 =	sand.u32 $0x7F, s2  }
0x40: {  	s7 =	sshra.s32 s2, $0x1F;
	p5 =	slt.s32 s2, $0x1;
	p6 =	sne.s32 s6, $0x0  }
0x41: {  	s31 =	sshrl.u32 s7, $0x19;
	p0 =	por !p5, !p6  }
0x42: {  	s6 =	simm.s32 $0x1;
	s2 =	sadd.s32 s31, s2;
	p0 =	por !p0, !p0  }
0x43: {  	s2 =	sshra.s32 s2, $0x7;
	s6 =	simm.s32 @!p0 $0x0  }
0x44: {  	p0 =	sgt.s32 s30, s24;
	s24 =	ssub.s32 s2, s6  }
0x45: {  	s24 =	simm.s32 @!p0 $0x0  }
0x46: {  	p0 =	slt.s32 s24, $0x1  }
0x47: {  	p1 =	slt.s32 @!p0 s23, $0x18620  }
0x48: {  	s17 =	simm.s32 $0x0;
	s0 =	smov.u32 s23;
	p1 =	por !p1, p0  }
0x49: {  	s28 =	simm.s32 $0x0;
	s25 =	sxor.u32 $0xFFFFFFFF, s23;
	s0 =	simm.s32 @p1 $0x18620  }
.Ltmp2:
0x4a: {  	s5 =	simm.s32 @!p0 $0x0;
	s2 =	sshll.u32 @!p0 s0, $0x4;
	(pc) =	sbr.rel .LBB2_2-.Ltmp2, $4  }
0x4b: {  	s6 =	simm.s32 @!p0 $0x80;
	s0 =	sshrl.u32 @!p0 s0, $0x3;
	s2 =	sadd.s32 @!p0 s1, s2  }
0x4c: {  	[tilespmem:s6], [sflag:$0x1] =	stream.linear.gather @!p0 [hbm4b:s2+s5], $0x4000, $0x38;
	[tilespmem:$0xB600] =	vst v63  }
0x4d: {  	s26 =	sadd.s32 $0x80, s23;
	s0 =	sadd.s32 @!p0 s3, s0;
	s2 =	simm.s32 @!p0 $0x8080  }
0x4e: {  	[tilespmem:s2], [sflag:$0x3] =	stream.linear.gather @!p0 [hbm4b:s0+s5], $0x80, $0x38;
	[tilespmem:$0xB600] =	vst v63  }
.LBB2_3:
0x4f: {  	v15 =	vpsel p0, $0xFF800000, v1  }
0x50: {  	v10 =	vpsel p0, $0xFF800000, v1;
	v8 =	vpsel p0, $0xFF800000, v1;
	v5 =	vpsel p0, $0xFF800000, v1  }
0x51: {  	v9 =	vpsel p0, $0xFF800000, v1;
	v6 =	vpsel p0, $0xFF800000, v1;
	v3 =	vpsel p0, $0xFF800000, v1  }
0x52: {  	v21 =	vpsel p0, $0xFF800000, v1;
	v23 =	vpsel p0, $0x0, v0;
	v11 =	vpsel p0, $0x0, v0  }
0x53: {  	v14 =	vpsel p0, $0x0, v0;
	v13 =	vpsel p0, $0x0, v0;
	v7 =	vpsel p0, $0x0, v0  }
0x54: {  	v12 =	vpsel p0, $0x0, v0;
	v4 =	vpsel p0, $0x0, v0;
	v2 =	vpsel p0, $0x0, v0  }
0x55: {  	v27 =	vpsel p0, $0x0, v0;
	v26 =	vpsel p0, $0x0, v0;
	v22 =	vpsel p0, $0x0, v0  }
0x56: {  	v25 =	vpsel p0, $0x0, v0;
	v16 =	vpsel p0, $0x0, v0;
	v20 =	vpsel p0, $0x0, v0;
	s17 =	smov.u32 @p0 s17  }
0x57: {  	v24 =	vpsel p0, $0x0, v0;
	v18 =	vpsel p0, $0x0, v0;
	v19 =	vpsel p0, $0x0, v0;
	s31 =	smov.u32 s17  }
.LBB2_18:
0x58: {  	s0 =	sshll.u32 s28, $0x7  }
0x59: {  	[tilespmem:s0+$0x8200] =	vst v15  }
0x5a: {  	[tilespmem:s0+$0x9200] =	vst v23  }
0x5b: {  	[tilespmem:s0+$0xA200] =	vst v27  }
0x5c: {  	[tilespmem:s0+$0x8210] =	vst v10  }
0x5d: {  	[tilespmem:s0+$0x9210] =	vst v11  }
0x5e: {  	[tilespmem:s0+$0xA210] =	vst v26  }
0x5f: {  	[tilespmem:s0+$0x8220] =	vst v8  }
0x60: {  	[tilespmem:s0+$0x9220] =	vst v14  }
0x61: {  	[tilespmem:s0+$0xA220] =	vst v22  }
0x62: {  	[tilespmem:s0+$0x8230] =	vst v5  }
0x63: {  	[tilespmem:s0+$0x9230] =	vst v13  }
0x64: {  	[tilespmem:s0+$0xA230] =	vst v25  }
0x65: {  	[tilespmem:s0+$0x8240] =	vst v9  }
0x66: {  	[tilespmem:s0+$0x9240] =	vst v7  }
0x67: {  	[tilespmem:s0+$0xA240] =	vst v16  }
0x68: {  	[tilespmem:s0+$0x8250] =	vst v6  }
0x69: {  	[tilespmem:s0+$0x9250] =	vst v12  }
0x6a: {  	[tilespmem:s0+$0xA250] =	vst v20  }
0x6b: {  	[tilespmem:s0+$0x8260] =	vst v3  }
0x6c: {  	s5 =	sshll.u32 s28, $0x4;
	s28 =	sadd.s32 $0x1, s28;
	[tilespmem:s0+$0x9260] =	vst v4  }
0x6d: {  	[tilespmem:s0+$0xA260] =	vst v24;
	p0 =	sne.s32 s28, $0x20  }
.Ltmp3:
0x6e: {  	s2 =	ssub.s32 s30, s29;
	[tilespmem:s0+$0x8270] =	vst v21;
	(pc) =	sbr.rel @!p0 .LBB2_19-.Ltmp3, $4  }
0x6f: {  	s2 =	scvt.s32.f32 s2;
	[tilespmem:s0+$0x9270] =	vst v2  }
0x70: {  	[tilespmem:s0+$0xA270] =	vst v18  }
0x71: {  	[tilespmem:s5+$0xB400] =	vst v19;
	v2 =	vmov s2  }
0x72: {  	s17 =	smov.u32 s31;
	[tilespmem:s5+$0xB200] =	vst v2  }
.LBB2_2:
0x73: {  	v2 =	vld [tilespmem:s28+$0x0];
	_ =	sdelay $0x4  }
0x74: {  	(v2sf) =	vpush v2, $0x0;
	_ =	sdelay $0x1  }
0x75: {  	(v2sf) =	vpush v2, $0x1;
	_ =	sdelay $0xc  }
0x76: {  	s29 =	spop (v2sf)  }
0x77: {  	s6 =	simm.s32 $0x1;
	s0 =	ssub.s32 s29, s23  }
0x78: {  	p0 =	sne.s32 s29, s23;
	s30 =	spop (v2sf);
	s2 =	sshra.s32 s0, $0x1F  }
0x79: {  	s6 =	simm.s32 @!p0 $0x0;
	s19 =	sadd.s32 s25, s30;
	s5 =	sshrl.u32 s2, $0x19  }
0x7a: {  	s2 =	sor.u32 s6, s2;
	s20 =	sand.u32 $0x7F, s19;
	p6 =	slt.s32 s19, $0x1  }
0x7b: {  	s22 =	sshra.s32 s19, $0x1F;
	s6 =	simm.s32 $0x1;
	s5 =	sadd.s32 s5, s0  }
0x7c: {  	s0 =	sand.u32 $0x7F, s0;
	p5 =	sne.s32 s2, $0x1;
	p2 =	sne.s32 s20, $0x0  }
0x7d: {  	s2 =	sshrl.u32 s22, $0x19;
	p1 =	sne.s32 s0, $0x0;
	s21 =	sshra.s32 s5, $0x7  }
0x7e: {  	s5 =	simm.s32 $0x1;
	p0 =	por !p1, !p5;
	p1 =	por !p6, !p2  }
0x7f: {  	s2 =	sadd.s32 s2, s19;
	p0 =	por !p0, !p0;
	p1 =	por !p1, !p1  }
0x80: {  	s7 =	sshra.s32 s2, $0x7;
	s5 =	simm.s32 @!p0 $0x0;
	s6 =	simm.s32 @!p1 $0x0  }
0x81: {  	s2 =	ssub.s32 s21, s5;
	s31 =	ssub.s32 s7, s6  }
0x82: {  	p0 =	sle.s32 s30, s29;
	s0 =	ssub.s32 s31, s2  }
0x83: {  	p1 =	slt.s32 @!p0 s0, $0x0  }
0x84: {  	p1 =	por p0, p1  }
.Ltmp4:
0x85: {  	_ = 	snop;
	(pc) =	sbr.rel @p1 .LBB2_3-.Ltmp4, $1  }
0x86: {  	_ =	sdelay $0x3  }
0x87: {  	v17 =	vimm.f32 $-Inf;
	v19 =	vimm.f32 $0.0e+00  }
0x88: {  	v18 =	vimm.f32 $0.0e+00;
	v24 =	vimm.f32 $0.0e+00;
	v20 =	vimm.f32 $0.0e+00  }
0x89: {  	v16 =	vimm.f32 $0.0e+00;
	v25 =	vimm.f32 $0.0e+00;
	v22 =	vimm.f32 $0.0e+00  }
0x8a: {  	v26 =	vimm.f32 $0.0e+00;
	v27 =	vimm.f32 $0.0e+00;
	v2 =	vimm.f32 $0.0e+00  }
.Ltmp5:
0x8b: {  	v4 =	vimm.f32 $0.0e+00;
	v12 =	vimm.f32 $0.0e+00;
	v7 =	vimm.f32 $0.0e+00;
	(pc) =	sbr.rel .LBB2_5-.Ltmp5, $4  }
0x8c: {  	v13 =	vimm.f32 $0.0e+00;
	v14 =	vimm.f32 $0.0e+00;
	v11 =	vimm.f32 $0.0e+00  }
0x8d: {  	v23 =	vimm.f32 $0.0e+00;
	v21 =	vimm.f32 $-Inf;
	v3 =	vimm.f32 $-Inf  }
0x8e: {  	s18 =	sshll.u32 s2, $0x7;
	v6 =	vimm.f32 $-Inf;
	v9 =	vimm.f32 $-Inf;
	v5 =	vimm.f32 $-Inf  }
0x8f: {  	s21 =	simm.s32 $0x0;
	v8 =	vimm.f32 $-Inf;
	v10 =	vimm.f32 $-Inf;
	v15 =	vimm.f32 $-Inf;
	s7 =	sadd.s32 s18, s23;
	s20 =	sadd.s32 s18, s26  }
.LBB2_16:
0x90: {  	v30 =	vmul.f32 v33, v43  }
0x91: {  	v58 =	vmul.f32 v38, v43;
	v59 =	vadd.f32 v48, v19;
	v19 =	vmul.f32 v21, v47  }
0x92: {  	v39 =	vmul.f32 v26, v39;
	v36 =	vmul.f32 v36, v43  }
0x93: {  	v60 =	vmul.f32 v43, v40;
	v32 =	vmul.f32 v32, v26  }
0x94: {  	v31 =	vmul.f32 v43, v31;
	v22 =	vadd.f32 v27, v22;
	v27 =	vmul.f32 v43, v35  }
0x95: {  	v61 =	vmul.f32 v43, v37;
	v25 =	vmul.f32 v43, v25  }
0x96: {  	v23 =	vadd.f32 v40, v23;
	v29 =	vmul.f32 v29, v26;
	v34 =	vmul.f32 v34, v26  }
0x97: {  	v16 =	vmul.f32 v44, v16;
	v19 =	vadd.f32 v19, v43;
	v22 =	vmul.f32 v21, v22  }
0x98: {  	v62 =	vadd.f32 v39, v42;
	v32 =	vadd.f32 v32, v45;
	v63 =	vmul.f32 v21, v59  }
0x99: {  	v20 =	vadd.f32 v29, v20;
	v22 =	vadd.f32 v27, v22;
	v27 =	vmul.f32 v26, v28  }
0x9a: {  	v24 =	vadd.f32 v34, v24;
	v16 =	vadd.f32 v46, v16;
	v28 =	vmul.f32 v21, v62  }
0x9b: {  	v26 =	vadd.f32 v25, v63;
	v20 =	vmul.f32 v21, v20;
	v18 =	vadd.f32 v27, v18  }
0x9c: {  	v24 =	vmul.f32 v21, v24;
	v16 =	vmul.f32 v21, v16;
	v25 =	vadd.f32 v61, v28  }
0x9d: {  	v27 =	vmul.f32 v21, v32;
	v20 =	vadd.f32 v36, v20;
	v28 =	vmul.f32 v21, v18  }
0x9e: {  	v16 =	vadd.f32 v31, v16;
	v18 =	vadd.f32 v58, v24  }
0x9f: {  	v24 =	vadd.f32 v30, v27;
	v21 =	vmax.f32 v41, v38;
	v27 =	vadd.f32 v60, v28  }
.LBB2_17:
0xa0: {  	s31 =	smov.u32 @p0 s17;
	p0 =	sgt.s32 s0, s21  }
.Ltmp6:
0xa1: {  	_ = 	snop;
	(pc) =	sbr.rel @!p0 .LBB2_18-.Ltmp6, $3  }
0xa2: {  	_ =	sdelay $0x1  }
0xa3: {  	s5 =	sadd.s32 $0x1, s21;
	s7 =	sadd.s32 $0x80, s7;
	s18 =	sadd.s32 $0x80, s18  }
0xa4: {  	s20 =	sadd.s32 $0x80, s20;
	s17 =	smov.u32 s31;
	s21 =	smov.u32 s5  }
.LBB2_5:
0xa5: {  	s6 =	sadd.s32 s2, s21  }
0xa6: {  	s31 =	sadd.s32 $0x1, s6  }
0xa7: {  	p0 =	sge.s32 s31, s24  }
0xa8: {  	p1 =	slt.s32 @!p0 s6, s17  }
0xa9: {  	p0 =	por p0, p1  }
.Ltmp7:
0xaa: {  	_ = 	snop;
	(pc) =	sbr.rel @p0 .LBB2_9-.Ltmp7, $1  }
0xab: {  	_ =	sdelay $0x3  }
0xac: {  	s5 =	sshll.u32 s31, $0x7  }
0xad: {  	s5 =	sadd.s32 s23, s5  }
0xae: {  	s8 =	sand.u32 $0x1, s31;
	p0 =	slt.s32 s5, $0x18620  }
0xaf: {  	s5 =	simm.s32 @!p0 $0x18620;
	p0 =	seq.s32 s8, $0x0  }
.Ltmp8:
0xb0: {  	_ = 	snop;
	(pc) =	sbr.rel @!p0 .LBB2_8-.Ltmp8, $3  }
0xb1: {  	_ =	sdelay $0x1  }
0xb2: {  	s9 =	sshll.u32 s5, $0x4;
	s22 =	sshrl.u32 s5, $0x3  }
0xb3: {  	s5 =	sadd.s32 s1, s9;
	s8 =	sadd.s32 s3, s22  }
0xb4: {  	s9 =	sand.u32 $0x1, s6  }
0xb5: {  	p0 =	seq.s32 s9, $0x1  }
.Ltmp9:
0xb6: {  	_ = 	snop;
	(pc) =	sbr.rel @p0 .LBB2_9-.Ltmp9, $4  }
0xb7: {  	_ = 	snop  }
0xb8: {  	[tilespmem:s15], [sflag:$0x1] =	stream.linear.gather [hbm4b:s5+s4], $0x4000, $0x38;
	[tilespmem:$0xB600] =	vst v63  }
0xb9: {  	_ = 	snop  }
0xba: {  	[tilespmem:s16], [sflag:$0x3] =	stream.linear.gather [hbm4b:s8+s4], $0x80, $0x38;
	[tilespmem:$0xB600] =	vst v63  }
.LBB2_8:
0xbb: {  	[tilespmem:s13], [sflag:$0x2] =	stream.linear.gather [hbm4b:s5+s4], $0x4000, $0x38;
	[tilespmem:$0xB600] =	vst v63  }
0xbc: {  	_ = 	snop  }
0xbd: {  	[tilespmem:s14], [sflag:$0x4] =	stream.linear.gather [hbm4b:s8+s4], $0x80, $0x38;
	[tilespmem:$0xB600] =	vst v63  }
.LBB2_9:
0xbe: {  	p0 =	slt.s32 s6, s17  }
0xbf: {  	p1 =	sgt.s32 s29, s7;
	s19 =	smov.u32 s7;
	s22 =	sshll.u32 s6, $0x7  }
0xc0: {  	s8 =	sand.u32 @!p0 $0x1, s6;
	s19 =	smov.u32 @p1 s29;
	s9 =	simm.s32 @!p0 $0x2  }
0xc1: {  	s12 =	simm.s32 @!p0 $0x4;
	s10 =	sadd.s32 s23, s22;
	p1 =	seq.s32 @!p0 s8, $0x1  }
0xc2: {  	s8 =	smov.u32 s10;
	s11 =	sadd.s32 $0x80, s10;
	p1 =	por !p1, p0  }
0xc3: {  	s9 =	simm.s32 @p1 $0x1;
	s12 =	simm.s32 @p1 $0x3;
	p1 =	slt.s32 s10, $0x18620  }
0xc4: {  	p2 =	slt.s32 s30, s11;
	s8 =	simm.s32 @!p1 $0x18620;
	p1 =	sgt.s32 s29, s10  }
0xc5: {  	s6 =	sand.u32 $0x80, s22;
	s11 =	smov.u32 @p2 s30;
	s10 =	smov.u32 @p1 s29  }
0xc6: {  	s6 =	ssub.s32 s6, s8;
	s8 =	ssub.s32 s11, s10  }
0xc7: {  	s11 =	sadd.s32 s10, s6;
	s10 =	sand.u32 $0x1, s8  }
0xc8: {  	s10 =	sadd.s32 s11, s10  }
0xc9: {  	_ =	swait.ge @!p0 [sflag:s9], $0x4000;
	p2 =	sge.s32 s11, s10  }
.Ltmp10:
0xca: {  	s5 =	sshrl.u32 s18, $0x7;
	[sflag:s9] =	ssyncset.done @!p0 $0x0;
	(pc) =	sbr.rel @p2 .LBB2_13-.Ltmp10, $4  }
0xcb: {  	s5 =	sand.u32 $0x1, s5;
	[sflag:s9] =	ssyncadd.s32 @!p0 $0xFFFFC000  }
0xcc: {  	s22 =	sshll.u32 s5, $0x7;
	_ =	swait.ge @!p0 [sflag:s12], $0x80  }
0xcd: {  	p1 =	slt.s32 s7, $0x18620;
	s6 =	smov.u32 s7;
	[sflag:s12] =	ssyncset.done @!p0 $0x0  }
0xce: {  	s9 =	sadd.s32 s22, s19;
	s6 =	simm.s32 @!p1 $0x18620;
	[sflag:s12] =	ssyncadd.s32 @!p0 $0xFFFFFF80  }
0xcf: {  	s12 =	ssub.s32 s9, s6  }
0xd0: {  	s22 =	sshll.u32 s12, $0x2  }
0xd1: {  	s22 =	sshra.s32 s22, $0x2  }
0xd2: {  	s22 =	sadd.s32 $0x8080, s22  }
0xd3: {  	v29 =	vld.msk [tilespmem:s22+$0x0 ss:$0x0], $0xffff;
	_ =	sdelay $0x2  }
0xd4: {  	s12 =	sshll.u32 s12, $0x9  }
0xd5: {  	s12 =	sshra.s32 s12, $0x2  }
0xd6: {  	s12 =	sadd.s32 $0xC0, s12;
	v28 =	vmax.f32 v17, v29  }
0xd7: {  	v31 =	vld [tilespmem:s12+$0x0];
	v17 =	vsub.f32 v17, v28  }
0xd8: {  	v32 =	vld [tilespmem:s12+$0xFFFFFFE0];
	v29 =	vsub.f32 v29, v28  }
0xd9: {  	v34 =	vld [tilespmem:s12+$0xFFFFFFD0];
	v30 =	vmul.f32 $1.442695020e+00, v17  }
0xda: {  	s11 =	sadd.s32 $0x1, s11;
	v33 =	vld [tilespmem:s12+$0xFFFFFFF0];
	v29 =	vmul.f32 $1.442695020e+00, v29  }
0xdb: {  	p1 =	slt.s32 s11, s10;
	v35 =	vld [tilespmem:s12+$0xFFFFFFC0];
	(erf) = vpow2.f32 v30  }
.Ltmp11:
0xdc: {  	v17 =	vld [tilespmem:s12+$0x10];
	(erf) = vpow2.f32 v29;
	(pc) =	sbr.rel @!p1 .LBB2_12-.Ltmp11, $4  }
0xdd: {  	v30 =	vld [tilespmem:s12+$0x20]  }
0xde: {  	v29 =	vld [tilespmem:s12+$0x30]  }
0xdf: {  	v10 =	vmax.f32 v10, v34  }
0xe0: {  	s22 =	sadd.s32 $0x1, s22;
	v8 =	vmax.f32 v8, v32;
	v5 =	vmax.f32 v5, v33;
	v9 =	vmax.f32 v9, v31;
	s12 =	sadd.s32 $0x80, s12  }
.LBB2_11:
0xe1: {  	v36 =	vld.msk [tilespmem:s22+$0x0 ss:$0x0], $0xffff;
	s11 =	sadd.s32 $0x1, s11;
	v15 =	vmax.f32 v15, v35;
	v14 =	vadd.f32 v32, v14;
	v13 =	vadd.f32 v33, v13;
	v37 =	vmovc v28  }
0xe2: {  	v11 =	vadd.f32 v34, v11;
	v7 =	vadd.f32 v31, v7;
	v38 =	vld [tilespmem:s12+$0x10];
	p1 =	slt.s32 s11, s10;
	v3 =	vmax.f32 v3, v30  }
0xe3: {  	v6 =	vmax.f32 v6, v17;
	v12 =	vadd.f32 v17, v12;
	v21 =	vmax.f32 v21, v29  }
0xe4: {  	v4 =	vadd.f32 v30, v4;
	v2 =	vadd.f32 v29, v2;
	v39 =	vpop (erf)  }
0xe5: {  	v19 =	vmul.f32 v39, v19;
	v27 =	vmul.f32 v39, v27;
	v40 =	vpop (erf)  }
0xe6: {  	v23 =	vadd.f32 v35, v23;
	v26 =	vmul.f32 v39, v26;
	v41 =	vmul.f32 v40, v35  }
0xe7: {  	v22 =	vmul.f32 v39, v22;
	v28 =	vmax.f32 v28, v36;
	v34 =	vmul.f32 v40, v34  }
0xe8: {  	v35 =	vsub.f32 v37, v28;
	v36 =	vsub.f32 v36, v28;
	v37 =	vmul.f32 v40, v32  }
0xe9: {  	v25 =	vmul.f32 v39, v25;
	v33 =	vmul.f32 v40, v33;
	v19 =	vadd.f32 v19, v40;
	v42 =	vld [tilespmem:s12+$0x0]  }
0xea: {  	v26 =	vadd.f32 v34, v26;
	v35 =	vmul.f32 $1.442695020e+00, v35;
	v36 =	vmul.f32 $1.442695020e+00, v36;
	v32 =	vld [tilespmem:s12+$0xFFFFFFE0]  }
0xeb: {  	v16 =	vmul.f32 v39, v16;
	v43 =	vmul.f32 v40, v31;
	v25 =	vadd.f32 v33, v25;
	v34 =	vld [tilespmem:s12+$0xFFFFFFD0]  }
0xec: {  	v20 =	vmul.f32 v39, v20;
	v22 =	vadd.f32 v37, v22;
	v33 =	vld [tilespmem:s12+$0xFFFFFFF0];
	(erf) = vpow2.f32 v35  }
.Ltmp12:
0xed: {  	v16 =	vadd.f32 v43, v16;
	v35 =	vld [tilespmem:s12+$0xFFFFFFC0];
	(erf) = vpow2.f32 v36;
	v36 =	vmul.f32 v17, v40;
	v17 =	vmovc v38;
	(pc) =	sbr.rel @p1 .LBB2_11-.Ltmp12, $4  }
0xee: {  	v24 =	vmul.f32 v39, v24;
	v27 =	vadd.f32 v41, v27;
	v37 =	vmul.f32 v30, v40;
	v30 =	vld [tilespmem:s12+$0x20];
	v31 =	vmovc v42  }
0xef: {  	v18 =	vmul.f32 v39, v18;
	v20 =	vadd.f32 v36, v20;
	v36 =	vmul.f32 v29, v40;
	v29 =	vld [tilespmem:s12+$0x30]  }
0xf0: {  	v24 =	vadd.f32 v37, v24;
	v8 =	vmax.f32 v8, v32;
	v10 =	vmax.f32 v10, v34  }
0xf1: {  	s22 =	sadd.s32 $0x1, s22;
	v9 =	vmax.f32 v9, v31;
	s12 =	sadd.s32 $0x80, s12;
	v5 =	vmax.f32 v5, v33;
	v18 =	vadd.f32 v36, v18  }
.LBB2_12:
0xf2: {  	_ =	sdelay $0x2  }
0xf3: {  	v15 =	vmax.f32 v15, v35;
	v6 =	vmax.f32 v6, v17;
	v36 =	vpop (erf)  }
0xf4: {  	v14 =	vadd.f32 v32, v14;
	v13 =	vadd.f32 v33, v13;
	v19 =	vmul.f32 v36, v19  }
0xf5: {  	v11 =	vadd.f32 v34, v11;
	v27 =	vmul.f32 v36, v27;
	v26 =	vmul.f32 v36, v26  }
0xf6: {  	v7 =	vadd.f32 v31, v7;
	v22 =	vmul.f32 v36, v22;
	v25 =	vmul.f32 v36, v25  }
0xf7: {  	v12 =	vadd.f32 v17, v12;
	v16 =	vmul.f32 v36, v16;
	v20 =	vmul.f32 v36, v20  }
0xf8: {  	v23 =	vadd.f32 v35, v23;
	v37 =	vpop (erf);
	v24 =	vmul.f32 v36, v24;
	v18 =	vmul.f32 v36, v18  }
0xf9: {  	v4 =	vadd.f32 v30, v4;
	v56 =	vmul.f32 v37, v35;
	v57 =	vmul.f32 v37, v34  }
0xfa: {  	v2 =	vadd.f32 v29, v2;
	v58 =	vmul.f32 v37, v32;
	v59 =	vmul.f32 v37, v33  }
0xfb: {  	v60 =	vmul.f32 v37, v31;
	v61 =	vmul.f32 v17, v37;
	v19 =	vadd.f32 v19, v37  }
0xfc: {  	v62 =	vmul.f32 v30, v37;
	v26 =	vadd.f32 v57, v26;
	v25 =	vadd.f32 v59, v25  }
0xfd: {  	v63 =	vmul.f32 v29, v37;
	v22 =	vadd.f32 v58, v22;
	v16 =	vadd.f32 v60, v16  }
0xfe: {  	v3 =	vmax.f32 v3, v30;
	v27 =	vadd.f32 v56, v27;
	v20 =	vadd.f32 v61, v20  }
0xff: {  	v21 =	vmax.f32 v21, v29;
	v17 =	vmovc v28;
	v24 =	vadd.f32 v62, v24;
	v18 =	vadd.f32 v63, v18  }
.LBB2_13:
0x100: {  	s8 =	sshra.s32 s8, $0x1  }
0x101: {  	p1 =	slt.s32 s8, $0x1  }
.Ltmp13:
0x102: {  	_ = 	snop;
	(pc) =	sbr.rel @p1 .LBB2_17-.Ltmp13, $1  }
0x103: {  	_ =	sdelay $0x3  }
0x104: {  	p1 =	slt.s32 s30, s20;
	s10 =	smov.u32 s20  }
0x105: {  	s10 =	smov.u32 @p1 s30  }
0x106: {  	s10 =	ssub.s32 s10, s19  }
0x107: {  	s5 =	sshll.u32 s5, $0x10;
	s11 =	sshll.u32 s19, $0x9;
	s10 =	sand.u32 $0x1, s10  }
0x108: {  	s5 =	sadd.s32 s11, s5;
	s9 =	sadd.s32 s10, s9;
	s10 =	sshll.u32 s10, $0x9  }
0x109: {  	s12 =	sshll.u32 s6, $0x9;
	s5 =	sadd.s32 s10, s5  }
0x10a: {  	s9 =	ssub.s32 s9, s6;
	s5 =	ssub.s32 s5, s12  }
0x10b: {  	s9 =	sshll.u32 s9, $0x2;
	s5 =	sshra.s32 s5, $0x2  }
0x10c: {  	s19 =	sshra.s32 s9, $0x2;
	s5 =	sadd.s32 $0x80, s5  }
0x10d: {  	s9 =	sadd.s32 $0x8080, s19;
	v30 =	vmov s5  }
0x10e: {  	v34 =	vld.msk [tilespmem:s9+$0x0 ss:$0x0], $0xffff;
	_ =	sdelay $0x2  }
0x10f: {  	s22 =	simm.s32 $0x40;
	v35 =	vld.msk [tilespmem:s9+$0x1 ss:$0x0], $0xffff  }
0x110: {  	v33 =	vld.idx.msk [tilespmem:v30+s22+$0xA0 ss:$0x1], $0xffff  }
0x111: {  	v37 =	vmax.f32 v17, v34;
	v31 =	vld.idx.msk [tilespmem:v30+s22+$0x80 ss:$0x1], $0xffff  }
0x112: {  	v28 =	vld.idx.msk [tilespmem:v30+s22+$0xFFFFFFC0 ss:$0x1], $0xffff;
	v17 =	vsub.f32 v17, v37  }
0x113: {  	v29 =	vld.idx.msk [tilespmem:v30+s22+$0x10 ss:$0x1], $0xffff  }
0x114: {  	v32 =	vld.idx.msk [tilespmem:v30+s22+$0x20 ss:$0x1], $0xffff;
	v36 =	vmul.f32 $1.442695020e+00, v17;
	v17 =	vmax.f32 v37, v35  }
0x115: {  	v46 =	vld.idx.msk [tilespmem:v30+s22+$0xFFFFFFE0 ss:$0x1], $0xffff;
	v34 =	vsub.f32 v34, v37;
	v35 =	vsub.f32 v35, v17  }
0x116: {  	v48 =	vld.idx.msk [tilespmem:v30+s22+$0x0 ss:$0x1], $0xffff;
	v38 =	vsub.f32 v37, v17;
	(erf) = vpow2.f32 v36  }
0x117: {  	v49 =	vld.idx.msk [tilespmem:v30+s22+$0xFFFFFFD0 ss:$0x1], $0xffff;
	v40 =	vmul.f32 $1.442695020e+00, v34;
	v15 =	vmax.f32 v15, v28;
	v39 =	vmul.f32 $1.442695020e+00, v35  }
0x118: {  	v34 =	vld.idx.msk [tilespmem:v30+s22+$0x30 ss:$0x1], $0xffff;
	v23 =	vadd.f32 v28, v23;
	v6 =	vmax.f32 v6, v29;
	v38 =	vmul.f32 $1.442695020e+00, v38  }
0x119: {  	v36 =	vld.idx.msk [tilespmem:v30+s22+$0x90 ss:$0x1], $0xffff;
	v4 =	vadd.f32 v32, v4;
	v12 =	vadd.f32 v29, v12;
	(erf) = vpow2.f32 v39  }
0x11a: {  	v3 =	vmax.f32 v3, v32;
	v8 =	vmax.f32 v8, v46;
	v35 =	vld.idx.msk [tilespmem:v30+s22+$0x60 ss:$0x1], $0xffff;
	(erf) = vpow2.f32 v38  }
0x11b: {  	v14 =	vadd.f32 v46, v14;
	v7 =	vadd.f32 v48, v7;
	v39 =	vld.idx.msk [tilespmem:v30+s22+$0xFFFFFFF0 ss:$0x1], $0xffff;
	(erf) = vpow2.f32 v40  }
0x11c: {  	v37 =	vld.idx.msk [tilespmem:v30+s22+$0x70 ss:$0x1], $0xffff;
	v9 =	vmax.f32 v9, v48;
	v10 =	vmax.f32 v10, v49;
	v11 =	vadd.f32 v49, v11  }
0x11d: {  	v3 =	vmax.f32 v3, v33;
	v9 =	vmax.f32 v9, v31;
	v4 =	vadd.f32 v33, v4;
	v38 =	vld.idx.msk [tilespmem:v30+s22+$0xB0 ss:$0x1], $0xffff  }
0x11e: {  	v7 =	vadd.f32 v31, v7;
	v41 =	vmax.f32 v21, v34;
	v2 =	vadd.f32 v34, v2;
	v40 =	vld.idx.msk [tilespmem:v30+s22+$0x40 ss:$0x1], $0xffff  }
0x11f: {  	v6 =	vmax.f32 v6, v36;
	v12 =	vadd.f32 v36, v12;
	v8 =	vmax.f32 v8, v35;
	v44 =	vpop (erf)  }
0x120: {  	v14 =	vadd.f32 v35, v14;
	v5 =	vmax.f32 v5, v39;
	v42 =	vmul.f32 v44, v25;
	v25 =	vld.idx.msk [tilespmem:v30+s22+$0x50 ss:$0x1], $0xffff  }
0x121: {  	p1 =	sne.s32 s8, $0x1;
	v13 =	vadd.f32 v39, v13;
	v5 =	vmax.f32 v5, v37;
	v47 =	vmul.f32 v44, v19  }
.Ltmp14:
0x122: {  	v2 =	vadd.f32 v38, v2;
	v19 =	vmul.f32 v44, v26;
	v45 =	vmul.f32 v44, v24;
	v43 =	vpop (erf);
	(pc) =	sbr.rel @!p1 .LBB2_16-.Ltmp14, $4  }
0x123: {  	v15 =	vmax.f32 v15, v40;
	v24 =	vmul.f32 v44, v18;
	v18 =	vmul.f32 v44, v27;
	v21 =	vpop (erf)  }
0x124: {  	v13 =	vadd.f32 v37, v13;
	v22 =	vmul.f32 v44, v22;
	v20 =	vmul.f32 v44, v20;
	v26 =	vpop (erf)  }
0x125: {  	v10 =	vmax.f32 v10, v25;
	v11 =	vadd.f32 v25, v11;
	v27 =	vmul.f32 v26, v46  }
0x126: {  	s6 =	sadd.s32 $0xFFFFFFFF, s8;
	s5 =	simm.s32 $0x100;
	s8 =	sadd.s32 $0x2, s9;
	v47 =	vadd.f32 v47, v26;
	v46 =	vmul.f32 v26, v48;
	v48 =	vmul.f32 v26, v49  }
.LBB2_15:
0x127: {  	v49 =	vld.msk [tilespmem:s8+$0x0 ss:$0x0], $0xffff;
	p1 =	sne.s32 s6, $0x1;
	s6 =	sadd.s32 $0xFFFFFFFF, s6;
	v23 =	vadd.f32 v40, v23;
	v50 =	vmul.f32 v33, v43;
	v51 =	vmul.f32 v38, v43;
	s5 =	sadd.s32 $0x400, s5  }
0x128: {  	v19 =	vadd.f32 v48, v19;
	v16 =	vmul.f32 v44, v16;
	v33 =	vmul.f32 v21, v47;
	v52 =	vld.msk [tilespmem:s8+$0x1 ss:$0x0], $0xffff  }
0x129: {  	v39 =	vmul.f32 v26, v39;
	v41 =	vmax.f32 v41, v38;
	v47 =	vmul.f32 v36, v43  }
0x12a: {  	v48 =	vmul.f32 v43, v40;
	v16 =	vadd.f32 v46, v16;
	v46 =	vadd.f32 v33, v43  }
0x12b: {  	v32 =	vmul.f32 v32, v26;
	v53 =	vmul.f32 v43, v31;
	v38 =	vadd.f32 v39, v42  }
0x12c: {  	v35 =	vmul.f32 v43, v35;
	v37 =	vmul.f32 v43, v37;
	s9 =	sshra.s32 s5, $0x2  }
0x12d: {  	v22 =	vadd.f32 v27, v22;
	v27 =	vadd.f32 v32, v45;
	v36 =	vmax.f32 v17, v49;
	v33 =	vld.idx.msk [tilespmem:v30+s9+$0xA0 ss:$0x1], $0xffff  }
0x12e: {  	v25 =	vmul.f32 v43, v25;
	v32 =	vsub.f32 v17, v36;
	v17 =	vmax.f32 v36, v52;
	v31 =	vld.idx.msk [tilespmem:v30+s9+$0x80 ss:$0x1], $0xffff  }
0x12f: {  	v42 =	vmul.f32 v29, v26;
	v22 =	vmul.f32 v21, v22;
	v40 =	vsub.f32 v36, v17;
	v39 =	vld.idx.msk [tilespmem:v30+s9+$0xFFFFFFC0 ss:$0x1], $0xffff  }
0x130: {  	v34 =	vmul.f32 v34, v26;
	v44 =	vsub.f32 v52, v17;
	v43 =	vmul.f32 $1.442695020e+00, v32;
	v29 =	vld.idx.msk [tilespmem:v30+s9+$0x10 ss:$0x1], $0xffff  }
0x131: {  	v19 =	vmul.f32 v21, v19;
	v45 =	vsub.f32 v49, v36;
	v40 =	vmul.f32 $1.442695020e+00, v40;
	v32 =	vld.idx.msk [tilespmem:v30+s9+$0x20 ss:$0x1], $0xffff  }
0x132: {  	v22 =	vadd.f32 v35, v22;
	v38 =	vmul.f32 v21, v38;
	v36 =	vld.idx.msk [tilespmem:v30+s9+$0x90 ss:$0x1], $0xffff;
	(erf) = vpow2.f32 v43  }
0x133: {  	v24 =	vadd.f32 v34, v24;
	v20 =	vadd.f32 v42, v20;
	v43 =	vmul.f32 $1.442695020e+00, v44;
	v49 =	vld.idx.msk [tilespmem:v30+s9+$0xFFFFFFE0 ss:$0x1], $0xffff  }
0x134: {  	v26 =	vmul.f32 v26, v28;
	v19 =	vadd.f32 v25, v19;
	v25 =	vadd.f32 v37, v38;
	v35 =	vld.idx.msk [tilespmem:v30+s9+$0x60 ss:$0x1], $0xffff  }
0x135: {  	v42 =	vmul.f32 $1.442695020e+00, v45;
	v15 =	vmax.f32 v15, v39;
	v23 =	vadd.f32 v39, v23;
	v28 =	vmovc v39  }
0x136: {  	v6 =	vmax.f32 v6, v29;
	v12 =	vadd.f32 v29, v12;
	v38 =	vld.idx.msk [tilespmem:v30+s9+$0xB0 ss:$0x1], $0xffff;
	(erf) = vpow2.f32 v43  }
0x137: {  	v18 =	vadd.f32 v26, v18;
	v4 =	vadd.f32 v32, v4;
	v37 =	vld.idx.msk [tilespmem:v30+s9+$0x70 ss:$0x1], $0xffff;
	(erf) = vpow2.f32 v40  }
0x138: {  	v20 =	vmul.f32 v21, v20;
	v3 =	vmax.f32 v3, v32;
	v6 =	vmax.f32 v6, v36;
	v34 =	vld.idx.msk [tilespmem:v30+s9+$0x30 ss:$0x1], $0xffff  }
0x139: {  	v24 =	vmul.f32 v21, v24;
	v8 =	vmax.f32 v8, v49;
	v4 =	vadd.f32 v33, v4;
	v39 =	vld.idx.msk [tilespmem:v30+s9+$0xFFFFFFF0 ss:$0x1], $0xffff  }
0x13a: {  	v16 =	vmul.f32 v21, v16;
	v3 =	vmax.f32 v3, v33;
	v8 =	vmax.f32 v8, v35;
	v52 =	vld.idx.msk [tilespmem:v30+s9+$0x0 ss:$0x1], $0xffff  }
0x13b: {  	v26 =	vmul.f32 v21, v27;
	v12 =	vadd.f32 v36, v12;
	v40 =	vld.idx.msk [tilespmem:v30+s9+$0x40 ss:$0x1], $0xffff;
	v44 =	vpop (erf);
	(erf) = vpow2.f32 v42  }
0x13c: {  	v18 =	vmul.f32 v21, v18;
	v14 =	vadd.f32 v49, v14;
	v46 =	vmul.f32 v44, v46;
	v54 =	vld.idx.msk [tilespmem:v30+s9+$0xFFFFFFD0 ss:$0x1], $0xffff  }
0x13d: {  	v16 =	vadd.f32 v53, v16;
	v24 =	vadd.f32 v51, v24;
	v42 =	vmul.f32 v44, v25;
	v25 =	vld.idx.msk [tilespmem:v30+s9+$0x50 ss:$0x1], $0xffff  }
0x13e: {  	v26 =	vadd.f32 v50, v26;
	v19 =	vmul.f32 v44, v19;
	v41 =	vmax.f32 v41, v34  }
0x13f: {  	v20 =	vadd.f32 v47, v20;
	v5 =	vmax.f32 v5, v39;
	v13 =	vadd.f32 v39, v13;
	v43 =	vpop (erf)  }
0x140: {  	v45 =	vmul.f32 v44, v26;
	v7 =	vadd.f32 v52, v7;
	v5 =	vmax.f32 v5, v37;
	v21 =	vpop (erf)  }
0x141: {  	v18 =	vadd.f32 v48, v18;
	v9 =	vmax.f32 v9, v52;
	v15 =	vmax.f32 v15, v40  }
0x142: {  	v10 =	vmax.f32 v10, v54;
	v11 =	vadd.f32 v54, v11;
	v7 =	vadd.f32 v31, v7  }
.Ltmp15:
0x143: {  	v14 =	vadd.f32 v35, v14;
	v9 =	vmax.f32 v9, v31;
	v10 =	vmax.f32 v10, v25;
	(pc) =	sbr.rel @p1 .LBB2_15-.Ltmp15, $4  }
0x144: {  	v24 =	vmul.f32 v44, v24;
	v13 =	vadd.f32 v37, v13;
	v11 =	vadd.f32 v25, v11;
	v26 =	vpop (erf)  }
0x145: {  	v18 =	vmul.f32 v44, v18;
	v2 =	vadd.f32 v34, v2;
	v27 =	vmul.f32 v26, v49  }
0x146: {  	v22 =	vmul.f32 v44, v22;
	v47 =	vadd.f32 v46, v26;
	v46 =	vmul.f32 v26, v52  }
0x147: {  	s8 =	sadd.s32 $0x2, s8;
	v20 =	vmul.f32 v44, v20;
	v2 =	vadd.f32 v38, v2;
	v48 =	vmul.f32 v26, v54  }
.Ltmp16:
0x148: {  	_ = 	snop;
	(pc) =	sbr.rel .LBB2_16-.Ltmp16, $1  }
0x149: {  	_ =	sdelay $0x3  }
.LBB2_20:
0x14a: {  	_ =	sfence.sel $0x180000  }
0x14b: {  	[bflag:$0x0] =	sbarrier.arrive $0xFFFF  }
0x14c: {  	_ =	strace $0x90000047  }
0x14d: {  	s0 =	stileid.u32;
	[bflag:$0x2] =	sbarrier.arrive $0xFFFF  }
0x14e: {  	p0 =	sne.s32 s0, $0x0;
	s0 =	rddreg [dreg:$0x3]  }
0x14f: {  	s0 =	sadd.s32 @!p0 $0x100000, s0  }
0x150: {  	[sflag:s0] =	ssyncadd.tile.s32 @!p0 $0x1;
	_ =	shalt  }
.Lfunc_end2:
_tile_overlayer_lowered:
.L_overlay_start_2:
0x151: {  	(tag) =	ssettag $0x2  }
0x152: {  	s0 =	rddreg [dreg:$0x0];
	s2 =	stileid.u32  }
0x153: {  	s1 =	rddreg [dreg:$0x1];
	p0 =	sne.s32 s2, $0x0  }
0x154: {  	s3 =	rddreg [dreg:$0x2];
	[bflag:$0x3] =	sbarrier.arrive $0xFFFF;
	s2 =	simm.s32 @!p0 $0x1C05  }
0x155: {  	[timem:s3], [sflag:s2] =	dma.local @!p0 [hbm:s0], s1  }
0x156: {  	s0 =	simm.s32 @!p0 $0x5  }
0x157: {  	_ =	swait.ge @!p0 [sflag:s0], s1  }
0x158: {  	s1 =	ssub.s32 @!p0 $0x0, s1;
	[sflag:s0] =	ssyncset.done @!p0 $0x0  }
0x159: {  	[sflag:s0] =	ssyncadd.s32 @!p0 s1  }
0x15a: {  	[bflag:$0x3] =	sbarrier.arrive $0xFFFF  }
0x15b: {  	_ =	shalt  }

</sc_bundles>
